<compile_context>
chip_gen: v7x
topology: tpu7x:2x2x1
jax: 0.10.2.dev20260603
libtpu: 0.0.44.dev20260713+nightly
codegen_flags: <defaults>
</compile_context>

<pallas_src>
import functools

import jax
import jax.numpy as jnp
from jax import lax
from jax.experimental import pallas as pl
from jax.experimental.pallas import tpu as pltpu
from jax.experimental.pallas import tpu_sc as plsc

_N = 10000
_NP = 10240
_E = 320000
_NC = 2
_NS = 16
_NW = _NC * _NS
_B = 128
_EPW = 10240
_EP = _EPW * _NW
_CH = _EPW // _B
_CHP = _CH + 2
_RPT = _NP // _NS


def _mesh():
    return plsc.VectorSubcoreMesh(
        core_axis_name="c", subcore_axis_name="s",
        num_cores=_NC, num_subcores=_NS)


@functools.lru_cache(maxsize=None)
def _build_deg_sc():
    @functools.partial(
        pl.kernel,
        out_type=jax.ShapeDtypeStruct((_NC, 2, _NP, 16), jnp.float32),
        mesh=_mesh(),
        compiler_params=pltpu.CompilerParams(use_tc_tiling_on_sc=False),
        scratch_types=[
            pltpu.VMEM((_CHP, _B), jnp.int32),
            pltpu.VMEM((_CHP, _B), jnp.int32),
            pltpu.VMEM((_B, 16), jnp.float32),
            pltpu.VMEM_SHARED((_NP, 16), jnp.float32),
            pltpu.VMEM_SHARED((_NP, 16), jnp.float32),
            pltpu.SemaphoreType.DMA,
            pltpu.SemaphoreType.DMA,
        ],
    )
    def _deg(src_hbm, dst_hbm, ones_hbm, z_hbm, out_hbm,
             src_v, dst_v, ones_v, dsrc_sh, ddst_sh, sem0, sem1):
        cid = lax.axis_index("c")
        sid = lax.axis_index("s")
        wid = cid * _NS + sid
        pltpu.sync_copy(z_hbm.at[pl.ds(sid * _RPT, _RPT)],
                        dsrc_sh.at[pl.ds(sid * _RPT, _RPT)])
        pltpu.sync_copy(z_hbm.at[pl.ds(sid * _RPT, _RPT)],
                        ddst_sh.at[pl.ds(sid * _RPT, _RPT)])
        pltpu.sync_copy(src_hbm.at[pl.ds(wid * _CHP, _CHP)], src_v)
        pltpu.sync_copy(dst_hbm.at[pl.ds(wid * _CHP, _CHP)], dst_v)
        pltpu.sync_copy(ones_hbm, ones_v)
        plsc.subcore_barrier()

        def body(j, carry):
            pltpu.async_copy(ones_v, dsrc_sh.at[src_v.at[j]], sem0,
                             add=True)
            pltpu.async_copy(ones_v, ddst_sh.at[dst_v.at[j]], sem1,
                             add=True)
            return carry

        lax.fori_loop(0, _CH, body, 0)

        def drain(j, carry):
            pltpu.make_async_copy(ones_v, dsrc_sh.at[src_v.at[j]],
                                  sem0).wait()
            pltpu.make_async_copy(ones_v, ddst_sh.at[dst_v.at[j]],
                                  sem1).wait()
            return carry

        lax.fori_loop(0, _CH, drain, 0)
        plsc.subcore_barrier()
        pltpu.sync_copy(dsrc_sh.at[pl.ds(sid * _RPT, _RPT)],
                        out_hbm.at[cid, 0, pl.ds(sid * _RPT, _RPT)])
        pltpu.sync_copy(ddst_sh.at[pl.ds(sid * _RPT, _RPT)],
                        out_hbm.at[cid, 1, pl.ds(sid * _RPT, _RPT)])

    return _deg


def _deg_sc(src2d, dst2d, ones_rows, z16):
    return _build_deg_sc()(src2d, dst2d, ones_rows, z16)


def _conv_pass_impl(table_hbm, out_hbm, src_v, dst_v, rows, gsem,
                    table_sh, agg_sh, z_hbm, cid, sid):
    pltpu.sync_copy(table_hbm.at[pl.ds(sid * _RPT, _RPT)],
                    table_sh.at[pl.ds(sid * _RPT, _RPT)])
    pltpu.sync_copy(z_hbm.at[pl.ds(sid * _RPT, _RPT)],
                    agg_sh.at[pl.ds(sid * _RPT, _RPT)])
    plsc.subcore_barrier()

    rows0, rows1 = rows[0], rows[1]
    gsem0, gsem1 = gsem[0], gsem[1]
    pltpu.async_copy(table_sh.at[src_v.at[0]], rows0, gsem0)

    def body(i, carry):
        j0 = 2 * i
        pltpu.async_copy(table_sh.at[src_v.at[j0 + 1]], rows1, gsem1)
        pltpu.make_async_copy(table_sh.at[src_v.at[j0]],
                              rows0, gsem0).wait()
        pltpu.sync_copy(rows0, agg_sh.at[dst_v.at[j0]], add=True)
        pltpu.async_copy(table_sh.at[src_v.at[j0 + 2]], rows0, gsem0)
        pltpu.make_async_copy(table_sh.at[src_v.at[j0 + 1]],
                              rows1, gsem1).wait()
        pltpu.sync_copy(rows1, agg_sh.at[dst_v.at[j0 + 1]], add=True)
        return carry

    lax.fori_loop(0, _CH // 2, body, 0)
    pltpu.make_async_copy(table_sh.at[src_v.at[_CH]],
                          rows0, gsem0).wait()
    plsc.subcore_barrier()
    pltpu.sync_copy(agg_sh.at[pl.ds(sid * _RPT, _RPT)],
                    out_hbm.at[cid, pl.ds(sid * _RPT, _RPT)])


_CONV_SCRATCH = [
    pltpu.VMEM((_CHP, _B), jnp.int32),
    pltpu.VMEM((_CHP, _B), jnp.int32),
    pltpu.VMEM((_B, 64), jnp.float32),
    pltpu.VMEM((_B, 64), jnp.float32),
    pltpu.VMEM_SHARED((_NP, 64), jnp.float32),
    pltpu.VMEM_SHARED((_NP, 64), jnp.float32),
    pltpu.SemaphoreType.DMA,
    pltpu.SemaphoreType.DMA,
]


@functools.lru_cache(maxsize=None)
def _build_conv_sc():
    @functools.partial(
        pl.kernel,
        out_type=jax.ShapeDtypeStruct((_NC, _NP, 64), jnp.float32),
        mesh=_mesh(),
        compiler_params=pltpu.CompilerParams(use_tc_tiling_on_sc=False),
        scratch_types=_CONV_SCRATCH,
    )
    def _conv(table_hbm, src_hbm, dst_hbm, z_hbm, out_hbm,
              src_v, dst_v, r0, r1, table_sh, agg_sh, g0, g1):
        cid = lax.axis_index("c")
        sid = lax.axis_index("s")
        wid = cid * _NS + sid
        pltpu.sync_copy(src_hbm.at[pl.ds(wid * _CHP, _CHP)], src_v)
        pltpu.sync_copy(dst_hbm.at[pl.ds(wid * _CHP, _CHP)], dst_v)
        _conv_pass_impl(table_hbm, out_hbm, src_v, dst_v, (r0, r1),
                        (g0, g1), table_sh, agg_sh, z_hbm, cid, sid)

    return _conv


@functools.lru_cache(maxsize=None)
def _build_conv2_sc():
    @functools.partial(
        pl.kernel,
        out_type=(jax.ShapeDtypeStruct((_NC, _NP, 64), jnp.float32),
                  jax.ShapeDtypeStruct((_NC, _NP, 64), jnp.float32)),
        mesh=_mesh(),
        compiler_params=pltpu.CompilerParams(use_tc_tiling_on_sc=False),
        scratch_types=_CONV_SCRATCH,
    )
    def _conv2(ta_hbm, tb_hbm, src_hbm, dst_hbm, z_hbm, outa_hbm, outb_hbm,
               src_v, dst_v, r0, r1, table_sh, agg_sh, g0, g1):
        cid = lax.axis_index("c")
        sid = lax.axis_index("s")
        wid = cid * _NS + sid
        pltpu.sync_copy(src_hbm.at[pl.ds(wid * _CHP, _CHP)], src_v)
        pltpu.sync_copy(dst_hbm.at[pl.ds(wid * _CHP, _CHP)], dst_v)
        _conv_pass_impl(ta_hbm, outa_hbm, src_v, dst_v, (r0, r1),
                        (g0, g1), table_sh, agg_sh, z_hbm, cid, sid)
        plsc.subcore_barrier()
        _conv_pass_impl(tb_hbm, outb_hbm, src_v, dst_v, (r0, r1),
                        (g0, g1), table_sh, agg_sh, z_hbm, cid, sid)

    return _conv2


def _conv_sc64(table, src2d, dst2d, z):
    return _build_conv_sc()(table, src2d, dst2d, z)


def _conv2_sc64(ta, tb, src2d, dst2d, z):
    return _build_conv2_sc()(ta, tb, src2d, dst2d, z)


def _lrelu(x):
    return jnp.where(x > 0, x, 0.01 * x)


def _bn(x, g, b, eps=1e-5):
    m = jnp.mean(x, axis=0, keepdims=True)
    v = jnp.mean((x - m) * (x - m), axis=0, keepdims=True)
    return g * (x - m) * lax.rsqrt(v + eps) + b


def _store_padded(ref, val):
    ref[: _N] = val
    ref[_N:] = jnp.zeros((_NP - _N, val.shape[1]), jnp.float32)


def _tc_a0(nf, w1, u_ref):
    u_ref[...] = jnp.dot(nf[...], w1[...],
                         preferred_element_type=jnp.float32)


def _tc_a(u, degs, t1_ref, nsrc_ref, ndst_ref):
    ds = degs[0, 0, : _N, 0:1] + degs[1, 0, : _N, 0:1]
    dd = degs[0, 1, : _N, 0:1] + degs[1, 1, : _N, 0:1]
    ns = lax.rsqrt(jnp.maximum(ds, 1.0))
    nd = lax.rsqrt(jnp.maximum(dd, 1.0))
    nsrc_ref[...] = ns
    ndst_ref[...] = nd
    _store_padded(t1_ref, u[...] * ns)


def _tc_b(a, nd, b1, g1, be1, w2, ns, t2_ref):
    x = (a[0, : _N] + a[1, : _N]) * nd[...] + b1[...]
    h = _lrelu(_bn(x, g1[...], be1[...]))
    _store_padded(t2_ref, jnp.dot(h, w2[...],
                                  preferred_element_type=jnp.float32) * ns[...])


def _tc_c(a, nd, b2, g2, be2, wn1, wg1a, wg1b, nt, ns, t3_ref, tg_ref):
    x = (a[0, : _N] + a[1, : _N]) * nd[...] + b2[...]
    h = _lrelu(_bn(x, g2[...], be2[...]))
    _store_padded(t3_ref, jnp.dot(h, wn1[...],
                                  preferred_element_type=jnp.float32) * ns[...])
    _store_padded(tg_ref,
                  (jnp.dot(h, wg1a[...], preferred_element_type=jnp.float32)
                   + nt[...] * wg1b[...]) * ns[...])


def _tc_d(a, g, nd, bn1, bg1, wn2, ns, t4_ref, gmean_ref):
    hn = _lrelu((a[0, : _N] + a[1, : _N]) * nd[...] + bn1[...])
    _store_padded(t4_ref, jnp.dot(hn, wn2[...],
                                  preferred_element_type=jnp.float32) * ns[...])
    hg = _lrelu((g[0, : _N] + g[1, : _N]) * nd[...] + bg1[...])
    gmean_ref[...] = jnp.mean(hg, axis=0, keepdims=True)


def _tc_e(a, nd, bn2, wnc, bnc, gmean, wgc, bgc, nout_ref, gout_ref):
    hn = _lrelu((a[0, : _N] + a[1, : _N]) * nd[...] + bn2[...])
    nout_ref[...] = jnp.dot(hn, wnc[...],
                            preferred_element_type=jnp.float32) + bnc[...]
    gout_ref[...] = jnp.dot(gmean[...], wgc[...],
                            preferred_element_type=jnp.float32) + bgc[...]


def _call(fn, out_shapes, *args):
    return pl.pallas_call(
        fn, out_shape=[jax.ShapeDtypeStruct(s, jnp.float32)
                       for s in out_shapes])(*args)


def kernel(node_feat, nodetype, edge_feat, edge_index,
           W1, b1, g1, be1, W2, b2, g2, be2, We, bE,
           Wn1, bn1, Wn2, bn2, Wnc, bnc, Wg1, bg1, Wgc, bgc):
    f32 = jnp.float32
    src = edge_index[0]
    dst = edge_index[1]
    pad = jnp.full((_EP - _E,), _N, jnp.int32)
    extra = jnp.full((_NW, (_CHP - _CH) * _B), _N, jnp.int32)

    def _chunked(idx):
        w = jnp.concatenate([idx, pad]).reshape(_NW, _CH * _B)
        return jnp.concatenate([w, extra], axis=1).reshape(_NW * _CHP, _B)

    src2d = _chunked(src)
    dst2d = _chunked(dst)
    z16 = jnp.zeros((_NP, 16), f32)
    z64 = jnp.zeros((_NP, 64), f32)
    ones_rows = jnp.ones((_B, 16), f32)

    degs = _deg_sc(src2d, dst2d, ones_rows, z16)
    (u1,) = _call(_tc_a0, [(_N, 64)], node_feat, W1)
    t1, nsrc, ndst = _call(_tc_a, [(_NP, 64), (_N, 1), (_N, 1)], u1, degs)

    a = _conv_sc64(t1, src2d, dst2d, z64)
    (t2,) = _call(_tc_b, [(_NP, 64)],
                  a, ndst, b1[None, :], g1[None, :],
                  be1[None, :], W2, nsrc)

    a = _conv_sc64(t2, src2d, dst2d, z64)
    t3, tg = _call(_tc_c, [(_NP, 64), (_NP, 64)],
                   a, ndst, b2[None, :], g2[None, :],
                   be2[None, :], Wn1, Wg1[:64], Wg1[64:65],
                   nodetype[:, None], nsrc)

    a, ag = _conv2_sc64(t3, tg, src2d, dst2d, z64)
    t4, gmean = _call(_tc_d, [(_NP, 64), (1, 64)],
                      a, ag, ndst,
                      bn1[None, :], bg1[None, :], Wn2, nsrc)

    a = _conv_sc64(t4, src2d, dst2d, z64)
    node_out, graph_out = _call(_tc_e, [(_N, 16), (1, 8)],
                                a, ndst, bn2[None, :],
                                Wnc, bnc[None, :], gmean, Wgc, bgc[None, :])
    return node_out, graph_out

# --- scband reference (transcript-rebuilt; emitter-appended) ---
"""Pipeline reference for scband-dual-gnn-77309411328099 (READ-ONLY COPY).

The authoritative reference and input builder live on the scoring server;
editing this copy changes nothing except your own understanding.
"""

import jax, jax.numpy as jnp
import numpy as np

N = 10000
E = 320000
DIN = 128
H = 64
NCLS_NODE = 16
NCLS_GRAPH = 8
DE = 6


def setup_inputs(seed: int = 0) -> dict:
    key = jax.random.key(seed)
    ks = jax.random.split(key, 32)
    def p(k, shape, scale=0.05):
        return jax.random.normal(k, shape, dtype=jnp.float32) * scale
    inp = {}
    inp["node_feat"] = jax.random.normal(ks[0], (N, DIN), dtype=jnp.float32)
    inp["nodetype"] = jax.random.uniform(ks[1], (N,), dtype=jnp.float32)
    inp["edge_feat"] = jax.random.normal(ks[2], (E, DE), dtype=jnp.float32)
    inp["edge_index"] = jax.random.randint(ks[3], (2, E), 0, N, dtype=jnp.int32)
    # conv1
    inp["W1"] = p(ks[4], (DIN, H)); inp["b1"] = jnp.zeros((H,), jnp.float32)
    inp["g1"] = jnp.ones((H,), jnp.float32); inp["be1"] = jnp.zeros((H,), jnp.float32)
    # conv2
    inp["W2"] = p(ks[5], (H, H)); inp["b2"] = jnp.zeros((H,), jnp.float32)
    inp["g2"] = jnp.ones((H,), jnp.float32); inp["be2"] = jnp.zeros((H,), jnp.float32)
    # linear_edge
    inp["We"] = p(ks[6], (DE, H)); inp["bE"] = jnp.zeros((H,), jnp.float32)
    # convnode1/2
    inp["Wn1"] = p(ks[7], (H, H)); inp["bn1"] = jnp.zeros((H,), jnp.float32)
    inp["Wn2"] = p(ks[8], (H, H)); inp["bn2"] = jnp.zeros((H,), jnp.float32)
    # node classifier
    inp["Wnc"] = p(ks[9], (H, NCLS_NODE)); inp["bnc"] = jnp.zeros((NCLS_NODE,), jnp.float32)
    # convgraph1
    inp["Wg1"] = p(ks[10], (H + 1, H)); inp["bg1"] = jnp.zeros((H,), jnp.float32)
    # graph classifier
    inp["Wgc"] = p(ks[11], (H, NCLS_GRAPH)); inp["bgc"] = jnp.zeros((NCLS_GRAPH,), jnp.float32)
    return inp


def _graph_conv(x, src, dst, W, b):
    # DGL GraphConv, norm='both': out = D_in^{-1/2} A (D_out^{-1/2} x) W + b
    ones = jnp.ones((src.shape[0],), jnp.float32)
    deg_out = jnp.zeros((N,), jnp.float32).at[src].add(ones)
    deg_in = jnp.zeros((N,), jnp.float32).at[dst].add(ones)
    norm_src = jnp.clip(deg_out, 1.0, None) ** -0.5
    norm_dst = jnp.clip(deg_in, 1.0, None) ** -0.5
    h = x @ W
    h = h * norm_src[:, None]
    agg = jnp.zeros((N, h.shape[1]), jnp.float32).at[dst].add(h[src])
    return agg * norm_dst[:, None] + b


def _batchnorm(x, g, b, eps=1e-5):
    m = jnp.mean(x, axis=0)
    v = jnp.var(x, axis=0)
    return g * (x - m) / jnp.sqrt(v + eps) + b


def _lrelu(x):
    return jnp.where(x > 0, x, 0.01 * x)


def reference(node_feat, nodetype, edge_feat, edge_index,
              W1, b1, g1, be1, W2, b2, g2, be2, We, bE,
              Wn1, bn1, Wn2, bn2, Wnc, bnc, Wg1, bg1, Wgc, bgc):
    src = edge_index[0]
    dst = edge_index[1]
    h = _graph_conv(node_feat, src, dst, W1, b1)
    h = _batchnorm(h, g1, be1)
    h = _lrelu(h)
    h = _graph_conv(h, src, dst, W2, b2)
    h = _batchnorm(h, g2, be2)
    h = _lrelu(h)
    # apply_edges: m = h[src] + linear_edge(edge_feat); stored in edata, not consumed downstream
    m = h[src] + (edge_feat @ We + bE)
    hn = _lrelu(_graph_conv(h, src, dst, Wn1, bn1))
    hn = _lrelu(_graph_conv(hn, src, dst, Wn2, bn2))
    node_out = hn @ Wnc + bnc
    hg = jnp.concatenate([h, nodetype[:, None]], axis=1)
    hg = _lrelu(_graph_conv(hg, src, dst, Wg1, bg1))
    hgm = jnp.mean(hg, axis=0, keepdims=True)  # dgl.mean_nodes, single graph in batch
    graph_out = hgm @ Wgc + bgc
    return node_out, graph_out

if __name__ == "__main__":
    import jax
    _d = setup_inputs()
    print(jax.jit(kernel)(*tuple(_d.values())))

</pallas_src>

<mosaic_0001>
#map = affine_map<(d0, d1) -> (0, 0)>
#map1 = affine_map<(d0, d1) -> (0, 0, 0)>
module attributes {stable_mosaic.version = 14 : i64} {
  func.func @_conv(%arg0: i32, %arg1: i32, %arg2: memref<10240x64xf32, #tpu.memory_space<hbm>>, %arg3: memref<2624x128xi32, #tpu.memory_space<hbm>>, %arg4: memref<2624x128xi32, #tpu.memory_space<hbm>>, %arg5: memref<10240x64xf32, #tpu.memory_space<hbm>>, %arg6: memref<2x10240x64xf32, #tpu.memory_space<hbm>>, %arg7: memref<82x128xi32, #tpu.memory_space<vmem>>, %arg8: memref<82x128xi32, #tpu.memory_space<vmem>>, %arg9: memref<128x64xf32, #tpu.memory_space<vmem>>, %arg10: memref<128x64xf32, #tpu.memory_space<vmem>>, %arg11: memref<10240x64xf32, #tpu.memory_space<vmem_shared>>, %arg12: memref<10240x64xf32, #tpu.memory_space<vmem_shared>>, %arg13: memref<!tpu.dma_semaphore, #tpu.memory_space<semaphore_mem>>, %arg14: memref<!tpu.dma_semaphore, #tpu.memory_space<semaphore_mem>>) attributes {dimension_semantics = [#tpu.dimension_semantics<core_parallel>, #tpu.dimension_semantics<subcore_parallel>], iteration_bounds = array<i64: 2, 16>, scalar_prefetch = 0 : i64, scratch_operands = 8 : i64, tpu.core_type = #tpu.core_type<sc_vector_subcore>, window_params = [{transform_indices = #map}, {transform_indices = #map}, {transform_indices = #map}, {transform_indices = #map}, {transform_indices = #map1}]} {
    %mul3A = arith.constant 16 : i32
    %mul3A_0 = arith.muli %arg0, %mul3A : i32
    %add3A = arith.addi %mul3A_0, %arg1 : i32
    %mul3A_1 = arith.constant 82 : i32
    %mul3A_2 = arith.muli %add3A, %mul3A_1 : i32
    "tpu.region"() ({
      %run_scoped3A = tpu.sem_alloc : memref<!tpu.dma_semaphore, #tpu.memory_space<semaphore_mem>>
      %dma_start3A_35 = arith.constant 0 : i32
      %dma_start3A_36 = tpu.memref_slice %arg3[%mul3A_2, %dma_start3A_35] : memref<2624x128xi32, #tpu.memory_space<hbm>> -> memref<82x128xi32, #tpu.memory_space<hbm>>
      %dma_start3A_37 = arith.constant 0 : i32
      %dma_start3A_38 = tpu.memref_slice %arg3[%mul3A_2, %dma_start3A_37] : memref<2624x128xi32, #tpu.memory_space<hbm>> -> memref<82x128xi32, #tpu.memory_space<hbm>>
      tpu.enqueue_dma source(%dma_start3A_38 : memref<82x128xi32, #tpu.memory_space<hbm>>) target(%arg7 : memref<82x128xi32, #tpu.memory_space<vmem>>) target_semaphore(%run_scoped3A : memref<!tpu.dma_semaphore, #tpu.memory_space<semaphore_mem>>)
      %dma_wait3A_39 = arith.constant 0 : i32
      %dma_wait3A_40 = tpu.memref_slice %arg3[%mul3A_2, %dma_wait3A_39] : memref<2624x128xi32, #tpu.memory_space<hbm>> -> memref<82x128xi32, #tpu.memory_space<hbm>>
      %dma_wait3A_41 = arith.constant 0 : i32
      %dma_wait3A_42 = tpu.memref_slice %arg3[%mul3A_2, %dma_wait3A_41] : memref<2624x128xi32, #tpu.memory_space<hbm>> -> memref<82x128xi32, #tpu.memory_space<hbm>>
      tpu.wait_dma2 semaphore(%run_scoped3A : memref<!tpu.dma_semaphore, #tpu.memory_space<semaphore_mem>>) src(%dma_wait3A_42 : memref<82x128xi32, #tpu.memory_space<hbm>>) dst(%arg7 : memref<82x128xi32, #tpu.memory_space<vmem>>)
      tpu.yield
    }) : () -> ()
    %mul3A_3 = arith.constant 82 : i32
    %mul3A_4 = arith.muli %add3A, %mul3A_3 : i32
    "tpu.region"() ({
      %run_scoped3A = tpu.sem_alloc : memref<!tpu.dma_semaphore, #tpu.memory_space<semaphore_mem>>
      %dma_start3A_35 = arith.constant 0 : i32
      %dma_start3A_36 = tpu.memref_slice %arg4[%mul3A_4, %dma_start3A_35] : memref<2624x128xi32, #tpu.memory_space<hbm>> -> memref<82x128xi32, #tpu.memory_space<hbm>>
      %dma_start3A_37 = arith.constant 0 : i32
      %dma_start3A_38 = tpu.memref_slice %arg4[%mul3A_4, %dma_start3A_37] : memref<2624x128xi32, #tpu.memory_space<hbm>> -> memref<82x128xi32, #tpu.memory_space<hbm>>
      tpu.enqueue_dma source(%dma_start3A_38 : memref<82x128xi32, #tpu.memory_space<hbm>>) target(%arg8 : memref<82x128xi32, #tpu.memory_space<vmem>>) target_semaphore(%run_scoped3A : memref<!tpu.dma_semaphore, #tpu.memory_space<semaphore_mem>>)
      %dma_wait3A_39 = arith.constant 0 : i32
      %dma_wait3A_40 = tpu.memref_slice %arg4[%mul3A_4, %dma_wait3A_39] : memref<2624x128xi32, #tpu.memory_space<hbm>> -> memref<82x128xi32, #tpu.memory_space<hbm>>
      %dma_wait3A_41 = arith.constant 0 : i32
      %dma_wait3A_42 = tpu.memref_slice %arg4[%mul3A_4, %dma_wait3A_41] : memref<2624x128xi32, #tpu.memory_space<hbm>> -> memref<82x128xi32, #tpu.memory_space<hbm>>
      tpu.wait_dma2 semaphore(%run_scoped3A : memref<!tpu.dma_semaphore, #tpu.memory_space<semaphore_mem>>) src(%dma_wait3A_42 : memref<82x128xi32, #tpu.memory_space<hbm>>) dst(%arg8 : memref<82x128xi32, #tpu.memory_space<vmem>>)
      tpu.yield
    }) : () -> ()
    %mul3A_5 = arith.constant 640 : i32
    %mul3A_6 = arith.muli %arg1, %mul3A_5 : i32
    %mul3A_7 = arith.constant 640 : i32
    %mul3A_8 = arith.muli %arg1, %mul3A_7 : i32
    "tpu.region"() ({
      %run_scoped3A = tpu.sem_alloc : memref<!tpu.dma_semaphore, #tpu.memory_space<semaphore_mem>>
      %dma_start3A_35 = arith.constant 0 : i32
      %dma_start3A_36 = tpu.memref_slice %arg11[%mul3A_8, %dma_start3A_35] : memref<10240x64xf32, #tpu.memory_space<vmem_shared>> -> memref<640x64xf32, #tpu.memory_space<vmem_shared>>
      %dma_start3A_37 = arith.constant 0 : i32
      %dma_start3A_38 = tpu.memref_slice %arg2[%mul3A_6, %dma_start3A_37] : memref<10240x64xf32, #tpu.memory_space<hbm>> -> memref<640x64xf32, #tpu.memory_space<hbm>>
      tpu.enqueue_dma source(%dma_start3A_38 : memref<640x64xf32, #tpu.memory_space<hbm>>) target(%dma_start3A_36 : memref<640x64xf32, #tpu.memory_space<vmem_shared>>) target_semaphore(%run_scoped3A : memref<!tpu.dma_semaphore, #tpu.memory_space<semaphore_mem>>)
      %dma_wait3A_39 = arith.constant 0 : i32
      %dma_wait3A_40 = tpu.memref_slice %arg11[%mul3A_8, %dma_wait3A_39] : memref<10240x64xf32, #tpu.memory_space<vmem_shared>> -> memref<640x64xf32, #tpu.memory_space<vmem_shared>>
      %dma_wait3A_41 = arith.constant 0 : i32
      %dma_wait3A_42 = tpu.memref_slice %arg2[%mul3A_6, %dma_wait3A_41] : memref<10240x64xf32, #tpu.memory_space<hbm>> -> memref<640x64xf32, #tpu.memory_space<hbm>>
      tpu.wait_dma2 semaphore(%run_scoped3A : memref<!tpu.dma_semaphore, #tpu.memory_space<semaphore_mem>>) src(%dma_wait3A_42 : memref<640x64xf32, #tpu.memory_space<hbm>>) dst(%dma_wait3A_40 : memref<640x64xf32, #tpu.memory_space<vmem_shared>>)
      tpu.yield
    }) : () -> ()
    %mul3A_9 = arith.constant 640 : i32
    %mul3A_10 = arith.muli %arg1, %mul3A_9 : i32
    %mul3A_11 = arith.constant 640 : i32
    %mul3A_12 = arith.muli %arg1, %mul3A_11 : i32
    "tpu.region"() ({
      %run_scoped3A = tpu.sem_alloc : memref<!tpu.dma_semaphore, #tpu.memory_space<semaphore_mem>>
      %dma_start3A_35 = arith.constant 0 : i32
      %dma_start3A_36 = tpu.memref_slice %arg12[%mul3A_12, %dma_start3A_35] : memref<10240x64xf32, #tpu.memory_space<vmem_shared>> -> memref<640x64xf32, #tpu.memory_space<vmem_shared>>
      %dma_start3A_37 = arith.constant 0 : i32
      %dma_start3A_38 = tpu.memref_slice %arg5[%mul3A_10, %dma_start3A_37] : memref<10240x64xf32, #tpu.memory_space<hbm>> -> memref<640x64xf32, #tpu.memory_space<hbm>>
      tpu.enqueue_dma source(%dma_start3A_38 : memref<640x64xf32, #tpu.memory_space<hbm>>) target(%dma_start3A_36 : memref<640x64xf32, #tpu.memory_space<vmem_shared>>) target_semaphore(%run_scoped3A : memref<!tpu.dma_semaphore, #tpu.memory_space<semaphore_mem>>)
      %dma_wait3A_39 = arith.constant 0 : i32
      %dma_wait3A_40 = tpu.memref_slice %arg12[%mul3A_12, %dma_wait3A_39] : memref<10240x64xf32, #tpu.memory_space<vmem_shared>> -> memref<640x64xf32, #tpu.memory_space<vmem_shared>>
      %dma_wait3A_41 = arith.constant 0 : i32
      %dma_wait3A_42 = tpu.memref_slice %arg5[%mul3A_10, %dma_wait3A_41] : memref<10240x64xf32, #tpu.memory_space<hbm>> -> memref<640x64xf32, #tpu.memory_space<hbm>>
      tpu.wait_dma2 semaphore(%run_scoped3A : memref<!tpu.dma_semaphore, #tpu.memory_space<semaphore_mem>>) src(%dma_wait3A_42 : memref<640x64xf32, #tpu.memory_space<hbm>>) dst(%dma_wait3A_40 : memref<640x64xf32, #tpu.memory_space<vmem_shared>>)
      tpu.yield
    }) : () -> ()
    %barrier3A = arith.constant 0 : index
    tpu.barrier barrier_id(%barrier3A)
    %dma_start3A = arith.constant 0 : i32
    %dma_start3A_13 = arith.constant 0 : i32
    %dma_start3A_14 = tpu.memref_slice %arg7[%dma_start3A, %dma_start3A_13] : memref<82x128xi32, #tpu.memory_space<vmem>> -> memref<1x128xi32, #tpu.memory_space<vmem>>
    %dma_start3A_15 = tpu.memref_squeeze %dma_start3A_14 : memref<1x128xi32, #tpu.memory_space<vmem>> -> memref<128xi32, #tpu.memory_space<vmem>>
    %dma_start3A_16 = arith.constant 0 : i32
    %dma_start3A_17 = arith.constant 0 : i32
    %dma_start3A_18 = tpu.memref_slice %arg11[%dma_start3A_16, %dma_start3A_17] : memref<10240x64xf32, #tpu.memory_space<vmem_shared>> -> memref<10240x64xf32, #tpu.memory_space<vmem_shared>>
    tpu.enqueue_indirect_dma source(%dma_start3A_18 : memref<10240x64xf32, #tpu.memory_space<vmem_shared>>) target(%arg9 : memref<128x64xf32, #tpu.memory_space<vmem>>) offsets(%dma_start3A_15 : memref<128xi32, #tpu.memory_space<vmem>>) semaphore(%arg13 : memref<!tpu.dma_semaphore, #tpu.memory_space<semaphore_mem>>)
    %scan3A = arith.constant 0 : i32
    %scan3A_19 = arith.constant 0 : i32
    %scan3A_20 = arith.constant 40 : i32
    %scan3A_21 = arith.addi %scan3A_19, %scan3A_20 : i32
    %scan3A_22 = arith.constant 1 : i32
    scf.for %scan3A_35 = %scan3A_19 to %scan3A_21 step %scan3A_22  : i32 {
      %mul3A_36 = arith.constant 2 : i32
      %mul3A_37 = arith.muli %mul3A_36, %scan3A_35 : i32
      %add3A_38 = arith.constant 1 : i32
      %add3A_39 = arith.addi %mul3A_37, %add3A_38 : i32
      %dma_start3A_40 = arith.constant 0 : i32
      %dma_start3A_41 = tpu.memref_slice %arg7[%add3A_39, %dma_start3A_40] : memref<82x128xi32, #tpu.memory_space<vmem>> -> memref<1x128xi32, #tpu.memory_space<vmem>>
      %dma_start3A_42 = tpu.memref_squeeze %dma_start3A_41 : memref<1x128xi32, #tpu.memory_space<vmem>> -> memref<128xi32, #tpu.memory_space<vmem>>
      %dma_start3A_43 = arith.constant 0 : i32
      %dma_start3A_44 = arith.constant 0 : i32
      %dma_start3A_45 = tpu.memref_slice %arg11[%dma_start3A_43, %dma_start3A_44] : memref<10240x64xf32, #tpu.memory_space<vmem_shared>> -> memref<10240x64xf32, #tpu.memory_space<vmem_shared>>
      tpu.enqueue_indirect_dma source(%dma_start3A_45 : memref<10240x64xf32, #tpu.memory_space<vmem_shared>>) target(%arg10 : memref<128x64xf32, #tpu.memory_space<vmem>>) offsets(%dma_start3A_42 : memref<128xi32, #tpu.memory_space<vmem>>) semaphore(%arg14 : memref<!tpu.dma_semaphore, #tpu.memory_space<semaphore_mem>>)
      %dma_wait3A_46 = arith.constant 0 : i32
      %dma_wait3A_47 = tpu.memref_slice %arg7[%mul3A_37, %dma_wait3A_46] : memref<82x128xi32, #tpu.memory_space<vmem>> -> memref<1x128xi32, #tpu.memory_space<vmem>>
      %dma_wait3A_48 = tpu.memref_squeeze %dma_wait3A_47 : memref<1x128xi32, #tpu.memory_space<vmem>> -> memref<128xi32, #tpu.memory_space<vmem>>
      %dma_wait3A_49 = arith.constant 0 : i32
      %dma_wait3A_50 = arith.constant 0 : i32
      %dma_wait3A_51 = tpu.memref_slice %arg11[%dma_wait3A_49, %dma_wait3A_50] : memref<10240x64xf32, #tpu.memory_space<vmem_shared>> -> memref<10240x64xf32, #tpu.memory_space<vmem_shared>>
      tpu.wait_indirect_dma semaphore(%arg13 : memref<!tpu.dma_semaphore, #tpu.memory_space<semaphore_mem>>) src(%dma_wait3A_51 : memref<10240x64xf32, #tpu.memory_space<vmem_shared>>) dst(%arg9 : memref<128x64xf32, #tpu.memory_space<vmem>>)
      "tpu.region"() ({
        %run_scoped3A = tpu.sem_alloc : memref<!tpu.dma_semaphore, #tpu.memory_space<semaphore_mem>>
        %dma_start3A_70 = arith.constant 0 : i32
        %dma_start3A_71 = tpu.memref_slice %arg8[%mul3A_37, %dma_start3A_70] : memref<82x128xi32, #tpu.memory_space<vmem>> -> memref<1x128xi32, #tpu.memory_space<vmem>>
        %dma_start3A_72 = tpu.memref_squeeze %dma_start3A_71 : memref<1x128xi32, #tpu.memory_space<vmem>> -> memref<128xi32, #tpu.memory_space<vmem>>
        %dma_start3A_73 = arith.constant 0 : i32
        %dma_start3A_74 = arith.constant 0 : i32
        %dma_start3A_75 = tpu.memref_slice %arg12[%dma_start3A_73, %dma_start3A_74] : memref<10240x64xf32, #tpu.memory_space<vmem_shared>> -> memref<10240x64xf32, #tpu.memory_space<vmem_shared>>
        tpu.enqueue_indirect_dma source(%arg9 : memref<128x64xf32, #tpu.memory_space<vmem>>) target(%dma_start3A_75 : memref<10240x64xf32, #tpu.memory_space<vmem_shared>>) offsets(%dma_start3A_72 : memref<128xi32, #tpu.memory_space<vmem>>) semaphore(%run_scoped3A : memref<!tpu.dma_semaphore, #tpu.memory_space<semaphore_mem>>) {add = true}
        %dma_wait3A_76 = arith.constant 0 : i32
        %dma_wait3A_77 = tpu.memref_slice %arg8[%mul3A_37, %dma_wait3A_76] : memref<82x128xi32, #tpu.memory_space<vmem>> -> memref<1x128xi32, #tpu.memory_space<vmem>>
        %dma_wait3A_78 = tpu.memref_squeeze %dma_wait3A_77 : memref<1x128xi32, #tpu.memory_space<vmem>> -> memref<128xi32, #tpu.memory_space<vmem>>
        %dma_wait3A_79 = arith.constant 0 : i32
        %dma_wait3A_80 = arith.constant 0 : i32
        %dma_wait3A_81 = tpu.memref_slice %arg12[%dma_wait3A_79, %dma_wait3A_80] : memref<10240x64xf32, #tpu.memory_space<vmem_shared>> -> memref<10240x64xf32, #tpu.memory_space<vmem_shared>>
        tpu.wait_indirect_dma semaphore(%run_scoped3A : memref<!tpu.dma_semaphore, #tpu.memory_space<semaphore_mem>>) src(%arg9 : memref<128x64xf32, #tpu.memory_space<vmem>>) dst(%dma_wait3A_81 : memref<10240x64xf32, #tpu.memory_space<vmem_shared>>)
        tpu.yield
      }) : () -> ()
      %add3A_52 = arith.constant 2 : i32
      %add3A_53 = arith.addi %mul3A_37, %add3A_52 : i32
      %dma_start3A_54 = arith.constant 0 : i32
      %dma_start3A_55 = tpu.memref_slice %arg7[%add3A_53, %dma_start3A_54] : memref<82x128xi32, #tpu.memory_space<vmem>> -> memref<1x128xi32, #tpu.memory_space<vmem>>
      %dma_start3A_56 = tpu.memref_squeeze %dma_start3A_55 : memref<1x128xi32, #tpu.memory_space<vmem>> -> memref<128xi32, #tpu.memory_space<vmem>>
      %dma_start3A_57 = arith.constant 0 : i32
      %dma_start3A_58 = arith.constant 0 : i32
      %dma_start3A_59 = tpu.memref_slice %arg11[%dma_start3A_57, %dma_start3A_58] : memref<10240x64xf32, #tpu.memory_space<vmem_shared>> -> memref<10240x64xf32, #tpu.memory_space<vmem_shared>>
      tpu.enqueue_indirect_dma source(%dma_start3A_59 : memref<10240x64xf32, #tpu.memory_space<vmem_shared>>) target(%arg9 : memref<128x64xf32, #tpu.memory_space<vmem>>) offsets(%dma_start3A_56 : memref<128xi32, #tpu.memory_space<vmem>>) semaphore(%arg13 : memref<!tpu.dma_semaphore, #tpu.memory_space<semaphore_mem>>)
      %add3A_60 = arith.constant 1 : i32
      %add3A_61 = arith.addi %mul3A_37, %add3A_60 : i32
      %dma_wait3A_62 = arith.constant 0 : i32
      %dma_wait3A_63 = tpu.memref_slice %arg7[%add3A_61, %dma_wait3A_62] : memref<82x128xi32, #tpu.memory_space<vmem>> -> memref<1x128xi32, #tpu.memory_space<vmem>>
      %dma_wait3A_64 = tpu.memref_squeeze %dma_wait3A_63 : memref<1x128xi32, #tpu.memory_space<vmem>> -> memref<128xi32, #tpu.memory_space<vmem>>
      %dma_wait3A_65 = arith.constant 0 : i32
      %dma_wait3A_66 = arith.constant 0 : i32
      %dma_wait3A_67 = tpu.memref_slice %arg11[%dma_wait3A_65, %dma_wait3A_66] : memref<10240x64xf32, #tpu.memory_space<vmem_shared>> -> memref<10240x64xf32, #tpu.memory_space<vmem_shared>>
      tpu.wait_indirect_dma semaphore(%arg14 : memref<!tpu.dma_semaphore, #tpu.memory_space<semaphore_mem>>) src(%dma_wait3A_67 : memref<10240x64xf32, #tpu.memory_space<vmem_shared>>) dst(%arg10 : memref<128x64xf32, #tpu.memory_space<vmem>>)
      %add3A_68 = arith.constant 1 : i32
      %add3A_69 = arith.addi %mul3A_37, %add3A_68 : i32
      "tpu.region"() ({
        %run_scoped3A = tpu.sem_alloc : memref<!tpu.dma_semaphore, #tpu.memory_space<semaphore_mem>>
        %dma_start3A_70 = arith.constant 0 : i32
        %dma_start3A_71 = tpu.memref_slice %arg8[%add3A_69, %dma_start3A_70] : memref<82x128xi32, #tpu.memory_space<vmem>> -> memref<1x128xi32, #tpu.memory_space<vmem>>
        %dma_start3A_72 = tpu.memref_squeeze %dma_start3A_71 : memref<1x128xi32, #tpu.memory_space<vmem>> -> memref<128xi32, #tpu.memory_space<vmem>>
        %dma_start3A_73 = arith.constant 0 : i32
        %dma_start3A_74 = arith.constant 0 : i32
        %dma_start3A_75 = tpu.memref_slice %arg12[%dma_start3A_73, %dma_start3A_74] : memref<10240x64xf32, #tpu.memory_space<vmem_shared>> -> memref<10240x64xf32, #tpu.memory_space<vmem_shared>>
        tpu.enqueue_indirect_dma source(%arg10 : memref<128x64xf32, #tpu.memory_space<vmem>>) target(%dma_start3A_75 : memref<10240x64xf32, #tpu.memory_space<vmem_shared>>) offsets(%dma_start3A_72 : memref<128xi32, #tpu.memory_space<vmem>>) semaphore(%run_scoped3A : memref<!tpu.dma_semaphore, #tpu.memory_space<semaphore_mem>>) {add = true}
        %dma_wait3A_76 = arith.constant 0 : i32
        %dma_wait3A_77 = tpu.memref_slice %arg8[%add3A_69, %dma_wait3A_76] : memref<82x128xi32, #tpu.memory_space<vmem>> -> memref<1x128xi32, #tpu.memory_space<vmem>>
        %dma_wait3A_78 = tpu.memref_squeeze %dma_wait3A_77 : memref<1x128xi32, #tpu.memory_space<vmem>> -> memref<128xi32, #tpu.memory_space<vmem>>
        %dma_wait3A_79 = arith.constant 0 : i32
        %dma_wait3A_80 = arith.constant 0 : i32
        %dma_wait3A_81 = tpu.memref_slice %arg12[%dma_wait3A_79, %dma_wait3A_80] : memref<10240x64xf32, #tpu.memory_space<vmem_shared>> -> memref<10240x64xf32, #tpu.memory_space<vmem_shared>>
        tpu.wait_indirect_dma semaphore(%run_scoped3A : memref<!tpu.dma_semaphore, #tpu.memory_space<semaphore_mem>>) src(%arg10 : memref<128x64xf32, #tpu.memory_space<vmem>>) dst(%dma_wait3A_81 : memref<10240x64xf32, #tpu.memory_space<vmem_shared>>)
        tpu.yield
      }) : () -> ()
    }
    %scan3A_23 = arith.constant 40 : i32
    %dma_wait3A = arith.constant 80 : i32
    %dma_wait3A_24 = arith.constant 0 : i32
    %dma_wait3A_25 = tpu.memref_slice %arg7[%dma_wait3A, %dma_wait3A_24] : memref<82x128xi32, #tpu.memory_space<vmem>> -> memref<1x128xi32, #tpu.memory_space<vmem>>
    %dma_wait3A_26 = tpu.memref_squeeze %dma_wait3A_25 : memref<1x128xi32, #tpu.memory_space<vmem>> -> memref<128xi32, #tpu.memory_space<vmem>>
    %dma_wait3A_27 = arith.constant 0 : i32
    %dma_wait3A_28 = arith.constant 0 : i32
    %dma_wait3A_29 = tpu.memref_slice %arg11[%dma_wait3A_27, %dma_wait3A_28] : memref<10240x64xf32, #tpu.memory_space<vmem_shared>> -> memref<10240x64xf32, #tpu.memory_space<vmem_shared>>
    tpu.wait_indirect_dma semaphore(%arg13 : memref<!tpu.dma_semaphore, #tpu.memory_space<semaphore_mem>>) src(%dma_wait3A_29 : memref<10240x64xf32, #tpu.memory_space<vmem_shared>>) dst(%arg9 : memref<128x64xf32, #tpu.memory_space<vmem>>)
    %barrier3A_30 = arith.constant 0 : index
    tpu.barrier barrier_id(%barrier3A_30)
    %mul3A_31 = arith.constant 640 : i32
    %mul3A_32 = arith.muli %arg1, %mul3A_31 : i32
    %mul3A_33 = arith.constant 640 : i32
    %mul3A_34 = arith.muli %arg1, %mul3A_33 : i32
    "tpu.region"() ({
      %run_scoped3A = tpu.sem_alloc : memref<!tpu.dma_semaphore, #tpu.memory_space<semaphore_mem>>
      %dma_start3A_35 = arith.constant 0 : i32
      %dma_start3A_36 = tpu.memref_slice %arg6[%arg0, %mul3A_34, %dma_start3A_35] : memref<2x10240x64xf32, #tpu.memory_space<hbm>> -> memref<1x640x64xf32, #tpu.memory_space<hbm>>
      %dma_start3A_37 = tpu.memref_squeeze %dma_start3A_36 : memref<1x640x64xf32, #tpu.memory_space<hbm>> -> memref<640x64xf32, #tpu.memory_space<hbm>>
      %dma_start3A_38 = arith.constant 0 : i32
      %dma_start3A_39 = tpu.memref_slice %arg12[%mul3A_32, %dma_start3A_38] : memref<10240x64xf32, #tpu.memory_space<vmem_shared>> -> memref<640x64xf32, #tpu.memory_space<vmem_shared>>
      tpu.enqueue_dma source(%dma_start3A_39 : memref<640x64xf32, #tpu.memory_space<vmem_shared>>) target(%dma_start3A_37 : memref<640x64xf32, #tpu.memory_space<hbm>>) target_semaphore(%run_scoped3A : memref<!tpu.dma_semaphore, #tpu.memory_space<semaphore_mem>>)
      %dma_wait3A_40 = arith.constant 0 : i32
      %dma_wait3A_41 = tpu.memref_slice %arg6[%arg0, %mul3A_34, %dma_wait3A_40] : memref<2x10240x64xf32, #tpu.memory_space<hbm>> -> memref<1x640x64xf32, #tpu.memory_space<hbm>>
      %dma_wait3A_42 = tpu.memref_squeeze %dma_wait3A_41 : memref<1x640x64xf32, #tpu.memory_space<hbm>> -> memref<640x64xf32, #tpu.memory_space<hbm>>
      %dma_wait3A_43 = arith.constant 0 : i32
      %dma_wait3A_44 = tpu.memref_slice %arg12[%mul3A_32, %dma_wait3A_43] : memref<10240x64xf32, #tpu.memory_space<vmem_shared>> -> memref<640x64xf32, #tpu.memory_space<vmem_shared>>
      tpu.wait_dma2 semaphore(%run_scoped3A : memref<!tpu.dma_semaphore, #tpu.memory_space<semaphore_mem>>) src(%dma_wait3A_44 : memref<640x64xf32, #tpu.memory_space<vmem_shared>>) dst(%dma_wait3A_42 : memref<640x64xf32, #tpu.memory_space<hbm>>)
      tpu.yield
    }) : () -> ()
    return
  }
}

#map = affine_map<(d0, d1) -> (0, 0)>
#map1 = affine_map<(d0, d1) -> (0, 0, 0, 0)>
module attributes {stable_mosaic.version = 14 : i64} {
  func.func @_deg(%arg0: i32, %arg1: i32, %arg2: memref<2624x128xi32, #tpu.memory_space<hbm>>, %arg3: memref<2624x128xi32, #tpu.memory_space<hbm>>, %arg4: memref<128x16xf32, #tpu.memory_space<hbm>>, %arg5: memref<10240x16xf32, #tpu.memory_space<hbm>>, %arg6: memref<2x2x10240x16xf32, #tpu.memory_space<hbm>>, %arg7: memref<82x128xi32, #tpu.memory_space<vmem>>, %arg8: memref<82x128xi32, #tpu.memory_space<vmem>>, %arg9: memref<128x16xf32, #tpu.memory_space<vmem>>, %arg10: memref<10240x16xf32, #tpu.memory_space<vmem_shared>>, %arg11: memref<10240x16xf32, #tpu.memory_space<vmem_shared>>, %arg12: memref<!tpu.dma_semaphore, #tpu.memory_space<semaphore_mem>>, %arg13: memref<!tpu.dma_semaphore, #tpu.memory_space<semaphore_mem>>) attributes {dimension_semantics = [#tpu.dimension_semantics<core_parallel>, #tpu.dimension_semantics<subcore_parallel>], iteration_bounds = array<i64: 2, 16>, scalar_prefetch = 0 : i64, scratch_operands = 7 : i64, tpu.core_type = #tpu.core_type<sc_vector_subcore>, window_params = [{transform_indices = #map}, {transform_indices = #map}, {transform_indices = #map}, {transform_indices = #map}, {transform_indices = #map1}]} {
    %mul3A = arith.constant 16 : i32
    %mul3A_0 = arith.muli %arg0, %mul3A : i32
    %add3A = arith.addi %mul3A_0, %arg1 : i32
    %mul3A_1 = arith.constant 640 : i32
    %mul3A_2 = arith.muli %arg1, %mul3A_1 : i32
    %mul3A_3 = arith.constant 640 : i32
    %mul3A_4 = arith.muli %arg1, %mul3A_3 : i32
    "tpu.region"() ({
      %run_scoped3A_34 = tpu.sem_alloc : memref<!tpu.dma_semaphore, #tpu.memory_space<semaphore_mem>>
      %dma_start3A = arith.constant 0 : i32
      %dma_start3A_35 = tpu.memref_slice %arg10[%mul3A_4, %dma_start3A] : memref<10240x16xf32, #tpu.memory_space<vmem_shared>> -> memref<640x16xf32, #tpu.memory_space<vmem_shared>>
      %dma_start3A_36 = arith.constant 0 : i32
      %dma_start3A_37 = tpu.memref_slice %arg5[%mul3A_2, %dma_start3A_36] : memref<10240x16xf32, #tpu.memory_space<hbm>> -> memref<640x16xf32, #tpu.memory_space<hbm>>
      tpu.enqueue_dma source(%dma_start3A_37 : memref<640x16xf32, #tpu.memory_space<hbm>>) target(%dma_start3A_35 : memref<640x16xf32, #tpu.memory_space<vmem_shared>>) target_semaphore(%run_scoped3A_34 : memref<!tpu.dma_semaphore, #tpu.memory_space<semaphore_mem>>)
      %dma_wait3A = arith.constant 0 : i32
      %dma_wait3A_38 = tpu.memref_slice %arg10[%mul3A_4, %dma_wait3A] : memref<10240x16xf32, #tpu.memory_space<vmem_shared>> -> memref<640x16xf32, #tpu.memory_space<vmem_shared>>
      %dma_wait3A_39 = arith.constant 0 : i32
      %dma_wait3A_40 = tpu.memref_slice %arg5[%mul3A_2, %dma_wait3A_39] : memref<10240x16xf32, #tpu.memory_space<hbm>> -> memref<640x16xf32, #tpu.memory_space<hbm>>
      tpu.wait_dma2 semaphore(%run_scoped3A_34 : memref<!tpu.dma_semaphore, #tpu.memory_space<semaphore_mem>>) src(%dma_wait3A_40 : memref<640x16xf32, #tpu.memory_space<hbm>>) dst(%dma_wait3A_38 : memref<640x16xf32, #tpu.memory_space<vmem_shared>>)
      tpu.yield
    }) : () -> ()
    %mul3A_5 = arith.constant 640 : i32
    %mul3A_6 = arith.muli %arg1, %mul3A_5 : i32
    %mul3A_7 = arith.constant 640 : i32
    %mul3A_8 = arith.muli %arg1, %mul3A_7 : i32
    "tpu.region"() ({
      %run_scoped3A_34 = tpu.sem_alloc : memref<!tpu.dma_semaphore, #tpu.memory_space<semaphore_mem>>
      %dma_start3A = arith.constant 0 : i32
      %dma_start3A_35 = tpu.memref_slice %arg11[%mul3A_8, %dma_start3A] : memref<10240x16xf32, #tpu.memory_space<vmem_shared>> -> memref<640x16xf32, #tpu.memory_space<vmem_shared>>
      %dma_start3A_36 = arith.constant 0 : i32
      %dma_start3A_37 = tpu.memref_slice %arg5[%mul3A_6, %dma_start3A_36] : memref<10240x16xf32, #tpu.memory_space<hbm>> -> memref<640x16xf32, #tpu.memory_space<hbm>>
      tpu.enqueue_dma source(%dma_start3A_37 : memref<640x16xf32, #tpu.memory_space<hbm>>) target(%dma_start3A_35 : memref<640x16xf32, #tpu.memory_space<vmem_shared>>) target_semaphore(%run_scoped3A_34 : memref<!tpu.dma_semaphore, #tpu.memory_space<semaphore_mem>>)
      %dma_wait3A = arith.constant 0 : i32
      %dma_wait3A_38 = tpu.memref_slice %arg11[%mul3A_8, %dma_wait3A] : memref<10240x16xf32, #tpu.memory_space<vmem_shared>> -> memref<640x16xf32, #tpu.memory_space<vmem_shared>>
      %dma_wait3A_39 = arith.constant 0 : i32
      %dma_wait3A_40 = tpu.memref_slice %arg5[%mul3A_6, %dma_wait3A_39] : memref<10240x16xf32, #tpu.memory_space<hbm>> -> memref<640x16xf32, #tpu.memory_space<hbm>>
      tpu.wait_dma2 semaphore(%run_scoped3A_34 : memref<!tpu.dma_semaphore, #tpu.memory_space<semaphore_mem>>) src(%dma_wait3A_40 : memref<640x16xf32, #tpu.memory_space<hbm>>) dst(%dma_wait3A_38 : memref<640x16xf32, #tpu.memory_space<vmem_shared>>)
      tpu.yield
    }) : () -> ()
    %mul3A_9 = arith.constant 82 : i32
    %mul3A_10 = arith.muli %add3A, %mul3A_9 : i32
    "tpu.region"() ({
      %run_scoped3A_34 = tpu.sem_alloc : memref<!tpu.dma_semaphore, #tpu.memory_space<semaphore_mem>>
      %dma_start3A = arith.constant 0 : i32
      %dma_start3A_35 = tpu.memref_slice %arg2[%mul3A_10, %dma_start3A] : memref<2624x128xi32, #tpu.memory_space<hbm>> -> memref<82x128xi32, #tpu.memory_space<hbm>>
      %dma_start3A_36 = arith.constant 0 : i32
      %dma_start3A_37 = tpu.memref_slice %arg2[%mul3A_10, %dma_start3A_36] : memref<2624x128xi32, #tpu.memory_space<hbm>> -> memref<82x128xi32, #tpu.memory_space<hbm>>
      tpu.enqueue_dma source(%dma_start3A_37 : memref<82x128xi32, #tpu.memory_space<hbm>>) target(%arg7 : memref<82x128xi32, #tpu.memory_space<vmem>>) target_semaphore(%run_scoped3A_34 : memref<!tpu.dma_semaphore, #tpu.memory_space<semaphore_mem>>)
      %dma_wait3A = arith.constant 0 : i32
      %dma_wait3A_38 = tpu.memref_slice %arg2[%mul3A_10, %dma_wait3A] : memref<2624x128xi32, #tpu.memory_space<hbm>> -> memref<82x128xi32, #tpu.memory_space<hbm>>
      %dma_wait3A_39 = arith.constant 0 : i32
      %dma_wait3A_40 = tpu.memref_slice %arg2[%mul3A_10, %dma_wait3A_39] : memref<2624x128xi32, #tpu.memory_space<hbm>> -> memref<82x128xi32, #tpu.memory_space<hbm>>
      tpu.wait_dma2 semaphore(%run_scoped3A_34 : memref<!tpu.dma_semaphore, #tpu.memory_space<semaphore_mem>>) src(%dma_wait3A_40 : memref<82x128xi32, #tpu.memory_space<hbm>>) dst(%arg7 : memref<82x128xi32, #tpu.memory_space<vmem>>)
      tpu.yield
    }) : () -> ()
    %mul3A_11 = arith.constant 82 : i32
    %mul3A_12 = arith.muli %add3A, %mul3A_11 : i32
    "tpu.region"() ({
      %run_scoped3A_34 = tpu.sem_alloc : memref<!tpu.dma_semaphore, #tpu.memory_space<semaphore_mem>>
      %dma_start3A = arith.constant 0 : i32
      %dma_start3A_35 = tpu.memref_slice %arg3[%mul3A_12, %dma_start3A] : memref<2624x128xi32, #tpu.memory_space<hbm>> -> memref<82x128xi32, #tpu.memory_space<hbm>>
      %dma_start3A_36 = arith.constant 0 : i32
      %dma_start3A_37 = tpu.memref_slice %arg3[%mul3A_12, %dma_start3A_36] : memref<2624x128xi32, #tpu.memory_space<hbm>> -> memref<82x128xi32, #tpu.memory_space<hbm>>
      tpu.enqueue_dma source(%dma_start3A_37 : memref<82x128xi32, #tpu.memory_space<hbm>>) target(%arg8 : memref<82x128xi32, #tpu.memory_space<vmem>>) target_semaphore(%run_scoped3A_34 : memref<!tpu.dma_semaphore, #tpu.memory_space<semaphore_mem>>)
      %dma_wait3A = arith.constant 0 : i32
      %dma_wait3A_38 = tpu.memref_slice %arg3[%mul3A_12, %dma_wait3A] : memref<2624x128xi32, #tpu.memory_space<hbm>> -> memref<82x128xi32, #tpu.memory_space<hbm>>
      %dma_wait3A_39 = arith.constant 0 : i32
      %dma_wait3A_40 = tpu.memref_slice %arg3[%mul3A_12, %dma_wait3A_39] : memref<2624x128xi32, #tpu.memory_space<hbm>> -> memref<82x128xi32, #tpu.memory_space<hbm>>
      tpu.wait_dma2 semaphore(%run_scoped3A_34 : memref<!tpu.dma_semaphore, #tpu.memory_space<semaphore_mem>>) src(%dma_wait3A_40 : memref<82x128xi32, #tpu.memory_space<hbm>>) dst(%arg8 : memref<82x128xi32, #tpu.memory_space<vmem>>)
      tpu.yield
    }) : () -> ()
    "tpu.region"() ({
      %run_scoped3A_34 = tpu.sem_alloc : memref<!tpu.dma_semaphore, #tpu.memory_space<semaphore_mem>>
      tpu.enqueue_dma source(%arg4 : memref<128x16xf32, #tpu.memory_space<hbm>>) target(%arg9 : memref<128x16xf32, #tpu.memory_space<vmem>>) target_semaphore(%run_scoped3A_34 : memref<!tpu.dma_semaphore, #tpu.memory_space<semaphore_mem>>)
      tpu.wait_dma2 semaphore(%run_scoped3A_34 : memref<!tpu.dma_semaphore, #tpu.memory_space<semaphore_mem>>) src(%arg4 : memref<128x16xf32, #tpu.memory_space<hbm>>) dst(%arg9 : memref<128x16xf32, #tpu.memory_space<vmem>>)
      tpu.yield
    }) : () -> ()
    %barrier3A = arith.constant 0 : index
    tpu.barrier barrier_id(%barrier3A)
    %scan3A = arith.constant 0 : i32
    %scan3A_13 = arith.constant 0 : i32
    %scan3A_14 = arith.constant 80 : i32
    %scan3A_15 = arith.addi %scan3A_13, %scan3A_14 : i32
    %scan3A_16 = arith.constant 1 : i32
    scf.for %scan3A_34 = %scan3A_13 to %scan3A_15 step %scan3A_16  : i32 {
      %dma_start3A = arith.constant 0 : i32
      %dma_start3A_35 = tpu.memref_slice %arg7[%scan3A_34, %dma_start3A] : memref<82x128xi32, #tpu.memory_space<vmem>> -> memref<1x128xi32, #tpu.memory_space<vmem>>
      %dma_start3A_36 = tpu.memref_squeeze %dma_start3A_35 : memref<1x128xi32, #tpu.memory_space<vmem>> -> memref<128xi32, #tpu.memory_space<vmem>>
      %dma_start3A_37 = arith.constant 0 : i32
      %dma_start3A_38 = arith.constant 0 : i32
      %dma_start3A_39 = tpu.memref_slice %arg10[%dma_start3A_37, %dma_start3A_38] : memref<10240x16xf32, #tpu.memory_space<vmem_shared>> -> memref<10240x16xf32, #tpu.memory_space<vmem_shared>>
      tpu.enqueue_indirect_dma source(%arg9 : memref<128x16xf32, #tpu.memory_space<vmem>>) target(%dma_start3A_39 : memref<10240x16xf32, #tpu.memory_space<vmem_shared>>) offsets(%dma_start3A_36 : memref<128xi32, #tpu.memory_space<vmem>>) semaphore(%arg12 : memref<!tpu.dma_semaphore, #tpu.memory_space<semaphore_mem>>) {add = true}
      %dma_start3A_40 = arith.constant 0 : i32
      %dma_start3A_41 = tpu.memref_slice %arg8[%scan3A_34, %dma_start3A_40] : memref<82x128xi32, #tpu.memory_space<vmem>> -> memref<1x128xi32, #tpu.memory_space<vmem>>
      %dma_start3A_42 = tpu.memref_squeeze %dma_start3A_41 : memref<1x128xi32, #tpu.memory_space<vmem>> -> memref<128xi32, #tpu.memory_space<vmem>>
      %dma_start3A_43 = arith.constant 0 : i32
      %dma_start3A_44 = arith.constant 0 : i32
      %dma_start3A_45 = tpu.memref_slice %arg11[%dma_start3A_43, %dma_start3A_44] : memref<10240x16xf32, #tpu.memory_space<vmem_shared>> -> memref<10240x16xf32, #tpu.memory_space<vmem_shared>>
      tpu.enqueue_indirect_dma source(%arg9 : memref<128x16xf32, #tpu.memory_space<vmem>>) target(%dma_start3A_45 : memref<10240x16xf32, #tpu.memory_space<vmem_shared>>) offsets(%dma_start3A_42 : memref<128xi32, #tpu.memory_space<vmem>>) semaphore(%arg13 : memref<!tpu.dma_semaphore, #tpu.memory_space<semaphore_mem>>) {add = true}
    }
    %scan3A_17 = arith.constant 80 : i32
    %scan3A_18 = arith.constant 0 : i32
    %scan3A_19 = arith.constant 0 : i32
    %scan3A_20 = arith.constant 80 : i32
    %scan3A_21 = arith.addi %scan3A_19, %scan3A_20 : i32
    %scan3A_22 = arith.constant 1 : i32
    scf.for %scan3A_34 = %scan3A_19 to %scan3A_21 step %scan3A_22  : i32 {
      %dma_wait3A = arith.constant 0 : i32
      %dma_wait3A_35 = tpu.memref_slice %arg7[%scan3A_34, %dma_wait3A] : memref<82x128xi32, #tpu.memory_space<vmem>> -> memref<1x128xi32, #tpu.memory_space<vmem>>
      %dma_wait3A_36 = tpu.memref_squeeze %dma_wait3A_35 : memref<1x128xi32, #tpu.memory_space<vmem>> -> memref<128xi32, #tpu.memory_space<vmem>>
      %dma_wait3A_37 = arith.constant 0 : i32
      %dma_wait3A_38 = arith.constant 0 : i32
      %dma_wait3A_39 = tpu.memref_slice %arg10[%dma_wait3A_37, %dma_wait3A_38] : memref<10240x16xf32, #tpu.memory_space<vmem_shared>> -> memref<10240x16xf32, #tpu.memory_space<vmem_shared>>
      tpu.wait_indirect_dma semaphore(%arg12 : memref<!tpu.dma_semaphore, #tpu.memory_space<semaphore_mem>>) src(%arg9 : memref<128x16xf32, #tpu.memory_space<vmem>>) dst(%dma_wait3A_39 : memref<10240x16xf32, #tpu.memory_space<vmem_shared>>)
      %dma_wait3A_40 = arith.constant 0 : i32
      %dma_wait3A_41 = tpu.memref_slice %arg8[%scan3A_34, %dma_wait3A_40] : memref<82x128xi32, #tpu.memory_space<vmem>> -> memref<1x128xi32, #tpu.memory_space<vmem>>
      %dma_wait3A_42 = tpu.memref_squeeze %dma_wait3A_41 : memref<1x128xi32, #tpu.memory_space<vmem>> -> memref<128xi32, #tpu.memory_space<vmem>>
      %dma_wait3A_43 = arith.constant 0 : i32
      %dma_wait3A_44 = arith.constant 0 : i32
      %dma_wait3A_45 = tpu.memref_slice %arg11[%dma_wait3A_43, %dma_wait3A_44] : memref<10240x16xf32, #tpu.memory_space<vmem_shared>> -> memref<10240x16xf32, #tpu.memory_space<vmem_shared>>
      tpu.wait_indirect_dma semaphore(%arg13 : memref<!tpu.dma_semaphore, #tpu.memory_space<semaphore_mem>>) src(%arg9 : memref<128x16xf32, #tpu.memory_space<vmem>>) dst(%dma_wait3A_45 : memref<10240x16xf32, #tpu.memory_space<vmem_shared>>)
    }
    %scan3A_23 = arith.constant 80 : i32
    %barrier3A_24 = arith.constant 0 : index
    tpu.barrier barrier_id(%barrier3A_24)
    %mul3A_25 = arith.constant 640 : i32
    %mul3A_26 = arith.muli %arg1, %mul3A_25 : i32
    %mul3A_27 = arith.constant 640 : i32
    %mul3A_28 = arith.muli %arg1, %mul3A_27 : i32
    %run_scoped3A = arith.constant 0 : i32
    "tpu.region"() ({
      %run_scoped3A_34 = tpu.sem_alloc : memref<!tpu.dma_semaphore, #tpu.memory_space<semaphore_mem>>
      %dma_start3A = arith.constant 0 : i32
      %dma_start3A_35 = tpu.memref_slice %arg6[%arg0, %run_scoped3A, %mul3A_28, %dma_start3A] : memref<2x2x10240x16xf32, #tpu.memory_space<hbm>> -> memref<1x1x640x16xf32, #tpu.memory_space<hbm>>
      %dma_start3A_36 = tpu.memref_squeeze %dma_start3A_35 : memref<1x1x640x16xf32, #tpu.memory_space<hbm>> -> memref<640x16xf32, #tpu.memory_space<hbm>>
      %dma_start3A_37 = arith.constant 0 : i32
      %dma_start3A_38 = tpu.memref_slice %arg10[%mul3A_26, %dma_start3A_37] : memref<10240x16xf32, #tpu.memory_space<vmem_shared>> -> memref<640x16xf32, #tpu.memory_space<vmem_shared>>
      tpu.enqueue_dma source(%dma_start3A_38 : memref<640x16xf32, #tpu.memory_space<vmem_shared>>) target(%dma_start3A_36 : memref<640x16xf32, #tpu.memory_space<hbm>>) target_semaphore(%run_scoped3A_34 : memref<!tpu.dma_semaphore, #tpu.memory_space<semaphore_mem>>)
      %dma_wait3A = arith.constant 0 : i32
      %dma_wait3A_39 = tpu.memref_slice %arg6[%arg0, %run_scoped3A, %mul3A_28, %dma_wait3A] : memref<2x2x10240x16xf32, #tpu.memory_space<hbm>> -> memref<1x1x640x16xf32, #tpu.memory_space<hbm>>
      %dma_wait3A_40 = tpu.memref_squeeze %dma_wait3A_39 : memref<1x1x640x16xf32, #tpu.memory_space<hbm>> -> memref<640x16xf32, #tpu.memory_space<hbm>>
      %dma_wait3A_41 = arith.constant 0 : i32
      %dma_wait3A_42 = tpu.memref_slice %arg10[%mul3A_26, %dma_wait3A_41] : memref<10240x16xf32, #tpu.memory_space<vmem_shared>> -> memref<640x16xf32, #tpu.memory_space<vmem_shared>>
      tpu.wait_dma2 semaphore(%run_scoped3A_34 : memref<!tpu.dma_semaphore, #tpu.memory_space<semaphore_mem>>) src(%dma_wait3A_42 : memref<640x16xf32, #tpu.memory_space<vmem_shared>>) dst(%dma_wait3A_40 : memref<640x16xf32, #tpu.memory_space<hbm>>)
      tpu.yield
    }) : () -> ()
    %mul3A_29 = arith.constant 640 : i32
    %mul3A_30 = arith.muli %arg1, %mul3A_29 : i32
    %mul3A_31 = arith.constant 640 : i32
    %mul3A_32 = arith.muli %arg1, %mul3A_31 : i32
    %run_scoped3A_33 = arith.constant 1 : i32
    "tpu.region"() ({
      %run_scoped3A_34 = tpu.sem_alloc : memref<!tpu.dma_semaphore, #tpu.memory_space<semaphore_mem>>
      %dma_start3A = arith.constant 0 : i32
      %dma_start3A_35 = tpu.memref_slice %arg6[%arg0, %run_scoped3A_33, %mul3A_32, %dma_start3A] : memref<2x2x10240x16xf32, #tpu.memory_space<hbm>> -> memref<1x1x640x16xf32, #tpu.memory_space<hbm>>
      %dma_start3A_36 = tpu.memref_squeeze %dma_start3A_35 : memref<1x1x640x16xf32, #tpu.memory_space<hbm>> -> memref<640x16xf32, #tpu.memory_space<hbm>>
      %dma_start3A_37 = arith.constant 0 : i32
      %dma_start3A_38 = tpu.memref_slice %arg11[%mul3A_30, %dma_start3A_37] : memref<10240x16xf32, #tpu.memory_space<vmem_shared>> -> memref<640x16xf32, #tpu.memory_space<vmem_shared>>
      tpu.enqueue_dma source(%dma_start3A_38 : memref<640x16xf32, #tpu.memory_space<vmem_shared>>) target(%dma_start3A_36 : memref<640x16xf32, #tpu.memory_space<hbm>>) target_semaphore(%run_scoped3A_34 : memref<!tpu.dma_semaphore, #tpu.memory_space<semaphore_mem>>)
      %dma_wait3A = arith.constant 0 : i32
      %dma_wait3A_39 = tpu.memref_slice %arg6[%arg0, %run_scoped3A_33, %mul3A_32, %dma_wait3A] : memref<2x2x10240x16xf32, #tpu.memory_space<hbm>> -> memref<1x1x640x16xf32, #tpu.memory_space<hbm>>
      %dma_wait3A_40 = tpu.memref_squeeze %dma_wait3A_39 : memref<1x1x640x16xf32, #tpu.memory_space<hbm>> -> memref<640x16xf32, #tpu.memory_space<hbm>>
      %dma_wait3A_41 = arith.constant 0 : i32
      %dma_wait3A_42 = tpu.memref_slice %arg11[%mul3A_30, %dma_wait3A_41] : memref<10240x16xf32, #tpu.memory_space<vmem_shared>> -> memref<640x16xf32, #tpu.memory_space<vmem_shared>>
      tpu.wait_dma2 semaphore(%run_scoped3A_34 : memref<!tpu.dma_semaphore, #tpu.memory_space<semaphore_mem>>) src(%dma_wait3A_42 : memref<640x16xf32, #tpu.memory_space<vmem_shared>>) dst(%dma_wait3A_40 : memref<640x16xf32, #tpu.memory_space<hbm>>)
      tpu.yield
    }) : () -> ()
    return
  }
}

#map = affine_map<(d0, d1) -> (0, 0)>
#map1 = affine_map<(d0, d1) -> (0, 0, 0)>
module attributes {stable_mosaic.version = 14 : i64} {
  func.func @_conv2(%arg0: i32, %arg1: i32, %arg2: memref<10240x64xf32, #tpu.memory_space<hbm>>, %arg3: memref<10240x64xf32, #tpu.memory_space<hbm>>, %arg4: memref<2624x128xi32, #tpu.memory_space<hbm>>, %arg5: memref<2624x128xi32, #tpu.memory_space<hbm>>, %arg6: memref<10240x64xf32, #tpu.memory_space<hbm>>, %arg7: memref<2x10240x64xf32, #tpu.memory_space<hbm>>, %arg8: memref<2x10240x64xf32, #tpu.memory_space<hbm>>, %arg9: memref<82x128xi32, #tpu.memory_space<vmem>>, %arg10: memref<82x128xi32, #tpu.memory_space<vmem>>, %arg11: memref<128x64xf32, #tpu.memory_space<vmem>>, %arg12: memref<128x64xf32, #tpu.memory_space<vmem>>, %arg13: memref<10240x64xf32, #tpu.memory_space<vmem_shared>>, %arg14: memref<10240x64xf32, #tpu.memory_space<vmem_shared>>, %arg15: memref<!tpu.dma_semaphore, #tpu.memory_space<semaphore_mem>>, %arg16: memref<!tpu.dma_semaphore, #tpu.memory_space<semaphore_mem>>) attributes {dimension_semantics = [#tpu.dimension_semantics<core_parallel>, #tpu.dimension_semantics<subcore_parallel>], iteration_bounds = array<i64: 2, 16>, scalar_prefetch = 0 : i64, scratch_operands = 8 : i64, tpu.core_type = #tpu.core_type<sc_vector_subcore>, window_params = [{transform_indices = #map}, {transform_indices = #map}, {transform_indices = #map}, {transform_indices = #map}, {transform_indices = #map}, {transform_indices = #map1}, {transform_indices = #map1}]} {
    %mul3A = arith.constant 16 : i32
    %mul3A_0 = arith.muli %arg0, %mul3A : i32
    %add3A = arith.addi %mul3A_0, %arg1 : i32
    %mul3A_1 = arith.constant 82 : i32
    %mul3A_2 = arith.muli %add3A, %mul3A_1 : i32
    "tpu.region"() ({
      %run_scoped3A = tpu.sem_alloc : memref<!tpu.dma_semaphore, #tpu.memory_space<semaphore_mem>>
      %dma_start3A_70 = arith.constant 0 : i32
      %dma_start3A_71 = tpu.memref_slice %arg4[%mul3A_2, %dma_start3A_70] : memref<2624x128xi32, #tpu.memory_space<hbm>> -> memref<82x128xi32, #tpu.memory_space<hbm>>
      %dma_start3A_72 = arith.constant 0 : i32
      %dma_start3A_73 = tpu.memref_slice %arg4[%mul3A_2, %dma_start3A_72] : memref<2624x128xi32, #tpu.memory_space<hbm>> -> memref<82x128xi32, #tpu.memory_space<hbm>>
      tpu.enqueue_dma source(%dma_start3A_73 : memref<82x128xi32, #tpu.memory_space<hbm>>) target(%arg9 : memref<82x128xi32, #tpu.memory_space<vmem>>) target_semaphore(%run_scoped3A : memref<!tpu.dma_semaphore, #tpu.memory_space<semaphore_mem>>)
      %dma_wait3A_74 = arith.constant 0 : i32
      %dma_wait3A_75 = tpu.memref_slice %arg4[%mul3A_2, %dma_wait3A_74] : memref<2624x128xi32, #tpu.memory_space<hbm>> -> memref<82x128xi32, #tpu.memory_space<hbm>>
      %dma_wait3A_76 = arith.constant 0 : i32
      %dma_wait3A_77 = tpu.memref_slice %arg4[%mul3A_2, %dma_wait3A_76] : memref<2624x128xi32, #tpu.memory_space<hbm>> -> memref<82x128xi32, #tpu.memory_space<hbm>>
      tpu.wait_dma2 semaphore(%run_scoped3A : memref<!tpu.dma_semaphore, #tpu.memory_space<semaphore_mem>>) src(%dma_wait3A_77 : memref<82x128xi32, #tpu.memory_space<hbm>>) dst(%arg9 : memref<82x128xi32, #tpu.memory_space<vmem>>)
      tpu.yield
    }) : () -> ()
    %mul3A_3 = arith.constant 82 : i32
    %mul3A_4 = arith.muli %add3A, %mul3A_3 : i32
    "tpu.region"() ({
      %run_scoped3A = tpu.sem_alloc : memref<!tpu.dma_semaphore, #tpu.memory_space<semaphore_mem>>
      %dma_start3A_70 = arith.constant 0 : i32
      %dma_start3A_71 = tpu.memref_slice %arg5[%mul3A_4, %dma_start3A_70] : memref<2624x128xi32, #tpu.memory_space<hbm>> -> memref<82x128xi32, #tpu.memory_space<hbm>>
      %dma_start3A_72 = arith.constant 0 : i32
      %dma_start3A_73 = tpu.memref_slice %arg5[%mul3A_4, %dma_start3A_72] : memref<2624x128xi32, #tpu.memory_space<hbm>> -> memref<82x128xi32, #tpu.memory_space<hbm>>
      tpu.enqueue_dma source(%dma_start3A_73 : memref<82x128xi32, #tpu.memory_space<hbm>>) target(%arg10 : memref<82x128xi32, #tpu.memory_space<vmem>>) target_semaphore(%run_scoped3A : memref<!tpu.dma_semaphore, #tpu.memory_space<semaphore_mem>>)
      %dma_wait3A_74 = arith.constant 0 : i32
      %dma_wait3A_75 = tpu.memref_slice %arg5[%mul3A_4, %dma_wait3A_74] : memref<2624x128xi32, #tpu.memory_space<hbm>> -> memref<82x128xi32, #tpu.memory_space<hbm>>
      %dma_wait3A_76 = arith.constant 0 : i32
      %dma_wait3A_77 = tpu.memref_slice %arg5[%mul3A_4, %dma_wait3A_76] : memref<2624x128xi32, #tpu.memory_space<hbm>> -> memref<82x128xi32, #tpu.memory_space<hbm>>
      tpu.wait_dma2 semaphore(%run_scoped3A : memref<!tpu.dma_semaphore, #tpu.memory_space<semaphore_mem>>) src(%dma_wait3A_77 : memref<82x128xi32, #tpu.memory_space<hbm>>) dst(%arg10 : memref<82x128xi32, #tpu.memory_space<vmem>>)
      tpu.yield
    }) : () -> ()
    %mul3A_5 = arith.constant 640 : i32
    %mul3A_6 = arith.muli %arg1, %mul3A_5 : i32
    %mul3A_7 = arith.constant 640 : i32
    %mul3A_8 = arith.muli %arg1, %mul3A_7 : i32
    "tpu.region"() ({
      %run_scoped3A = tpu.sem_alloc : memref<!tpu.dma_semaphore, #tpu.memory_space<semaphore_mem>>
      %dma_start3A_70 = arith.constant 0 : i32
      %dma_start3A_71 = tpu.memref_slice %arg13[%mul3A_8, %dma_start3A_70] : memref<10240x64xf32, #tpu.memory_space<vmem_shared>> -> memref<640x64xf32, #tpu.memory_space<vmem_shared>>
      %dma_start3A_72 = arith.constant 0 : i32
      %dma_start3A_73 = tpu.memref_slice %arg2[%mul3A_6, %dma_start3A_72] : memref<10240x64xf32, #tpu.memory_space<hbm>> -> memref<640x64xf32, #tpu.memory_space<hbm>>
      tpu.enqueue_dma source(%dma_start3A_73 : memref<640x64xf32, #tpu.memory_space<hbm>>) target(%dma_start3A_71 : memref<640x64xf32, #tpu.memory_space<vmem_shared>>) target_semaphore(%run_scoped3A : memref<!tpu.dma_semaphore, #tpu.memory_space<semaphore_mem>>)
      %dma_wait3A_74 = arith.constant 0 : i32
      %dma_wait3A_75 = tpu.memref_slice %arg13[%mul3A_8, %dma_wait3A_74] : memref<10240x64xf32, #tpu.memory_space<vmem_shared>> -> memref<640x64xf32, #tpu.memory_space<vmem_shared>>
      %dma_wait3A_76 = arith.constant 0 : i32
      %dma_wait3A_77 = tpu.memref_slice %arg2[%mul3A_6, %dma_wait3A_76] : memref<10240x64xf32, #tpu.memory_space<hbm>> -> memref<640x64xf32, #tpu.memory_space<hbm>>
      tpu.wait_dma2 semaphore(%run_scoped3A : memref<!tpu.dma_semaphore, #tpu.memory_space<semaphore_mem>>) src(%dma_wait3A_77 : memref<640x64xf32, #tpu.memory_space<hbm>>) dst(%dma_wait3A_75 : memref<640x64xf32, #tpu.memory_space<vmem_shared>>)
      tpu.yield
    }) : () -> ()
    %mul3A_9 = arith.constant 640 : i32
    %mul3A_10 = arith.muli %arg1, %mul3A_9 : i32
    %mul3A_11 = arith.constant 640 : i32
    %mul3A_12 = arith.muli %arg1, %mul3A_11 : i32
    "tpu.region"() ({
      %run_scoped3A = tpu.sem_alloc : memref<!tpu.dma_semaphore, #tpu.memory_space<semaphore_mem>>
      %dma_start3A_70 = arith.constant 0 : i32
      %dma_start3A_71 = tpu.memref_slice %arg14[%mul3A_12, %dma_start3A_70] : memref<10240x64xf32, #tpu.memory_space<vmem_shared>> -> memref<640x64xf32, #tpu.memory_space<vmem_shared>>
      %dma_start3A_72 = arith.constant 0 : i32
      %dma_start3A_73 = tpu.memref_slice %arg6[%mul3A_10, %dma_start3A_72] : memref<10240x64xf32, #tpu.memory_space<hbm>> -> memref<640x64xf32, #tpu.memory_space<hbm>>
      tpu.enqueue_dma source(%dma_start3A_73 : memref<640x64xf32, #tpu.memory_space<hbm>>) target(%dma_start3A_71 : memref<640x64xf32, #tpu.memory_space<vmem_shared>>) target_semaphore(%run_scoped3A : memref<!tpu.dma_semaphore, #tpu.memory_space<semaphore_mem>>)
      %dma_wait3A_74 = arith.constant 0 : i32
      %dma_wait3A_75 = tpu.memref_slice %arg14[%mul3A_12, %dma_wait3A_74] : memref<10240x64xf32, #tpu.memory_space<vmem_shared>> -> memref<640x64xf32, #tpu.memory_space<vmem_shared>>
      %dma_wait3A_76 = arith.constant 0 : i32
      %dma_wait3A_77 = tpu.memref_slice %arg6[%mul3A_10, %dma_wait3A_76] : memref<10240x64xf32, #tpu.memory_space<hbm>> -> memref<640x64xf32, #tpu.memory_space<hbm>>
      tpu.wait_dma2 semaphore(%run_scoped3A : memref<!tpu.dma_semaphore, #tpu.memory_space<semaphore_mem>>) src(%dma_wait3A_77 : memref<640x64xf32, #tpu.memory_space<hbm>>) dst(%dma_wait3A_75 : memref<640x64xf32, #tpu.memory_space<vmem_shared>>)
      tpu.yield
    }) : () -> ()
    %barrier3A = arith.constant 0 : index
    tpu.barrier barrier_id(%barrier3A)
    %dma_start3A = arith.constant 0 : i32
    %dma_start3A_13 = arith.constant 0 : i32
    %dma_start3A_14 = tpu.memref_slice %arg9[%dma_start3A, %dma_start3A_13] : memref<82x128xi32, #tpu.memory_space<vmem>> -> memref<1x128xi32, #tpu.memory_space<vmem>>
    %dma_start3A_15 = tpu.memref_squeeze %dma_start3A_14 : memref<1x128xi32, #tpu.memory_space<vmem>> -> memref<128xi32, #tpu.memory_space<vmem>>
    %dma_start3A_16 = arith.constant 0 : i32
    %dma_start3A_17 = arith.constant 0 : i32
    %dma_start3A_18 = tpu.memref_slice %arg13[%dma_start3A_16, %dma_start3A_17] : memref<10240x64xf32, #tpu.memory_space<vmem_shared>> -> memref<10240x64xf32, #tpu.memory_space<vmem_shared>>
    tpu.enqueue_indirect_dma source(%dma_start3A_18 : memref<10240x64xf32, #tpu.memory_space<vmem_shared>>) target(%arg11 : memref<128x64xf32, #tpu.memory_space<vmem>>) offsets(%dma_start3A_15 : memref<128xi32, #tpu.memory_space<vmem>>) semaphore(%arg15 : memref<!tpu.dma_semaphore, #tpu.memory_space<semaphore_mem>>)
    %scan3A = arith.constant 0 : i32
    %scan3A_19 = arith.constant 0 : i32
    %scan3A_20 = arith.constant 40 : i32
    %scan3A_21 = arith.addi %scan3A_19, %scan3A_20 : i32
    %scan3A_22 = arith.constant 1 : i32
    scf.for %scan3A_70 = %scan3A_19 to %scan3A_21 step %scan3A_22  : i32 {
      %mul3A_71 = arith.constant 2 : i32
      %mul3A_72 = arith.muli %mul3A_71, %scan3A_70 : i32
      %add3A_73 = arith.constant 1 : i32
      %add3A_74 = arith.addi %mul3A_72, %add3A_73 : i32
      %dma_start3A_75 = arith.constant 0 : i32
      %dma_start3A_76 = tpu.memref_slice %arg9[%add3A_74, %dma_start3A_75] : memref<82x128xi32, #tpu.memory_space<vmem>> -> memref<1x128xi32, #tpu.memory_space<vmem>>
      %dma_start3A_77 = tpu.memref_squeeze %dma_start3A_76 : memref<1x128xi32, #tpu.memory_space<vmem>> -> memref<128xi32, #tpu.memory_space<vmem>>
      %dma_start3A_78 = arith.constant 0 : i32
      %dma_start3A_79 = arith.constant 0 : i32
      %dma_start3A_80 = tpu.memref_slice %arg13[%dma_start3A_78, %dma_start3A_79] : memref<10240x64xf32, #tpu.memory_space<vmem_shared>> -> memref<10240x64xf32, #tpu.memory_space<vmem_shared>>
      tpu.enqueue_indirect_dma source(%dma_start3A_80 : memref<10240x64xf32, #tpu.memory_space<vmem_shared>>) target(%arg12 : memref<128x64xf32, #tpu.memory_space<vmem>>) offsets(%dma_start3A_77 : memref<128xi32, #tpu.memory_space<vmem>>) semaphore(%arg16 : memref<!tpu.dma_semaphore, #tpu.memory_space<semaphore_mem>>)
      %dma_wait3A_81 = arith.constant 0 : i32
      %dma_wait3A_82 = tpu.memref_slice %arg9[%mul3A_72, %dma_wait3A_81] : memref<82x128xi32, #tpu.memory_space<vmem>> -> memref<1x128xi32, #tpu.memory_space<vmem>>
      %dma_wait3A_83 = tpu.memref_squeeze %dma_wait3A_82 : memref<1x128xi32, #tpu.memory_space<vmem>> -> memref<128xi32, #tpu.memory_space<vmem>>
      %dma_wait3A_84 = arith.constant 0 : i32
      %dma_wait3A_85 = arith.constant 0 : i32
      %dma_wait3A_86 = tpu.memref_slice %arg13[%dma_wait3A_84, %dma_wait3A_85] : memref<10240x64xf32, #tpu.memory_space<vmem_shared>> -> memref<10240x64xf32, #tpu.memory_space<vmem_shared>>
      tpu.wait_indirect_dma semaphore(%arg15 : memref<!tpu.dma_semaphore, #tpu.memory_space<semaphore_mem>>) src(%dma_wait3A_86 : memref<10240x64xf32, #tpu.memory_space<vmem_shared>>) dst(%arg11 : memref<128x64xf32, #tpu.memory_space<vmem>>)
      "tpu.region"() ({
        %run_scoped3A = tpu.sem_alloc : memref<!tpu.dma_semaphore, #tpu.memory_space<semaphore_mem>>
        %dma_start3A_105 = arith.constant 0 : i32
        %dma_start3A_106 = tpu.memref_slice %arg10[%mul3A_72, %dma_start3A_105] : memref<82x128xi32, #tpu.memory_space<vmem>> -> memref<1x128xi32, #tpu.memory_space<vmem>>
        %dma_start3A_107 = tpu.memref_squeeze %dma_start3A_106 : memref<1x128xi32, #tpu.memory_space<vmem>> -> memref<128xi32, #tpu.memory_space<vmem>>
        %dma_start3A_108 = arith.constant 0 : i32
        %dma_start3A_109 = arith.constant 0 : i32
        %dma_start3A_110 = tpu.memref_slice %arg14[%dma_start3A_108, %dma_start3A_109] : memref<10240x64xf32, #tpu.memory_space<vmem_shared>> -> memref<10240x64xf32, #tpu.memory_space<vmem_shared>>
        tpu.enqueue_indirect_dma source(%arg11 : memref<128x64xf32, #tpu.memory_space<vmem>>) target(%dma_start3A_110 : memref<10240x64xf32, #tpu.memory_space<vmem_shared>>) offsets(%dma_start3A_107 : memref<128xi32, #tpu.memory_space<vmem>>) semaphore(%run_scoped3A : memref<!tpu.dma_semaphore, #tpu.memory_space<semaphore_mem>>) {add = true}
        %dma_wait3A_111 = arith.constant 0 : i32
        %dma_wait3A_112 = tpu.memref_slice %arg10[%mul3A_72, %dma_wait3A_111] : memref<82x128xi32, #tpu.memory_space<vmem>> -> memref<1x128xi32, #tpu.memory_space<vmem>>
        %dma_wait3A_113 = tpu.memref_squeeze %dma_wait3A_112 : memref<1x128xi32, #tpu.memory_space<vmem>> -> memref<128xi32, #tpu.memory_space<vmem>>
        %dma_wait3A_114 = arith.constant 0 : i32
        %dma_wait3A_115 = arith.constant 0 : i32
        %dma_wait3A_116 = tpu.memref_slice %arg14[%dma_wait3A_114, %dma_wait3A_115] : memref<10240x64xf32, #tpu.memory_space<vmem_shared>> -> memref<10240x64xf32, #tpu.memory_space<vmem_shared>>
        tpu.wait_indirect_dma semaphore(%run_scoped3A : memref<!tpu.dma_semaphore, #tpu.memory_space<semaphore_mem>>) src(%arg11 : memref<128x64xf32, #tpu.memory_space<vmem>>) dst(%dma_wait3A_116 : memref<10240x64xf32, #tpu.memory_space<vmem_shared>>)
        tpu.yield
      }) : () -> ()
      %add3A_87 = arith.constant 2 : i32
      %add3A_88 = arith.addi %mul3A_72, %add3A_87 : i32
      %dma_start3A_89 = arith.constant 0 : i32
      %dma_start3A_90 = tpu.memref_slice %arg9[%add3A_88, %dma_start3A_89] : memref<82x128xi32, #tpu.memory_space<vmem>> -> memref<1x128xi32, #tpu.memory_space<vmem>>
      %dma_start3A_91 = tpu.memref_squeeze %dma_start3A_90 : memref<1x128xi32, #tpu.memory_space<vmem>> -> memref<128xi32, #tpu.memory_space<vmem>>
      %dma_start3A_92 = arith.constant 0 : i32
      %dma_start3A_93 = arith.constant 0 : i32
      %dma_start3A_94 = tpu.memref_slice %arg13[%dma_start3A_92, %dma_start3A_93] : memref<10240x64xf32, #tpu.memory_space<vmem_shared>> -> memref<10240x64xf32, #tpu.memory_space<vmem_shared>>
      tpu.enqueue_indirect_dma source(%dma_start3A_94 : memref<10240x64xf32, #tpu.memory_space<vmem_shared>>) target(%arg11 : memref<128x64xf32, #tpu.memory_space<vmem>>) offsets(%dma_start3A_91 : memref<128xi32, #tpu.memory_space<vmem>>) semaphore(%arg15 : memref<!tpu.dma_semaphore, #tpu.memory_space<semaphore_mem>>)
      %add3A_95 = arith.constant 1 : i32
      %add3A_96 = arith.addi %mul3A_72, %add3A_95 : i32
      %dma_wait3A_97 = arith.constant 0 : i32
      %dma_wait3A_98 = tpu.memref_slice %arg9[%add3A_96, %dma_wait3A_97] : memref<82x128xi32, #tpu.memory_space<vmem>> -> memref<1x128xi32, #tpu.memory_space<vmem>>
      %dma_wait3A_99 = tpu.memref_squeeze %dma_wait3A_98 : memref<1x128xi32, #tpu.memory_space<vmem>> -> memref<128xi32, #tpu.memory_space<vmem>>
      %dma_wait3A_100 = arith.constant 0 : i32
      %dma_wait3A_101 = arith.constant 0 : i32
      %dma_wait3A_102 = tpu.memref_slice %arg13[%dma_wait3A_100, %dma_wait3A_101] : memref<10240x64xf32, #tpu.memory_space<vmem_shared>> -> memref<10240x64xf32, #tpu.memory_space<vmem_shared>>
      tpu.wait_indirect_dma semaphore(%arg16 : memref<!tpu.dma_semaphore, #tpu.memory_space<semaphore_mem>>) src(%dma_wait3A_102 : memref<10240x64xf32, #tpu.memory_space<vmem_shared>>) dst(%arg12 : memref<128x64xf32, #tpu.memory_space<vmem>>)
      %add3A_103 = arith.constant 1 : i32
      %add3A_104 = arith.addi %mul3A_72, %add3A_103 : i32
      "tpu.region"() ({
        %run_scoped3A = tpu.sem_alloc : memref<!tpu.dma_semaphore, #tpu.memory_space<semaphore_mem>>
        %dma_start3A_105 = arith.constant 0 : i32
        %dma_start3A_106 = tpu.memref_slice %arg10[%add3A_104, %dma_start3A_105] : memref<82x128xi32, #tpu.memory_space<vmem>> -> memref<1x128xi32, #tpu.memory_space<vmem>>
        %dma_start3A_107 = tpu.memref_squeeze %dma_start3A_106 : memref<1x128xi32, #tpu.memory_space<vmem>> -> memref<128xi32, #tpu.memory_space<vmem>>
        %dma_start3A_108 = arith.constant 0 : i32
        %dma_start3A_109 = arith.constant 0 : i32
        %dma_start3A_110 = tpu.memref_slice %arg14[%dma_start3A_108, %dma_start3A_109] : memref<10240x64xf32, #tpu.memory_space<vmem_shared>> -> memref<10240x64xf32, #tpu.memory_space<vmem_shared>>
        tpu.enqueue_indirect_dma source(%arg12 : memref<128x64xf32, #tpu.memory_space<vmem>>) target(%dma_start3A_110 : memref<10240x64xf32, #tpu.memory_space<vmem_shared>>) offsets(%dma_start3A_107 : memref<128xi32, #tpu.memory_space<vmem>>) semaphore(%run_scoped3A : memref<!tpu.dma_semaphore, #tpu.memory_space<semaphore_mem>>) {add = true}
        %dma_wait3A_111 = arith.constant 0 : i32
        %dma_wait3A_112 = tpu.memref_slice %arg10[%add3A_104, %dma_wait3A_111] : memref<82x128xi32, #tpu.memory_space<vmem>> -> memref<1x128xi32, #tpu.memory_space<vmem>>
        %dma_wait3A_113 = tpu.memref_squeeze %dma_wait3A_112 : memref<1x128xi32, #tpu.memory_space<vmem>> -> memref<128xi32, #tpu.memory_space<vmem>>
        %dma_wait3A_114 = arith.constant 0 : i32
        %dma_wait3A_115 = arith.constant 0 : i32
        %dma_wait3A_116 = tpu.memref_slice %arg14[%dma_wait3A_114, %dma_wait3A_115] : memref<10240x64xf32, #tpu.memory_space<vmem_shared>> -> memref<10240x64xf32, #tpu.memory_space<vmem_shared>>
        tpu.wait_indirect_dma semaphore(%run_scoped3A : memref<!tpu.dma_semaphore, #tpu.memory_space<semaphore_mem>>) src(%arg12 : memref<128x64xf32, #tpu.memory_space<vmem>>) dst(%dma_wait3A_116 : memref<10240x64xf32, #tpu.memory_space<vmem_shared>>)
        tpu.yield
      }) : () -> ()
    }
    %scan3A_23 = arith.constant 40 : i32
    %dma_wait3A = arith.constant 80 : i32
    %dma_wait3A_24 = arith.constant 0 : i32
    %dma_wait3A_25 = tpu.memref_slice %arg9[%dma_wait3A, %dma_wait3A_24] : memref<82x128xi32, #tpu.memory_space<vmem>> -> memref<1x128xi32, #tpu.memory_space<vmem>>
    %dma_wait3A_26 = tpu.memref_squeeze %dma_wait3A_25 : memref<1x128xi32, #tpu.memory_space<vmem>> -> memref<128xi32, #tpu.memory_space<vmem>>
    %dma_wait3A_27 = arith.constant 0 : i32
    %dma_wait3A_28 = arith.constant 0 : i32
    %dma_wait3A_29 = tpu.memref_slice %arg13[%dma_wait3A_27, %dma_wait3A_28] : memref<10240x64xf32, #tpu.memory_space<vmem_shared>> -> memref<10240x64xf32, #tpu.memory_space<vmem_shared>>
    tpu.wait_indirect_dma semaphore(%arg15 : memref<!tpu.dma_semaphore, #tpu.memory_space<semaphore_mem>>) src(%dma_wait3A_29 : memref<10240x64xf32, #tpu.memory_space<vmem_shared>>) dst(%arg11 : memref<128x64xf32, #tpu.memory_space<vmem>>)
    %barrier3A_30 = arith.constant 0 : index
    tpu.barrier barrier_id(%barrier3A_30)
    %mul3A_31 = arith.constant 640 : i32
    %mul3A_32 = arith.muli %arg1, %mul3A_31 : i32
    %mul3A_33 = arith.constant 640 : i32
    %mul3A_34 = arith.muli %arg1, %mul3A_33 : i32
    "tpu.region"() ({
      %run_scoped3A = tpu.sem_alloc : memref<!tpu.dma_semaphore, #tpu.memory_space<semaphore_mem>>
      %dma_start3A_70 = arith.constant 0 : i32
      %dma_start3A_71 = tpu.memref_slice %arg7[%arg0, %mul3A_34, %dma_start3A_70] : memref<2x10240x64xf32, #tpu.memory_space<hbm>> -> memref<1x640x64xf32, #tpu.memory_space<hbm>>
      %dma_start3A_72 = tpu.memref_squeeze %dma_start3A_71 : memref<1x640x64xf32, #tpu.memory_space<hbm>> -> memref<640x64xf32, #tpu.memory_space<hbm>>
      %dma_start3A_73 = arith.constant 0 : i32
      %dma_start3A_74 = tpu.memref_slice %arg14[%mul3A_32, %dma_start3A_73] : memref<10240x64xf32, #tpu.memory_space<vmem_shared>> -> memref<640x64xf32, #tpu.memory_space<vmem_shared>>
      tpu.enqueue_dma source(%dma_start3A_74 : memref<640x64xf32, #tpu.memory_space<vmem_shared>>) target(%dma_start3A_72 : memref<640x64xf32, #tpu.memory_space<hbm>>) target_semaphore(%run_scoped3A : memref<!tpu.dma_semaphore, #tpu.memory_space<semaphore_mem>>)
      %dma_wait3A_75 = arith.constant 0 : i32
      %dma_wait3A_76 = tpu.memref_slice %arg7[%arg0, %mul3A_34, %dma_wait3A_75] : memref<2x10240x64xf32, #tpu.memory_space<hbm>> -> memref<1x640x64xf32, #tpu.memory_space<hbm>>
      %dma_wait3A_77 = tpu.memref_squeeze %dma_wait3A_76 : memref<1x640x64xf32, #tpu.memory_space<hbm>> -> memref<640x64xf32, #tpu.memory_space<hbm>>
      %dma_wait3A_78 = arith.constant 0 : i32
      %dma_wait3A_79 = tpu.memref_slice %arg14[%mul3A_32, %dma_wait3A_78] : memref<10240x64xf32, #tpu.memory_space<vmem_shared>> -> memref<640x64xf32, #tpu.memory_space<vmem_shared>>
      tpu.wait_dma2 semaphore(%run_scoped3A : memref<!tpu.dma_semaphore, #tpu.memory_space<semaphore_mem>>) src(%dma_wait3A_79 : memref<640x64xf32, #tpu.memory_space<vmem_shared>>) dst(%dma_wait3A_77 : memref<640x64xf32, #tpu.memory_space<hbm>>)
      tpu.yield
    }) : () -> ()
    %barrier3A_35 = arith.constant 0 : index
    tpu.barrier barrier_id(%barrier3A_35)
    %mul3A_36 = arith.constant 640 : i32
    %mul3A_37 = arith.muli %arg1, %mul3A_36 : i32
    %mul3A_38 = arith.constant 640 : i32
    %mul3A_39 = arith.muli %arg1, %mul3A_38 : i32
    "tpu.region"() ({
      %run_scoped3A = tpu.sem_alloc : memref<!tpu.dma_semaphore, #tpu.memory_space<semaphore_mem>>
      %dma_start3A_70 = arith.constant 0 : i32
      %dma_start3A_71 = tpu.memref_slice %arg13[%mul3A_39, %dma_start3A_70] : memref<10240x64xf32, #tpu.memory_space<vmem_shared>> -> memref<640x64xf32, #tpu.memory_space<vmem_shared>>
      %dma_start3A_72 = arith.constant 0 : i32
      %dma_start3A_73 = tpu.memref_slice %arg3[%mul3A_37, %dma_start3A_72] : memref<10240x64xf32, #tpu.memory_space<hbm>> -> memref<640x64xf32, #tpu.memory_space<hbm>>
      tpu.enqueue_dma source(%dma_start3A_73 : memref<640x64xf32, #tpu.memory_space<hbm>>) target(%dma_start3A_71 : memref<640x64xf32, #tpu.memory_space<vmem_shared>>) target_semaphore(%run_scoped3A : memref<!tpu.dma_semaphore, #tpu.memory_space<semaphore_mem>>)
      %dma_wait3A_74 = arith.constant 0 : i32
      %dma_wait3A_75 = tpu.memref_slice %arg13[%mul3A_39, %dma_wait3A_74] : memref<10240x64xf32, #tpu.memory_space<vmem_shared>> -> memref<640x64xf32, #tpu.memory_space<vmem_shared>>
      %dma_wait3A_76 = arith.constant 0 : i32
      %dma_wait3A_77 = tpu.memref_slice %arg3[%mul3A_37, %dma_wait3A_76] : memref<10240x64xf32, #tpu.memory_space<hbm>> -> memref<640x64xf32, #tpu.memory_space<hbm>>
      tpu.wait_dma2 semaphore(%run_scoped3A : memref<!tpu.dma_semaphore, #tpu.memory_space<semaphore_mem>>) src(%dma_wait3A_77 : memref<640x64xf32, #tpu.memory_space<hbm>>) dst(%dma_wait3A_75 : memref<640x64xf32, #tpu.memory_space<vmem_shared>>)
      tpu.yield
    }) : () -> ()
    %mul3A_40 = arith.constant 640 : i32
    %mul3A_41 = arith.muli %arg1, %mul3A_40 : i32
    %mul3A_42 = arith.constant 640 : i32
    %mul3A_43 = arith.muli %arg1, %mul3A_42 : i32
    "tpu.region"() ({
      %run_scoped3A = tpu.sem_alloc : memref<!tpu.dma_semaphore, #tpu.memory_space<semaphore_mem>>
      %dma_start3A_70 = arith.constant 0 : i32
      %dma_start3A_71 = tpu.memref_slice %arg14[%mul3A_43, %dma_start3A_70] : memref<10240x64xf32, #tpu.memory_space<vmem_shared>> -> memref<640x64xf32, #tpu.memory_space<vmem_shared>>
      %dma_start3A_72 = arith.constant 0 : i32
      %dma_start3A_73 = tpu.memref_slice %arg6[%mul3A_41, %dma_start3A_72] : memref<10240x64xf32, #tpu.memory_space<hbm>> -> memref<640x64xf32, #tpu.memory_space<hbm>>
      tpu.enqueue_dma source(%dma_start3A_73 : memref<640x64xf32, #tpu.memory_space<hbm>>) target(%dma_start3A_71 : memref<640x64xf32, #tpu.memory_space<vmem_shared>>) target_semaphore(%run_scoped3A : memref<!tpu.dma_semaphore, #tpu.memory_space<semaphore_mem>>)
      %dma_wait3A_74 = arith.constant 0 : i32
      %dma_wait3A_75 = tpu.memref_slice %arg14[%mul3A_43, %dma_wait3A_74] : memref<10240x64xf32, #tpu.memory_space<vmem_shared>> -> memref<640x64xf32, #tpu.memory_space<vmem_shared>>
      %dma_wait3A_76 = arith.constant 0 : i32
      %dma_wait3A_77 = tpu.memref_slice %arg6[%mul3A_41, %dma_wait3A_76] : memref<10240x64xf32, #tpu.memory_space<hbm>> -> memref<640x64xf32, #tpu.memory_space<hbm>>
      tpu.wait_dma2 semaphore(%run_scoped3A : memref<!tpu.dma_semaphore, #tpu.memory_space<semaphore_mem>>) src(%dma_wait3A_77 : memref<640x64xf32, #tpu.memory_space<hbm>>) dst(%dma_wait3A_75 : memref<640x64xf32, #tpu.memory_space<vmem_shared>>)
      tpu.yield
    }) : () -> ()
    %barrier3A_44 = arith.constant 0 : index
    tpu.barrier barrier_id(%barrier3A_44)
    %dma_start3A_45 = arith.constant 0 : i32
    %dma_start3A_46 = arith.constant 0 : i32
    %dma_start3A_47 = tpu.memref_slice %arg9[%dma_start3A_45, %dma_start3A_46] : memref<82x128xi32, #tpu.memory_space<vmem>> -> memref<1x128xi32, #tpu.memory_space<vmem>>
    %dma_start3A_48 = tpu.memref_squeeze %dma_start3A_47 : memref<1x128xi32, #tpu.memory_space<vmem>> -> memref<128xi32, #tpu.memory_space<vmem>>
    %dma_start3A_49 = arith.constant 0 : i32
    %dma_start3A_50 = arith.constant 0 : i32
    %dma_start3A_51 = tpu.memref_slice %arg13[%dma_start3A_49, %dma_start3A_50] : memref<10240x64xf32, #tpu.memory_space<vmem_shared>> -> memref<10240x64xf32, #tpu.memory_space<vmem_shared>>
    tpu.enqueue_indirect_dma source(%dma_start3A_51 : memref<10240x64xf32, #tpu.memory_space<vmem_shared>>) target(%arg11 : memref<128x64xf32, #tpu.memory_space<vmem>>) offsets(%dma_start3A_48 : memref<128xi32, #tpu.memory_space<vmem>>) semaphore(%arg15 : memref<!tpu.dma_semaphore, #tpu.memory_space<semaphore_mem>>)
    %scan3A_52 = arith.constant 0 : i32
    %scan3A_53 = arith.constant 0 : i32
    %scan3A_54 = arith.constant 40 : i32
    %scan3A_55 = arith.addi %scan3A_53, %scan3A_54 : i32
    %scan3A_56 = arith.constant 1 : i32
    scf.for %scan3A_70 = %scan3A_53 to %scan3A_55 step %scan3A_56  : i32 {
      %mul3A_71 = arith.constant 2 : i32
      %mul3A_72 = arith.muli %mul3A_71, %scan3A_70 : i32
      %add3A_73 = arith.constant 1 : i32
      %add3A_74 = arith.addi %mul3A_72, %add3A_73 : i32
      %dma_start3A_75 = arith.constant 0 : i32
      %dma_start3A_76 = tpu.memref_slice %arg9[%add3A_74, %dma_start3A_75] : memref<82x128xi32, #tpu.memory_space<vmem>> -> memref<1x128xi32, #tpu.memory_space<vmem>>
      %dma_start3A_77 = tpu.memref_squeeze %dma_start3A_76 : memref<1x128xi32, #tpu.memory_space<vmem>> -> memref<128xi32, #tpu.memory_space<vmem>>
      %dma_start3A_78 = arith.constant 0 : i32
      %dma_start3A_79 = arith.constant 0 : i32
      %dma_start3A_80 = tpu.memref_slice %arg13[%dma_start3A_78, %dma_start3A_79] : memref<10240x64xf32, #tpu.memory_space<vmem_shared>> -> memref<10240x64xf32, #tpu.memory_space<vmem_shared>>
      tpu.enqueue_indirect_dma source(%dma_start3A_80 : memref<10240x64xf32, #tpu.memory_space<vmem_shared>>) target(%arg12 : memref<128x64xf32, #tpu.memory_space<vmem>>) offsets(%dma_start3A_77 : memref<128xi32, #tpu.memory_space<vmem>>) semaphore(%arg16 : memref<!tpu.dma_semaphore, #tpu.memory_space<semaphore_mem>>)
      %dma_wait3A_81 = arith.constant 0 : i32
      %dma_wait3A_82 = tpu.memref_slice %arg9[%mul3A_72, %dma_wait3A_81] : memref<82x128xi32, #tpu.memory_space<vmem>> -> memref<1x128xi32, #tpu.memory_space<vmem>>
      %dma_wait3A_83 = tpu.memref_squeeze %dma_wait3A_82 : memref<1x128xi32, #tpu.memory_space<vmem>> -> memref<128xi32, #tpu.memory_space<vmem>>
      %dma_wait3A_84 = arith.constant 0 : i32
      %dma_wait3A_85 = arith.constant 0 : i32
      %dma_wait3A_86 = tpu.memref_slice %arg13[%dma_wait3A_84, %dma_wait3A_85] : memref<10240x64xf32, #tpu.memory_space<vmem_shared>> -> memref<10240x64xf32, #tpu.memory_space<vmem_shared>>
      tpu.wait_indirect_dma semaphore(%arg15 : memref<!tpu.dma_semaphore, #tpu.memory_space<semaphore_mem>>) src(%dma_wait3A_86 : memref<10240x64xf32, #tpu.memory_space<vmem_shared>>) dst(%arg11 : memref<128x64xf32, #tpu.memory_space<vmem>>)
      "tpu.region"() ({
        %run_scoped3A = tpu.sem_alloc : memref<!tpu.dma_semaphore, #tpu.memory_space<semaphore_mem>>
        %dma_start3A_105 = arith.constant 0 : i32
        %dma_start3A_106 = tpu.memref_slice %arg10[%mul3A_72, %dma_start3A_105] : memref<82x128xi32, #tpu.memory_space<vmem>> -> memref<1x128xi32, #tpu.memory_space<vmem>>
        %dma_start3A_107 = tpu.memref_squeeze %dma_start3A_106 : memref<1x128xi32, #tpu.memory_space<vmem>> -> memref<128xi32, #tpu.memory_space<vmem>>
        %dma_start3A_108 = arith.constant 0 : i32
        %dma_start3A_109 = arith.constant 0 : i32
        %dma_start3A_110 = tpu.memref_slice %arg14[%dma_start3A_108, %dma_start3A_109] : memref<10240x64xf32, #tpu.memory_space<vmem_shared>> -> memref<10240x64xf32, #tpu.memory_space<vmem_shared>>
        tpu.enqueue_indirect_dma source(%arg11 : memref<128x64xf32, #tpu.memory_space<vmem>>) target(%dma_start3A_110 : memref<10240x64xf32, #tpu.memory_space<vmem_shared>>) offsets(%dma_start3A_107 : memref<128xi32, #tpu.memory_space<vmem>>) semaphore(%run_scoped3A : memref<!tpu.dma_semaphore, #tpu.memory_space<semaphore_mem>>) {add = true}
        %dma_wait3A_111 = arith.constant 0 : i32
        %dma_wait3A_112 = tpu.memref_slice %arg10[%mul3A_72, %dma_wait3A_111] : memref<82x128xi32, #tpu.memory_space<vmem>> -> memref<1x128xi32, #tpu.memory_space<vmem>>
        %dma_wait3A_113 = tpu.memref_squeeze %dma_wait3A_112 : memref<1x128xi32, #tpu.memory_space<vmem>> -> memref<128xi32, #tpu.memory_space<vmem>>
        %dma_wait3A_114 = arith.constant 0 : i32
        %dma_wait3A_115 = arith.constant 0 : i32
        %dma_wait3A_116 = tpu.memref_slice %arg14[%dma_wait3A_114, %dma_wait3A_115] : memref<10240x64xf32, #tpu.memory_space<vmem_shared>> -> memref<10240x64xf32, #tpu.memory_space<vmem_shared>>
        tpu.wait_indirect_dma semaphore(%run_scoped3A : memref<!tpu.dma_semaphore, #tpu.memory_space<semaphore_mem>>) src(%arg11 : memref<128x64xf32, #tpu.memory_space<vmem>>) dst(%dma_wait3A_116 : memref<10240x64xf32, #tpu.memory_space<vmem_shared>>)
        tpu.yield
      }) : () -> ()
      %add3A_87 = arith.constant 2 : i32
      %add3A_88 = arith.addi %mul3A_72, %add3A_87 : i32
      %dma_start3A_89 = arith.constant 0 : i32
      %dma_start3A_90 = tpu.memref_slice %arg9[%add3A_88, %dma_start3A_89] : memref<82x128xi32, #tpu.memory_space<vmem>> -> memref<1x128xi32, #tpu.memory_space<vmem>>
      %dma_start3A_91 = tpu.memref_squeeze %dma_start3A_90 : memref<1x128xi32, #tpu.memory_space<vmem>> -> memref<128xi32, #tpu.memory_space<vmem>>
      %dma_start3A_92 = arith.constant 0 : i32
      %dma_start3A_93 = arith.constant 0 : i32
      %dma_start3A_94 = tpu.memref_slice %arg13[%dma_start3A_92, %dma_start3A_93] : memref<10240x64xf32, #tpu.memory_space<vmem_shared>> -> memref<10240x64xf32, #tpu.memory_space<vmem_shared>>
      tpu.enqueue_indirect_dma source(%dma_start3A_94 : memref<10240x64xf32, #tpu.memory_space<vmem_shared>>) target(%arg11 : memref<128x64xf32, #tpu.memory_space<vmem>>) offsets(%dma_start3A_91 : memref<128xi32, #tpu.memory_space<vmem>>) semaphore(%arg15 : memref<!tpu.dma_semaphore, #tpu.memory_space<semaphore_mem>>)
      %add3A_95 = arith.constant 1 : i32
      %add3A_96 = arith.addi %mul3A_72, %add3A_95 : i32
      %dma_wait3A_97 = arith.constant 0 : i32
      %dma_wait3A_98 = tpu.memref_slice %arg9[%add3A_96, %dma_wait3A_97] : memref<82x128xi32, #tpu.memory_space<vmem>> -> memref<1x128xi32, #tpu.memory_space<vmem>>
      %dma_wait3A_99 = tpu.memref_squeeze %dma_wait3A_98 : memref<1x128xi32, #tpu.memory_space<vmem>> -> memref<128xi32, #tpu.memory_space<vmem>>
      %dma_wait3A_100 = arith.constant 0 : i32
      %dma_wait3A_101 = arith.constant 0 : i32
      %dma_wait3A_102 = tpu.memref_slice %arg13[%dma_wait3A_100, %dma_wait3A_101] : memref<10240x64xf32, #tpu.memory_space<vmem_shared>> -> memref<10240x64xf32, #tpu.memory_space<vmem_shared>>
      tpu.wait_indirect_dma semaphore(%arg16 : memref<!tpu.dma_semaphore, #tpu.memory_space<semaphore_mem>>) src(%dma_wait3A_102 : memref<10240x64xf32, #tpu.memory_space<vmem_shared>>) dst(%arg12 : memref<128x64xf32, #tpu.memory_space<vmem>>)
      %add3A_103 = arith.constant 1 : i32
      %add3A_104 = arith.addi %mul3A_72, %add3A_103 : i32
      "tpu.region"() ({
        %run_scoped3A = tpu.sem_alloc : memref<!tpu.dma_semaphore, #tpu.memory_space<semaphore_mem>>
        %dma_start3A_105 = arith.constant 0 : i32
        %dma_start3A_106 = tpu.memref_slice %arg10[%add3A_104, %dma_start3A_105] : memref<82x128xi32, #tpu.memory_space<vmem>> -> memref<1x128xi32, #tpu.memory_space<vmem>>
        %dma_start3A_107 = tpu.memref_squeeze %dma_start3A_106 : memref<1x128xi32, #tpu.memory_space<vmem>> -> memref<128xi32, #tpu.memory_space<vmem>>
        %dma_start3A_108 = arith.constant 0 : i32
        %dma_start3A_109 = arith.constant 0 : i32
        %dma_start3A_110 = tpu.memref_slice %arg14[%dma_start3A_108, %dma_start3A_109] : memref<10240x64xf32, #tpu.memory_space<vmem_shared>> -> memref<10240x64xf32, #tpu.memory_space<vmem_shared>>
        tpu.enqueue_indirect_dma source(%arg12 : memref<128x64xf32, #tpu.memory_space<vmem>>) target(%dma_start3A_110 : memref<10240x64xf32, #tpu.memory_space<vmem_shared>>) offsets(%dma_start3A_107 : memref<128xi32, #tpu.memory_space<vmem>>) semaphore(%run_scoped3A : memref<!tpu.dma_semaphore, #tpu.memory_space<semaphore_mem>>) {add = true}
        %dma_wait3A_111 = arith.constant 0 : i32
        %dma_wait3A_112 = tpu.memref_slice %arg10[%add3A_104, %dma_wait3A_111] : memref<82x128xi32, #tpu.memory_space<vmem>> -> memref<1x128xi32, #tpu.memory_space<vmem>>
        %dma_wait3A_113 = tpu.memref_squeeze %dma_wait3A_112 : memref<1x128xi32, #tpu.memory_space<vmem>> -> memref<128xi32, #tpu.memory_space<vmem>>
        %dma_wait3A_114 = arith.constant 0 : i32
        %dma_wait3A_115 = arith.constant 0 : i32
        %dma_wait3A_116 = tpu.memref_slice %arg14[%dma_wait3A_114, %dma_wait3A_115] : memref<10240x64xf32, #tpu.memory_space<vmem_shared>> -> memref<10240x64xf32, #tpu.memory_space<vmem_shared>>
        tpu.wait_indirect_dma semaphore(%run_scoped3A : memref<!tpu.dma_semaphore, #tpu.memory_space<semaphore_mem>>) src(%arg12 : memref<128x64xf32, #tpu.memory_space<vmem>>) dst(%dma_wait3A_116 : memref<10240x64xf32, #tpu.memory_space<vmem_shared>>)
        tpu.yield
      }) : () -> ()
    }
    %scan3A_57 = arith.constant 40 : i32
    %dma_wait3A_58 = arith.constant 80 : i32
    %dma_wait3A_59 = arith.constant 0 : i32
    %dma_wait3A_60 = tpu.memref_slice %arg9[%dma_wait3A_58, %dma_wait3A_59] : memref<82x128xi32, #tpu.memory_space<vmem>> -> memref<1x128xi32, #tpu.memory_space<vmem>>
    %dma_wait3A_61 = tpu.memref_squeeze %dma_wait3A_60 : memref<1x128xi32, #tpu.memory_space<vmem>> -> memref<128xi32, #tpu.memory_space<vmem>>
    %dma_wait3A_62 = arith.constant 0 : i32
    %dma_wait3A_63 = arith.constant 0 : i32
    %dma_wait3A_64 = tpu.memref_slice %arg13[%dma_wait3A_62, %dma_wait3A_63] : memref<10240x64xf32, #tpu.memory_space<vmem_shared>> -> memref<10240x64xf32, #tpu.memory_space<vmem_shared>>
    tpu.wait_indirect_dma semaphore(%arg15 : memref<!tpu.dma_semaphore, #tpu.memory_space<semaphore_mem>>) src(%dma_wait3A_64 : memref<10240x64xf32, #tpu.memory_space<vmem_shared>>) dst(%arg11 : memref<128x64xf32, #tpu.memory_space<vmem>>)
    %barrier3A_65 = arith.constant 0 : index
    tpu.barrier barrier_id(%barrier3A_65)
    %mul3A_66 = arith.constant 640 : i32
    %mul3A_67 = arith.muli %arg1, %mul3A_66 : i32
    %mul3A_68 = arith.constant 640 : i32
    %mul3A_69 = arith.muli %arg1, %mul3A_68 : i32
    "tpu.region"() ({
      %run_scoped3A = tpu.sem_alloc : memref<!tpu.dma_semaphore, #tpu.memory_space<semaphore_mem>>
      %dma_start3A_70 = arith.constant 0 : i32
      %dma_start3A_71 = tpu.memref_slice %arg8[%arg0, %mul3A_69, %dma_start3A_70] : memref<2x10240x64xf32, #tpu.memory_space<hbm>> -> memref<1x640x64xf32, #tpu.memory_space<hbm>>
      %dma_start3A_72 = tpu.memref_squeeze %dma_start3A_71 : memref<1x640x64xf32, #tpu.memory_space<hbm>> -> memref<640x64xf32, #tpu.memory_space<hbm>>
      %dma_start3A_73 = arith.constant 0 : i32
      %dma_start3A_74 = tpu.memref_slice %arg14[%mul3A_67, %dma_start3A_73] : memref<10240x64xf32, #tpu.memory_space<vmem_shared>> -> memref<640x64xf32, #tpu.memory_space<vmem_shared>>
      tpu.enqueue_dma source(%dma_start3A_74 : memref<640x64xf32, #tpu.memory_space<vmem_shared>>) target(%dma_start3A_72 : memref<640x64xf32, #tpu.memory_space<hbm>>) target_semaphore(%run_scoped3A : memref<!tpu.dma_semaphore, #tpu.memory_space<semaphore_mem>>)
      %dma_wait3A_75 = arith.constant 0 : i32
      %dma_wait3A_76 = tpu.memref_slice %arg8[%arg0, %mul3A_69, %dma_wait3A_75] : memref<2x10240x64xf32, #tpu.memory_space<hbm>> -> memref<1x640x64xf32, #tpu.memory_space<hbm>>
      %dma_wait3A_77 = tpu.memref_squeeze %dma_wait3A_76 : memref<1x640x64xf32, #tpu.memory_space<hbm>> -> memref<640x64xf32, #tpu.memory_space<hbm>>
      %dma_wait3A_78 = arith.constant 0 : i32
      %dma_wait3A_79 = tpu.memref_slice %arg14[%mul3A_67, %dma_wait3A_78] : memref<10240x64xf32, #tpu.memory_space<vmem_shared>> -> memref<640x64xf32, #tpu.memory_space<vmem_shared>>
      tpu.wait_dma2 semaphore(%run_scoped3A : memref<!tpu.dma_semaphore, #tpu.memory_space<semaphore_mem>>) src(%dma_wait3A_79 : memref<640x64xf32, #tpu.memory_space<vmem_shared>>) dst(%dma_wait3A_77 : memref<640x64xf32, #tpu.memory_space<hbm>>)
      tpu.yield
    }) : () -> ()
    return
  }
}

#map = affine_map<(d0, d1) -> (0, 0)>
#map1 = affine_map<(d0, d1) -> (0, 0, 0)>
module attributes {stable_mosaic.version = 14 : i64} {
  func.func @_conv(%arg0: i32, %arg1: i32, %arg2: memref<10240x64xf32, #tpu.memory_space<hbm>>, %arg3: memref<2624x128xi32, #tpu.memory_space<hbm>>, %arg4: memref<2624x128xi32, #tpu.memory_space<hbm>>, %arg5: memref<10240x64xf32, #tpu.memory_space<hbm>>, %arg6: memref<2x10240x64xf32, #tpu.memory_space<hbm>>, %arg7: memref<82x128xi32, #tpu.memory_space<vmem>>, %arg8: memref<82x128xi32, #tpu.memory_space<vmem>>, %arg9: memref<128x64xf32, #tpu.memory_space<vmem>>, %arg10: memref<128x64xf32, #tpu.memory_space<vmem>>, %arg11: memref<10240x64xf32, #tpu.memory_space<vmem_shared>>, %arg12: memref<10240x64xf32, #tpu.memory_space<vmem_shared>>, %arg13: memref<!tpu.dma_semaphore, #tpu.memory_space<semaphore_mem>>, %arg14: memref<!tpu.dma_semaphore, #tpu.memory_space<semaphore_mem>>) attributes {dimension_semantics = [#tpu.dimension_semantics<core_parallel>, #tpu.dimension_semantics<subcore_parallel>], iteration_bounds = array<i64: 2, 16>, scalar_prefetch = 0 : i64, scratch_operands = 8 : i64, tpu.core_type = #tpu.core_type<sc_vector_subcore>, window_params = [{transform_indices = #map}, {transform_indices = #map}, {transform_indices = #map}, {transform_indices = #map}, {transform_indices = #map1}]} {
    %mul3A = arith.constant 16 : i32
    %mul3A_0 = arith.muli %arg0, %mul3A : i32
    %add3A = arith.addi %mul3A_0, %arg1 : i32
    %mul3A_1 = arith.constant 82 : i32
    %mul3A_2 = arith.muli %add3A, %mul3A_1 : i32
    "tpu.region"() ({
      %run_scoped3A = tpu.sem_alloc : memref<!tpu.dma_semaphore, #tpu.memory_space<semaphore_mem>>
      %dma_start3A_35 = arith.constant 0 : i32
      %dma_start3A_36 = tpu.memref_slice %arg3[%mul3A_2, %dma_start3A_35] : memref<2624x128xi32, #tpu.memory_space<hbm>> -> memref<82x128xi32, #tpu.memory_space<hbm>>
      %dma_start3A_37 = arith.constant 0 : i32
      %dma_start3A_38 = tpu.memref_slice %arg3[%mul3A_2, %dma_start3A_37] : memref<2624x128xi32, #tpu.memory_space<hbm>> -> memref<82x128xi32, #tpu.memory_space<hbm>>
      tpu.enqueue_dma source(%dma_start3A_38 : memref<82x128xi32, #tpu.memory_space<hbm>>) target(%arg7 : memref<82x128xi32, #tpu.memory_space<vmem>>) target_semaphore(%run_scoped3A : memref<!tpu.dma_semaphore, #tpu.memory_space<semaphore_mem>>)
      %dma_wait3A_39 = arith.constant 0 : i32
      %dma_wait3A_40 = tpu.memref_slice %arg3[%mul3A_2, %dma_wait3A_39] : memref<2624x128xi32, #tpu.memory_space<hbm>> -> memref<82x128xi32, #tpu.memory_space<hbm>>
      %dma_wait3A_41 = arith.constant 0 : i32
      %dma_wait3A_42 = tpu.memref_slice %arg3[%mul3A_2, %dma_wait3A_41] : memref<2624x128xi32, #tpu.memory_space<hbm>> -> memref<82x128xi32, #tpu.memory_space<hbm>>
      tpu.wait_dma2 semaphore(%run_scoped3A : memref<!tpu.dma_semaphore, #tpu.memory_space<semaphore_mem>>) src(%dma_wait3A_42 : memref<82x128xi32, #tpu.memory_space<hbm>>) dst(%arg7 : memref<82x128xi32, #tpu.memory_space<vmem>>)
      tpu.yield
    }) : () -> ()
    %mul3A_3 = arith.constant 82 : i32
    %mul3A_4 = arith.muli %add3A, %mul3A_3 : i32
    "tpu.region"() ({
      %run_scoped3A = tpu.sem_alloc : memref<!tpu.dma_semaphore, #tpu.memory_space<semaphore_mem>>
      %dma_start3A_35 = arith.constant 0 : i32
      %dma_start3A_36 = tpu.memref_slice %arg4[%mul3A_4, %dma_start3A_35] : memref<2624x128xi32, #tpu.memory_space<hbm>> -> memref<82x128xi32, #tpu.memory_space<hbm>>
      %dma_start3A_37 = arith.constant 0 : i32
      %dma_start3A_38 = tpu.memref_slice %arg4[%mul3A_4, %dma_start3A_37] : memref<2624x128xi32, #tpu.memory_space<hbm>> -> memref<82x128xi32, #tpu.memory_space<hbm>>
      tpu.enqueue_dma source(%dma_start3A_38 : memref<82x128xi32, #tpu.memory_space<hbm>>) target(%arg8 : memref<82x128xi32, #tpu.memory_space<vmem>>) target_semaphore(%run_scoped3A : memref<!tpu.dma_semaphore, #tpu.memory_space<semaphore_mem>>)
      %dma_wait3A_39 = arith.constant 0 : i32
      %dma_wait3A_40 = tpu.memref_slice %arg4[%mul3A_4, %dma_wait3A_39] : memref<2624x128xi32, #tpu.memory_space<hbm>> -> memref<82x128xi32, #tpu.memory_space<hbm>>
      %dma_wait3A_41 = arith.constant 0 : i32
      %dma_wait3A_42 = tpu.memref_slice %arg4[%mul3A_4, %dma_wait3A_41] : memref<2624x128xi32, #tpu.memory_space<hbm>> -> memref<82x128xi32, #tpu.memory_space<hbm>>
      tpu.wait_dma2 semaphore(%run_scoped3A : memref<!tpu.dma_semaphore, #tpu.memory_space<semaphore_mem>>) src(%dma_wait3A_42 : memref<82x128xi32, #tpu.memory_space<hbm>>) dst(%arg8 : memref<82x128xi32, #tpu.memory_space<vmem>>)
      tpu.yield
    }) : () -> ()
    %mul3A_5 = arith.constant 640 : i32
    %mul3A_6 = arith.muli %arg1, %mul3A_5 : i32
    %mul3A_7 = arith.constant 640 : i32
    %mul3A_8 = arith.muli %arg1, %mul3A_7 : i32
    "tpu.region"() ({
      %run_scoped3A = tpu.sem_alloc : memref<!tpu.dma_semaphore, #tpu.memory_space<semaphore_mem>>
      %dma_start3A_35 = arith.constant 0 : i32
      %dma_start3A_36 = tpu.memref_slice %arg11[%mul3A_8, %dma_start3A_35] : memref<10240x64xf32, #tpu.memory_space<vmem_shared>> -> memref<640x64xf32, #tpu.memory_space<vmem_shared>>
      %dma_start3A_37 = arith.constant 0 : i32
      %dma_start3A_38 = tpu.memref_slice %arg2[%mul3A_6, %dma_start3A_37] : memref<10240x64xf32, #tpu.memory_space<hbm>> -> memref<640x64xf32, #tpu.memory_space<hbm>>
      tpu.enqueue_dma source(%dma_start3A_38 : memref<640x64xf32, #tpu.memory_space<hbm>>) target(%dma_start3A_36 : memref<640x64xf32, #tpu.memory_space<vmem_shared>>) target_semaphore(%run_scoped3A : memref<!tpu.dma_semaphore, #tpu.memory_space<semaphore_mem>>)
      %dma_wait3A_39 = arith.constant 0 : i32
      %dma_wait3A_40 = tpu.memref_slice %arg11[%mul3A_8, %dma_wait3A_39] : memref<10240x64xf32, #tpu.memory_space<vmem_shared>> -> memref<640x64xf32, #tpu.memory_space<vmem_shared>>
      %dma_wait3A_41 = arith.constant 0 : i32
      %dma_wait3A_42 = tpu.memref_slice %arg2[%mul3A_6, %dma_wait3A_41] : memref<10240x64xf32, #tpu.memory_space<hbm>> -> memref<640x64xf32, #tpu.memory_space<hbm>>
      tpu.wait_dma2 semaphore(%run_scoped3A : memref<!tpu.dma_semaphore, #tpu.memory_space<semaphore_mem>>) src(%dma_wait3A_42 : memref<640x64xf32, #tpu.memory_space<hbm>>) dst(%dma_wait3A_40 : memref<640x64xf32, #tpu.memory_space<vmem_shared>>)
      tpu.yield
    }) : () -> ()
    %mul3A_9 = arith.constant 640 : i32
    %mul3A_10 = arith.muli %arg1, %mul3A_9 : i32
    %mul3A_11 = arith.constant 640 : i32
    %mul3A_12 = arith.muli %arg1, %mul3A_11 : i32
    "tpu.region"() ({
      %run_scoped3A = tpu.sem_alloc : memref<!tpu.dma_semaphore, #tpu.memory_space<semaphore_mem>>
      %dma_start3A_35 = arith.constant 0 : i32
      %dma_start3A_36 = tpu.memref_slice %arg12[%mul3A_12, %dma_start3A_35] : memref<10240x64xf32, #tpu.memory_space<vmem_shared>> -> memref<640x64xf32, #tpu.memory_space<vmem_shared>>
      %dma_start3A_37 = arith.constant 0 : i32
      %dma_start3A_38 = tpu.memref_slice %arg5[%mul3A_10, %dma_start3A_37] : memref<10240x64xf32, #tpu.memory_space<hbm>> -> memref<640x64xf32, #tpu.memory_space<hbm>>
      tpu.enqueue_dma source(%dma_start3A_38 : memref<640x64xf32, #tpu.memory_space<hbm>>) target(%dma_start3A_36 : memref<640x64xf32, #tpu.memory_space<vmem_shared>>) target_semaphore(%run_scoped3A : memref<!tpu.dma_semaphore, #tpu.memory_space<semaphore_mem>>)
      %dma_wait3A_39 = arith.constant 0 : i32
      %dma_wait3A_40 = tpu.memref_slice %arg12[%mul3A_12, %dma_wait3A_39] : memref<10240x64xf32, #tpu.memory_space<vmem_shared>> -> memref<640x64xf32, #tpu.memory_space<vmem_shared>>
      %dma_wait3A_41 = arith.constant 0 : i32
      %dma_wait3A_42 = tpu.memref_slice %arg5[%mul3A_10, %dma_wait3A_41] : memref<10240x64xf32, #tpu.memory_space<hbm>> -> memref<640x64xf32, #tpu.memory_space<hbm>>
      tpu.wait_dma2 semaphore(%run_scoped3A : memref<!tpu.dma_semaphore, #tpu.memory_space<semaphore_mem>>) src(%dma_wait3A_42 : memref<640x64xf32, #tpu.memory_space<hbm>>) dst(%dma_wait3A_40 : memref<640x64xf32, #tpu.memory_space<vmem_shared>>)
      tpu.yield
    }) : () -> ()
    %barrier3A = arith.constant 0 : index
    tpu.barrier barrier_id(%barrier3A)
    %dma_start3A = arith.constant 0 : i32
    %dma_start3A_13 = arith.constant 0 : i32
    %dma_start3A_14 = tpu.memref_slice %arg7[%dma_start3A, %dma_start3A_13] : memref<82x128xi32, #tpu.memory_space<vmem>> -> memref<1x128xi32, #tpu.memory_space<vmem>>
    %dma_start3A_15 = tpu.memref_squeeze %dma_start3A_14 : memref<1x128xi32, #tpu.memory_space<vmem>> -> memref<128xi32, #tpu.memory_space<vmem>>
    %dma_start3A_16 = arith.constant 0 : i32
    %dma_start3A_17 = arith.constant 0 : i32
    %dma_start3A_18 = tpu.memref_slice %arg11[%dma_start3A_16, %dma_start3A_17] : memref<10240x64xf32, #tpu.memory_space<vmem_shared>> -> memref<10240x64xf32, #tpu.memory_space<vmem_shared>>
    tpu.enqueue_indirect_dma source(%dma_start3A_18 : memref<10240x64xf32, #tpu.memory_space<vmem_shared>>) target(%arg9 : memref<128x64xf32, #tpu.memory_space<vmem>>) offsets(%dma_start3A_15 : memref<128xi32, #tpu.memory_space<vmem>>) semaphore(%arg13 : memref<!tpu.dma_semaphore, #tpu.memory_space<semaphore_mem>>)
    %scan3A = arith.constant 0 : i32
    %scan3A_19 = arith.constant 0 : i32
    %scan3A_20 = arith.constant 40 : i32
    %scan3A_21 = arith.addi %scan3A_19, %scan3A_20 : i32
    %scan3A_22 = arith.constant 1 : i32
    scf.for %scan3A_35 = %scan3A_19 to %scan3A_21 step %scan3A_22  : i32 {
      %mul3A_36 = arith.constant 2 : i32
      %mul3A_37 = arith.muli %mul3A_36, %scan3A_35 : i32
      %add3A_38 = arith.constant 1 : i32
      %add3A_39 = arith.addi %mul3A_37, %add3A_38 : i32
      %dma_start3A_40 = arith.constant 0 : i32
      %dma_start3A_41 = tpu.memref_slice %arg7[%add3A_39, %dma_start3A_40] : memref<82x128xi32, #tpu.memory_space<vmem>> -> memref<1x128xi32, #tpu.memory_space<vmem>>
      %dma_start3A_42 = tpu.memref_squeeze %dma_start3A_41 : memref<1x128xi32, #tpu.memory_space<vmem>> -> memref<128xi32, #tpu.memory_space<vmem>>
      %dma_start3A_43 = arith.constant 0 : i32
      %dma_start3A_44 = arith.constant 0 : i32
      %dma_start3A_45 = tpu.memref_slice %arg11[%dma_start3A_43, %dma_start3A_44] : memref<10240x64xf32, #tpu.memory_space<vmem_shared>> -> memref<10240x64xf32, #tpu.memory_space<vmem_shared>>
      tpu.enqueue_indirect_dma source(%dma_start3A_45 : memref<10240x64xf32, #tpu.memory_space<vmem_shared>>) target(%arg10 : memref<128x64xf32, #tpu.memory_space<vmem>>) offsets(%dma_start3A_42 : memref<128xi32, #tpu.memory_space<vmem>>) semaphore(%arg14 : memref<!tpu.dma_semaphore, #tpu.memory_space<semaphore_mem>>)
      %dma_wait3A_46 = arith.constant 0 : i32
      %dma_wait3A_47 = tpu.memref_slice %arg7[%mul3A_37, %dma_wait3A_46] : memref<82x128xi32, #tpu.memory_space<vmem>> -> memref<1x128xi32, #tpu.memory_space<vmem>>
      %dma_wait3A_48 = tpu.memref_squeeze %dma_wait3A_47 : memref<1x128xi32, #tpu.memory_space<vmem>> -> memref<128xi32, #tpu.memory_space<vmem>>
      %dma_wait3A_49 = arith.constant 0 : i32
      %dma_wait3A_50 = arith.constant 0 : i32
      %dma_wait3A_51 = tpu.memref_slice %arg11[%dma_wait3A_49, %dma_wait3A_50] : memref<10240x64xf32, #tpu.memory_space<vmem_shared>> -> memref<10240x64xf32, #tpu.memory_space<vmem_shared>>
      tpu.wait_indirect_dma semaphore(%arg13 : memref<!tpu.dma_semaphore, #tpu.memory_space<semaphore_mem>>) src(%dma_wait3A_51 : memref<10240x64xf32, #tpu.memory_space<vmem_shared>>) dst(%arg9 : memref<128x64xf32, #tpu.memory_space<vmem>>)
      "tpu.region"() ({
        %run_scoped3A = tpu.sem_alloc : memref<!tpu.dma_semaphore, #tpu.memory_space<semaphore_mem>>
        %dma_start3A_70 = arith.constant 0 : i32
        %dma_start3A_71 = tpu.memref_slice %arg8[%mul3A_37, %dma_start3A_70] : memref<82x128xi32, #tpu.memory_space<vmem>> -> memref<1x128xi32, #tpu.memory_space<vmem>>
        %dma_start3A_72 = tpu.memref_squeeze %dma_start3A_71 : memref<1x128xi32, #tpu.memory_space<vmem>> -> memref<128xi32, #tpu.memory_space<vmem>>
        %dma_start3A_73 = arith.constant 0 : i32
        %dma_start3A_74 = arith.constant 0 : i32
        %dma_start3A_75 = tpu.memref_slice %arg12[%dma_start3A_73, %dma_start3A_74] : memref<10240x64xf32, #tpu.memory_space<vmem_shared>> -> memref<10240x64xf32, #tpu.memory_space<vmem_shared>>
        tpu.enqueue_indirect_dma source(%arg9 : memref<128x64xf32, #tpu.memory_space<vmem>>) target(%dma_start3A_75 : memref<10240x64xf32, #tpu.memory_space<vmem_shared>>) offsets(%dma_start3A_72 : memref<128xi32, #tpu.memory_space<vmem>>) semaphore(%run_scoped3A : memref<!tpu.dma_semaphore, #tpu.memory_space<semaphore_mem>>) {add = true}
        %dma_wait3A_76 = arith.constant 0 : i32
        %dma_wait3A_77 = tpu.memref_slice %arg8[%mul3A_37, %dma_wait3A_76] : memref<82x128xi32, #tpu.memory_space<vmem>> -> memref<1x128xi32, #tpu.memory_space<vmem>>
        %dma_wait3A_78 = tpu.memref_squeeze %dma_wait3A_77 : memref<1x128xi32, #tpu.memory_space<vmem>> -> memref<128xi32, #tpu.memory_space<vmem>>
        %dma_wait3A_79 = arith.constant 0 : i32
        %dma_wait3A_80 = arith.constant 0 : i32
        %dma_wait3A_81 = tpu.memref_slice %arg12[%dma_wait3A_79, %dma_wait3A_80] : memref<10240x64xf32, #tpu.memory_space<vmem_shared>> -> memref<10240x64xf32, #tpu.memory_space<vmem_shared>>
        tpu.wait_indirect_dma semaphore(%run_scoped3A : memref<!tpu.dma_semaphore, #tpu.memory_space<semaphore_mem>>) src(%arg9 : memref<128x64xf32, #tpu.memory_space<vmem>>) dst(%dma_wait3A_81 : memref<10240x64xf32, #tpu.memory_space<vmem_shared>>)
        tpu.yield
      }) : () -> ()
      %add3A_52 = arith.constant 2 : i32
      %add3A_53 = arith.addi %mul3A_37, %add3A_52 : i32
      %dma_start3A_54 = arith.constant 0 : i32
      %dma_start3A_55 = tpu.memref_slice %arg7[%add3A_53, %dma_start3A_54] : memref<82x128xi32, #tpu.memory_space<vmem>> -> memref<1x128xi32, #tpu.memory_space<vmem>>
      %dma_start3A_56 = tpu.memref_squeeze %dma_start3A_55 : memref<1x128xi32, #tpu.memory_space<vmem>> -> memref<128xi32, #tpu.memory_space<vmem>>
      %dma_start3A_57 = arith.constant 0 : i32
      %dma_start3A_58 = arith.constant 0 : i32
      %dma_start3A_59 = tpu.memref_slice %arg11[%dma_start3A_57, %dma_start3A_58] : memref<10240x64xf32, #tpu.memory_space<vmem_shared>> -> memref<10240x64xf32, #tpu.memory_space<vmem_shared>>
      tpu.enqueue_indirect_dma source(%dma_start3A_59 : memref<10240x64xf32, #tpu.memory_space<vmem_shared>>) target(%arg9 : memref<128x64xf32, #tpu.memory_space<vmem>>) offsets(%dma_start3A_56 : memref<128xi32, #tpu.memory_space<vmem>>) semaphore(%arg13 : memref<!tpu.dma_semaphore, #tpu.memory_space<semaphore_mem>>)
      %add3A_60 = arith.constant 1 : i32
      %add3A_61 = arith.addi %mul3A_37, %add3A_60 : i32
      %dma_wait3A_62 = arith.constant 0 : i32
      %dma_wait3A_63 = tpu.memref_slice %arg7[%add3A_61, %dma_wait3A_62] : memref<82x128xi32, #tpu.memory_space<vmem>> -> memref<1x128xi32, #tpu.memory_space<vmem>>
      %dma_wait3A_64 = tpu.memref_squeeze %dma_wait3A_63 : memref<1x128xi32, #tpu.memory_space<vmem>> -> memref<128xi32, #tpu.memory_space<vmem>>
      %dma_wait3A_65 = arith.constant 0 : i32
      %dma_wait3A_66 = arith.constant 0 : i32
      %dma_wait3A_67 = tpu.memref_slice %arg11[%dma_wait3A_65, %dma_wait3A_66] : memref<10240x64xf32, #tpu.memory_space<vmem_shared>> -> memref<10240x64xf32, #tpu.memory_space<vmem_shared>>
      tpu.wait_indirect_dma semaphore(%arg14 : memref<!tpu.dma_semaphore, #tpu.memory_space<semaphore_mem>>) src(%dma_wait3A_67 : memref<10240x64xf32, #tpu.memory_space<vmem_shared>>) dst(%arg10 : memref<128x64xf32, #tpu.memory_space<vmem>>)
      %add3A_68 = arith.constant 1 : i32
      %add3A_69 = arith.addi %mul3A_37, %add3A_68 : i32
      "tpu.region"() ({
        %run_scoped3A = tpu.sem_alloc : memref<!tpu.dma_semaphore, #tpu.memory_space<semaphore_mem>>
        %dma_start3A_70 = arith.constant 0 : i32
        %dma_start3A_71 = tpu.memref_slice %arg8[%add3A_69, %dma_start3A_70] : memref<82x128xi32, #tpu.memory_space<vmem>> -> memref<1x128xi32, #tpu.memory_space<vmem>>
        %dma_start3A_72 = tpu.memref_squeeze %dma_start3A_71 : memref<1x128xi32, #tpu.memory_space<vmem>> -> memref<128xi32, #tpu.memory_space<vmem>>
        %dma_start3A_73 = arith.constant 0 : i32
        %dma_start3A_74 = arith.constant 0 : i32
        %dma_start3A_75 = tpu.memref_slice %arg12[%dma_start3A_73, %dma_start3A_74] : memref<10240x64xf32, #tpu.memory_space<vmem_shared>> -> memref<10240x64xf32, #tpu.memory_space<vmem_shared>>
        tpu.enqueue_indirect_dma source(%arg10 : memref<128x64xf32, #tpu.memory_space<vmem>>) target(%dma_start3A_75 : memref<10240x64xf32, #tpu.memory_space<vmem_shared>>) offsets(%dma_start3A_72 : memref<128xi32, #tpu.memory_space<vmem>>) semaphore(%run_scoped3A : memref<!tpu.dma_semaphore, #tpu.memory_space<semaphore_mem>>) {add = true}
        %dma_wait3A_76 = arith.constant 0 : i32
        %dma_wait3A_77 = tpu.memref_slice %arg8[%add3A_69, %dma_wait3A_76] : memref<82x128xi32, #tpu.memory_space<vmem>> -> memref<1x128xi32, #tpu.memory_space<vmem>>
        %dma_wait3A_78 = tpu.memref_squeeze %dma_wait3A_77 : memref<1x128xi32, #tpu.memory_space<vmem>> -> memref<128xi32, #tpu.memory_space<vmem>>
        %dma_wait3A_79 = arith.constant 0 : i32
        %dma_wait3A_80 = arith.constant 0 : i32
        %dma_wait3A_81 = tpu.memref_slice %arg12[%dma_wait3A_79, %dma_wait3A_80] : memref<10240x64xf32, #tpu.memory_space<vmem_shared>> -> memref<10240x64xf32, #tpu.memory_space<vmem_shared>>
        tpu.wait_indirect_dma semaphore(%run_scoped3A : memref<!tpu.dma_semaphore, #tpu.memory_space<semaphore_mem>>) src(%arg10 : memref<128x64xf32, #tpu.memory_space<vmem>>) dst(%dma_wait3A_81 : memref<10240x64xf32, #tpu.memory_space<vmem_shared>>)
        tpu.yield
      }) : () -> ()
    }
    %scan3A_23 = arith.constant 40 : i32
    %dma_wait3A = arith.constant 80 : i32
    %dma_wait3A_24 = arith.constant 0 : i32
    %dma_wait3A_25 = tpu.memref_slice %arg7[%dma_wait3A, %dma_wait3A_24] : memref<82x128xi32, #tpu.memory_space<vmem>> -> memref<1x128xi32, #tpu.memory_space<vmem>>
    %dma_wait3A_26 = tpu.memref_squeeze %dma_wait3A_25 : memref<1x128xi32, #tpu.memory_space<vmem>> -> memref<128xi32, #tpu.memory_space<vmem>>
    %dma_wait3A_27 = arith.constant 0 : i32
    %dma_wait3A_28 = arith.constant 0 : i32
    %dma_wait3A_29 = tpu.memref_slice %arg11[%dma_wait3A_27, %dma_wait3A_28] : memref<10240x64xf32, #tpu.memory_space<vmem_shared>> -> memref<10240x64xf32, #tpu.memory_space<vmem_shared>>
    tpu.wait_indirect_dma semaphore(%arg13 : memref<!tpu.dma_semaphore, #tpu.memory_space<semaphore_mem>>) src(%dma_wait3A_29 : memref<10240x64xf32, #tpu.memory_space<vmem_shared>>) dst(%arg9 : memref<128x64xf32, #tpu.memory_space<vmem>>)
    %barrier3A_30 = arith.constant 0 : index
    tpu.barrier barrier_id(%barrier3A_30)
    %mul3A_31 = arith.constant 640 : i32
    %mul3A_32 = arith.muli %arg1, %mul3A_31 : i32
    %mul3A_33 = arith.constant 640 : i32
    %mul3A_34 = arith.muli %arg1, %mul3A_33 : i32
    "tpu.region"() ({
      %run_scoped3A = tpu.sem_alloc : memref<!tpu.dma_semaphore, #tpu.memory_space<semaphore_mem>>
      %dma_start3A_35 = arith.constant 0 : i32
      %dma_start3A_36 = tpu.memref_slice %arg6[%arg0, %mul3A_34, %dma_start3A_35] : memref<2x10240x64xf32, #tpu.memory_space<hbm>> -> memref<1x640x64xf32, #tpu.memory_space<hbm>>
      %dma_start3A_37 = tpu.memref_squeeze %dma_start3A_36 : memref<1x640x64xf32, #tpu.memory_space<hbm>> -> memref<640x64xf32, #tpu.memory_space<hbm>>
      %dma_start3A_38 = arith.constant 0 : i32
      %dma_start3A_39 = tpu.memref_slice %arg12[%mul3A_32, %dma_start3A_38] : memref<10240x64xf32, #tpu.memory_space<vmem_shared>> -> memref<640x64xf32, #tpu.memory_space<vmem_shared>>
      tpu.enqueue_dma source(%dma_start3A_39 : memref<640x64xf32, #tpu.memory_space<vmem_shared>>) target(%dma_start3A_37 : memref<640x64xf32, #tpu.memory_space<hbm>>) target_semaphore(%run_scoped3A : memref<!tpu.dma_semaphore, #tpu.memory_space<semaphore_mem>>)
      %dma_wait3A_40 = arith.constant 0 : i32
      %dma_wait3A_41 = tpu.memref_slice %arg6[%arg0, %mul3A_34, %dma_wait3A_40] : memref<2x10240x64xf32, #tpu.memory_space<hbm>> -> memref<1x640x64xf32, #tpu.memory_space<hbm>>
      %dma_wait3A_42 = tpu.memref_squeeze %dma_wait3A_41 : memref<1x640x64xf32, #tpu.memory_space<hbm>> -> memref<640x64xf32, #tpu.memory_space<hbm>>
      %dma_wait3A_43 = arith.constant 0 : i32
      %dma_wait3A_44 = tpu.memref_slice %arg12[%mul3A_32, %dma_wait3A_43] : memref<10240x64xf32, #tpu.memory_space<vmem_shared>> -> memref<640x64xf32, #tpu.memory_space<vmem_shared>>
      tpu.wait_dma2 semaphore(%run_scoped3A : memref<!tpu.dma_semaphore, #tpu.memory_space<semaphore_mem>>) src(%dma_wait3A_44 : memref<640x64xf32, #tpu.memory_space<vmem_shared>>) dst(%dma_wait3A_42 : memref<640x64xf32, #tpu.memory_space<hbm>>)
      tpu.yield
    }) : () -> ()
    return
  }
}

#map = affine_map<(d0, d1) -> (0, 0)>
#map1 = affine_map<(d0, d1) -> (0, 0, 0)>
module attributes {stable_mosaic.version = 14 : i64} {
  func.func @_conv(%arg0: i32, %arg1: i32, %arg2: memref<10240x64xf32, #tpu.memory_space<hbm>>, %arg3: memref<2624x128xi32, #tpu.memory_space<hbm>>, %arg4: memref<2624x128xi32, #tpu.memory_space<hbm>>, %arg5: memref<10240x64xf32, #tpu.memory_space<hbm>>, %arg6: memref<2x10240x64xf32, #tpu.memory_space<hbm>>, %arg7: memref<82x128xi32, #tpu.memory_space<vmem>>, %arg8: memref<82x128xi32, #tpu.memory_space<vmem>>, %arg9: memref<128x64xf32, #tpu.memory_space<vmem>>, %arg10: memref<128x64xf32, #tpu.memory_space<vmem>>, %arg11: memref<10240x64xf32, #tpu.memory_space<vmem_shared>>, %arg12: memref<10240x64xf32, #tpu.memory_space<vmem_shared>>, %arg13: memref<!tpu.dma_semaphore, #tpu.memory_space<semaphore_mem>>, %arg14: memref<!tpu.dma_semaphore, #tpu.memory_space<semaphore_mem>>) attributes {dimension_semantics = [#tpu.dimension_semantics<core_parallel>, #tpu.dimension_semantics<subcore_parallel>], iteration_bounds = array<i64: 2, 16>, scalar_prefetch = 0 : i64, scratch_operands = 8 : i64, tpu.core_type = #tpu.core_type<sc_vector_subcore>, window_params = [{transform_indices = #map}, {transform_indices = #map}, {transform_indices = #map}, {transform_indices = #map}, {transform_indices = #map1}]} {
    %mul3A = arith.constant 16 : i32
    %mul3A_0 = arith.muli %arg0, %mul3A : i32
    %add3A = arith.addi %mul3A_0, %arg1 : i32
    %mul3A_1 = arith.constant 82 : i32
    %mul3A_2 = arith.muli %add3A, %mul3A_1 : i32
    "tpu.region"() ({
      %run_scoped3A = tpu.sem_alloc : memref<!tpu.dma_semaphore, #tpu.memory_space<semaphore_mem>>
      %dma_start3A_35 = arith.constant 0 : i32
      %dma_start3A_36 = tpu.memref_slice %arg3[%mul3A_2, %dma_start3A_35] : memref<2624x128xi32, #tpu.memory_space<hbm>> -> memref<82x128xi32, #tpu.memory_space<hbm>>
      %dma_start3A_37 = arith.constant 0 : i32
      %dma_start3A_38 = tpu.memref_slice %arg3[%mul3A_2, %dma_start3A_37] : memref<2624x128xi32, #tpu.memory_space<hbm>> -> memref<82x128xi32, #tpu.memory_space<hbm>>
      tpu.enqueue_dma source(%dma_start3A_38 : memref<82x128xi32, #tpu.memory_space<hbm>>) target(%arg7 : memref<82x128xi32, #tpu.memory_space<vmem>>) target_semaphore(%run_scoped3A : memref<!tpu.dma_semaphore, #tpu.memory_space<semaphore_mem>>)
      %dma_wait3A_39 = arith.constant 0 : i32
      %dma_wait3A_40 = tpu.memref_slice %arg3[%mul3A_2, %dma_wait3A_39] : memref<2624x128xi32, #tpu.memory_space<hbm>> -> memref<82x128xi32, #tpu.memory_space<hbm>>
      %dma_wait3A_41 = arith.constant 0 : i32
      %dma_wait3A_42 = tpu.memref_slice %arg3[%mul3A_2, %dma_wait3A_41] : memref<2624x128xi32, #tpu.memory_space<hbm>> -> memref<82x128xi32, #tpu.memory_space<hbm>>
      tpu.wait_dma2 semaphore(%run_scoped3A : memref<!tpu.dma_semaphore, #tpu.memory_space<semaphore_mem>>) src(%dma_wait3A_42 : memref<82x128xi32, #tpu.memory_space<hbm>>) dst(%arg7 : memref<82x128xi32, #tpu.memory_space<vmem>>)
      tpu.yield
    }) : () -> ()
    %mul3A_3 = arith.constant 82 : i32
    %mul3A_4 = arith.muli %add3A, %mul3A_3 : i32
    "tpu.region"() ({
      %run_scoped3A = tpu.sem_alloc : memref<!tpu.dma_semaphore, #tpu.memory_space<semaphore_mem>>
      %dma_start3A_35 = arith.constant 0 : i32
      %dma_start3A_36 = tpu.memref_slice %arg4[%mul3A_4, %dma_start3A_35] : memref<2624x128xi32, #tpu.memory_space<hbm>> -> memref<82x128xi32, #tpu.memory_space<hbm>>
      %dma_start3A_37 = arith.constant 0 : i32
      %dma_start3A_38 = tpu.memref_slice %arg4[%mul3A_4, %dma_start3A_37] : memref<2624x128xi32, #tpu.memory_space<hbm>> -> memref<82x128xi32, #tpu.memory_space<hbm>>
      tpu.enqueue_dma source(%dma_start3A_38 : memref<82x128xi32, #tpu.memory_space<hbm>>) target(%arg8 : memref<82x128xi32, #tpu.memory_space<vmem>>) target_semaphore(%run_scoped3A : memref<!tpu.dma_semaphore, #tpu.memory_space<semaphore_mem>>)
      %dma_wait3A_39 = arith.constant 0 : i32
      %dma_wait3A_40 = tpu.memref_slice %arg4[%mul3A_4, %dma_wait3A_39] : memref<2624x128xi32, #tpu.memory_space<hbm>> -> memref<82x128xi32, #tpu.memory_space<hbm>>
      %dma_wait3A_41 = arith.constant 0 : i32
      %dma_wait3A_42 = tpu.memref_slice %arg4[%mul3A_4, %dma_wait3A_41] : memref<2624x128xi32, #tpu.memory_space<hbm>> -> memref<82x128xi32, #tpu.memory_space<hbm>>
      tpu.wait_dma2 semaphore(%run_scoped3A : memref<!tpu.dma_semaphore, #tpu.memory_space<semaphore_mem>>) src(%dma_wait3A_42 : memref<82x128xi32, #tpu.memory_space<hbm>>) dst(%arg8 : memref<82x128xi32, #tpu.memory_space<vmem>>)
      tpu.yield
    }) : () -> ()
    %mul3A_5 = arith.constant 640 : i32
    %mul3A_6 = arith.muli %arg1, %mul3A_5 : i32
    %mul3A_7 = arith.constant 640 : i32
    %mul3A_8 = arith.muli %arg1, %mul3A_7 : i32
    "tpu.region"() ({
      %run_scoped3A = tpu.sem_alloc : memref<!tpu.dma_semaphore, #tpu.memory_space<semaphore_mem>>
      %dma_start3A_35 = arith.constant 0 : i32
      %dma_start3A_36 = tpu.memref_slice %arg11[%mul3A_8, %dma_start3A_35] : memref<10240x64xf32, #tpu.memory_space<vmem_shared>> -> memref<640x64xf32, #tpu.memory_space<vmem_shared>>
      %dma_start3A_37 = arith.constant 0 : i32
      %dma_start3A_38 = tpu.memref_slice %arg2[%mul3A_6, %dma_start3A_37] : memref<10240x64xf32, #tpu.memory_space<hbm>> -> memref<640x64xf32, #tpu.memory_space<hbm>>
      tpu.enqueue_dma source(%dma_start3A_38 : memref<640x64xf32, #tpu.memory_space<hbm>>) target(%dma_start3A_36 : memref<640x64xf32, #tpu.memory_space<vmem_shared>>) target_semaphore(%run_scoped3A : memref<!tpu.dma_semaphore, #tpu.memory_space<semaphore_mem>>)
      %dma_wait3A_39 = arith.constant 0 : i32
      %dma_wait3A_40 = tpu.memref_slice %arg11[%mul3A_8, %dma_wait3A_39] : memref<10240x64xf32, #tpu.memory_space<vmem_shared>> -> memref<640x64xf32, #tpu.memory_space<vmem_shared>>
      %dma_wait3A_41 = arith.constant 0 : i32
      %dma_wait3A_42 = tpu.memref_slice %arg2[%mul3A_6, %dma_wait3A_41] : memref<10240x64xf32, #tpu.memory_space<hbm>> -> memref<640x64xf32, #tpu.memory_space<hbm>>
      tpu.wait_dma2 semaphore(%run_scoped3A : memref<!tpu.dma_semaphore, #tpu.memory_space<semaphore_mem>>) src(%dma_wait3A_42 : memref<640x64xf32, #tpu.memory_space<hbm>>) dst(%dma_wait3A_40 : memref<640x64xf32, #tpu.memory_space<vmem_shared>>)
      tpu.yield
    }) : () -> ()
    %mul3A_9 = arith.constant 640 : i32
    %mul3A_10 = arith.muli %arg1, %mul3A_9 : i32
    %mul3A_11 = arith.constant 640 : i32
    %mul3A_12 = arith.muli %arg1, %mul3A_11 : i32
    "tpu.region"() ({
      %run_scoped3A = tpu.sem_alloc : memref<!tpu.dma_semaphore, #tpu.memory_space<semaphore_mem>>
      %dma_start3A_35 = arith.constant 0 : i32
      %dma_start3A_36 = tpu.memref_slice %arg12[%mul3A_12, %dma_start3A_35] : memref<10240x64xf32, #tpu.memory_space<vmem_shared>> -> memref<640x64xf32, #tpu.memory_space<vmem_shared>>
      %dma_start3A_37 = arith.constant 0 : i32
      %dma_start3A_38 = tpu.memref_slice %arg5[%mul3A_10, %dma_start3A_37] : memref<10240x64xf32, #tpu.memory_space<hbm>> -> memref<640x64xf32, #tpu.memory_space<hbm>>
      tpu.enqueue_dma source(%dma_start3A_38 : memref<640x64xf32, #tpu.memory_space<hbm>>) target(%dma_start3A_36 : memref<640x64xf32, #tpu.memory_space<vmem_shared>>) target_semaphore(%run_scoped3A : memref<!tpu.dma_semaphore, #tpu.memory_space<semaphore_mem>>)
      %dma_wait3A_39 = arith.constant 0 : i32
      %dma_wait3A_40 = tpu.memref_slice %arg12[%mul3A_12, %dma_wait3A_39] : memref<10240x64xf32, #tpu.memory_space<vmem_shared>> -> memref<640x64xf32, #tpu.memory_space<vmem_shared>>
      %dma_wait3A_41 = arith.constant 0 : i32
      %dma_wait3A_42 = tpu.memref_slice %arg5[%mul3A_10, %dma_wait3A_41] : memref<10240x64xf32, #tpu.memory_space<hbm>> -> memref<640x64xf32, #tpu.memory_space<hbm>>
      tpu.wait_dma2 semaphore(%run_scoped3A : memref<!tpu.dma_semaphore, #tpu.memory_space<semaphore_mem>>) src(%dma_wait3A_42 : memref<640x64xf32, #tpu.memory_space<hbm>>) dst(%dma_wait3A_40 : memref<640x64xf32, #tpu.memory_space<vmem_shared>>)
      tpu.yield
    }) : () -> ()
    %barrier3A = arith.constant 0 : index
    tpu.barrier barrier_id(%barrier3A)
    %dma_start3A = arith.constant 0 : i32
    %dma_start3A_13 = arith.constant 0 : i32
    %dma_start3A_14 = tpu.memref_slice %arg7[%dma_start3A, %dma_start3A_13] : memref<82x128xi32, #tpu.memory_space<vmem>> -> memref<1x128xi32, #tpu.memory_space<vmem>>
    %dma_start3A_15 = tpu.memref_squeeze %dma_start3A_14 : memref<1x128xi32, #tpu.memory_space<vmem>> -> memref<128xi32, #tpu.memory_space<vmem>>
    %dma_start3A_16 = arith.constant 0 : i32
    %dma_start3A_17 = arith.constant 0 : i32
    %dma_start3A_18 = tpu.memref_slice %arg11[%dma_start3A_16, %dma_start3A_17] : memref<10240x64xf32, #tpu.memory_space<vmem_shared>> -> memref<10240x64xf32, #tpu.memory_space<vmem_shared>>
    tpu.enqueue_indirect_dma source(%dma_start3A_18 : memref<10240x64xf32, #tpu.memory_space<vmem_shared>>) target(%arg9 : memref<128x64xf32, #tpu.memory_space<vmem>>) offsets(%dma_start3A_15 : memref<128xi32, #tpu.memory_space<vmem>>) semaphore(%arg13 : memref<!tpu.dma_semaphore, #tpu.memory_space<semaphore_mem>>)
    %scan3A = arith.constant 0 : i32
    %scan3A_19 = arith.constant 0 : i32
    %scan3A_20 = arith.constant 40 : i32
    %scan3A_21 = arith.addi %scan3A_19, %scan3A_20 : i32
    %scan3A_22 = arith.constant 1 : i32
    scf.for %scan3A_35 = %scan3A_19 to %scan3A_21 step %scan3A_22  : i32 {
      %mul3A_36 = arith.constant 2 : i32
      %mul3A_37 = arith.muli %mul3A_36, %scan3A_35 : i32
      %add3A_38 = arith.constant 1 : i32
      %add3A_39 = arith.addi %mul3A_37, %add3A_38 : i32
      %dma_start3A_40 = arith.constant 0 : i32
      %dma_start3A_41 = tpu.memref_slice %arg7[%add3A_39, %dma_start3A_40] : memref<82x128xi32, #tpu.memory_space<vmem>> -> memref<1x128xi32, #tpu.memory_space<vmem>>
      %dma_start3A_42 = tpu.memref_squeeze %dma_start3A_41 : memref<1x128xi32, #tpu.memory_space<vmem>> -> memref<128xi32, #tpu.memory_space<vmem>>
      %dma_start3A_43 = arith.constant 0 : i32
      %dma_start3A_44 = arith.constant 0 : i32
      %dma_start3A_45 = tpu.memref_slice %arg11[%dma_start3A_43, %dma_start3A_44] : memref<10240x64xf32, #tpu.memory_space<vmem_shared>> -> memref<10240x64xf32, #tpu.memory_space<vmem_shared>>
      tpu.enqueue_indirect_dma source(%dma_start3A_45 : memref<10240x64xf32, #tpu.memory_space<vmem_shared>>) target(%arg10 : memref<128x64xf32, #tpu.memory_space<vmem>>) offsets(%dma_start3A_42 : memref<128xi32, #tpu.memory_space<vmem>>) semaphore(%arg14 : memref<!tpu.dma_semaphore, #tpu.memory_space<semaphore_mem>>)
      %dma_wait3A_46 = arith.constant 0 : i32
      %dma_wait3A_47 = tpu.memref_slice %arg7[%mul3A_37, %dma_wait3A_46] : memref<82x128xi32, #tpu.memory_space<vmem>> -> memref<1x128xi32, #tpu.memory_space<vmem>>
      %dma_wait3A_48 = tpu.memref_squeeze %dma_wait3A_47 : memref<1x128xi32, #tpu.memory_space<vmem>> -> memref<128xi32, #tpu.memory_space<vmem>>
      %dma_wait3A_49 = arith.constant 0 : i32
      %dma_wait3A_50 = arith.constant 0 : i32
      %dma_wait3A_51 = tpu.memref_slice %arg11[%dma_wait3A_49, %dma_wait3A_50] : memref<10240x64xf32, #tpu.memory_space<vmem_shared>> -> memref<10240x64xf32, #tpu.memory_space<vmem_shared>>
      tpu.wait_indirect_dma semaphore(%arg13 : memref<!tpu.dma_semaphore, #tpu.memory_space<semaphore_mem>>) src(%dma_wait3A_51 : memref<10240x64xf32, #tpu.memory_space<vmem_shared>>) dst(%arg9 : memref<128x64xf32, #tpu.memory_space<vmem>>)
      "tpu.region"() ({
        %run_scoped3A = tpu.sem_alloc : memref<!tpu.dma_semaphore, #tpu.memory_space<semaphore_mem>>
        %dma_start3A_70 = arith.constant 0 : i32
        %dma_start3A_71 = tpu.memref_slice %arg8[%mul3A_37, %dma_start3A_70] : memref<82x128xi32, #tpu.memory_space<vmem>> -> memref<1x128xi32, #tpu.memory_space<vmem>>
        %dma_start3A_72 = tpu.memref_squeeze %dma_start3A_71 : memref<1x128xi32, #tpu.memory_space<vmem>> -> memref<128xi32, #tpu.memory_space<vmem>>
        %dma_start3A_73 = arith.constant 0 : i32
        %dma_start3A_74 = arith.constant 0 : i32
        %dma_start3A_75 = tpu.memref_slice %arg12[%dma_start3A_73, %dma_start3A_74] : memref<10240x64xf32, #tpu.memory_space<vmem_shared>> -> memref<10240x64xf32, #tpu.memory_space<vmem_shared>>
        tpu.enqueue_indirect_dma source(%arg9 : memref<128x64xf32, #tpu.memory_space<vmem>>) target(%dma_start3A_75 : memref<10240x64xf32, #tpu.memory_space<vmem_shared>>) offsets(%dma_start3A_72 : memref<128xi32, #tpu.memory_space<vmem>>) semaphore(%run_scoped3A : memref<!tpu.dma_semaphore, #tpu.memory_space<semaphore_mem>>) {add = true}
        %dma_wait3A_76 = arith.constant 0 : i32
        %dma_wait3A_77 = tpu.memref_slice %arg8[%mul3A_37, %dma_wait3A_76] : memref<82x128xi32, #tpu.memory_space<vmem>> -> memref<1x128xi32, #tpu.memory_space<vmem>>
        %dma_wait3A_78 = tpu.memref_squeeze %dma_wait3A_77 : memref<1x128xi32, #tpu.memory_space<vmem>> -> memref<128xi32, #tpu.memory_space<vmem>>
        %dma_wait3A_79 = arith.constant 0 : i32
        %dma_wait3A_80 = arith.constant 0 : i32
        %dma_wait3A_81 = tpu.memref_slice %arg12[%dma_wait3A_79, %dma_wait3A_80] : memref<10240x64xf32, #tpu.memory_space<vmem_shared>> -> memref<10240x64xf32, #tpu.memory_space<vmem_shared>>
        tpu.wait_indirect_dma semaphore(%run_scoped3A : memref<!tpu.dma_semaphore, #tpu.memory_space<semaphore_mem>>) src(%arg9 : memref<128x64xf32, #tpu.memory_space<vmem>>) dst(%dma_wait3A_81 : memref<10240x64xf32, #tpu.memory_space<vmem_shared>>)
        tpu.yield
      }) : () -> ()
      %add3A_52 = arith.constant 2 : i32
      %add3A_53 = arith.addi %mul3A_37, %add3A_52 : i32
      %dma_start3A_54 = arith.constant 0 : i32
      %dma_start3A_55 = tpu.memref_slice %arg7[%add3A_53, %dma_start3A_54] : memref<82x128xi32, #tpu.memory_space<vmem>> -> memref<1x128xi32, #tpu.memory_space<vmem>>
      %dma_start3A_56 = tpu.memref_squeeze %dma_start3A_55 : memref<1x128xi32, #tpu.memory_space<vmem>> -> memref<128xi32, #tpu.memory_space<vmem>>
      %dma_start3A_57 = arith.constant 0 : i32
      %dma_start3A_58 = arith.constant 0 : i32
      %dma_start3A_59 = tpu.memref_slice %arg11[%dma_start3A_57, %dma_start3A_58] : memref<10240x64xf32, #tpu.memory_space<vmem_shared>> -> memref<10240x64xf32, #tpu.memory_space<vmem_shared>>
      tpu.enqueue_indirect_dma source(%dma_start3A_59 : memref<10240x64xf32, #tpu.memory_space<vmem_shared>>) target(%arg9 : memref<128x64xf32, #tpu.memory_space<vmem>>) offsets(%dma_start3A_56 : memref<128xi32, #tpu.memory_space<vmem>>) semaphore(%arg13 : memref<!tpu.dma_semaphore, #tpu.memory_space<semaphore_mem>>)
      %add3A_60 = arith.constant 1 : i32
      %add3A_61 = arith.addi %mul3A_37, %add3A_60 : i32
      %dma_wait3A_62 = arith.constant 0 : i32
      %dma_wait3A_63 = tpu.memref_slice %arg7[%add3A_61, %dma_wait3A_62] : memref<82x128xi32, #tpu.memory_space<vmem>> -> memref<1x128xi32, #tpu.memory_space<vmem>>
      %dma_wait3A_64 = tpu.memref_squeeze %dma_wait3A_63 : memref<1x128xi32, #tpu.memory_space<vmem>> -> memref<128xi32, #tpu.memory_space<vmem>>
      %dma_wait3A_65 = arith.constant 0 : i32
      %dma_wait3A_66 = arith.constant 0 : i32
      %dma_wait3A_67 = tpu.memref_slice %arg11[%dma_wait3A_65, %dma_wait3A_66] : memref<10240x64xf32, #tpu.memory_space<vmem_shared>> -> memref<10240x64xf32, #tpu.memory_space<vmem_shared>>
      tpu.wait_indirect_dma semaphore(%arg14 : memref<!tpu.dma_semaphore, #tpu.memory_space<semaphore_mem>>) src(%dma_wait3A_67 : memref<10240x64xf32, #tpu.memory_space<vmem_shared>>) dst(%arg10 : memref<128x64xf32, #tpu.memory_space<vmem>>)
      %add3A_68 = arith.constant 1 : i32
      %add3A_69 = arith.addi %mul3A_37, %add3A_68 : i32
      "tpu.region"() ({
        %run_scoped3A = tpu.sem_alloc : memref<!tpu.dma_semaphore, #tpu.memory_space<semaphore_mem>>
        %dma_start3A_70 = arith.constant 0 : i32
        %dma_start3A_71 = tpu.memref_slice %arg8[%add3A_69, %dma_start3A_70] : memref<82x128xi32, #tpu.memory_space<vmem>> -> memref<1x128xi32, #tpu.memory_space<vmem>>
        %dma_start3A_72 = tpu.memref_squeeze %dma_start3A_71 : memref<1x128xi32, #tpu.memory_space<vmem>> -> memref<128xi32, #tpu.memory_space<vmem>>
        %dma_start3A_73 = arith.constant 0 : i32
        %dma_start3A_74 = arith.constant 0 : i32
        %dma_start3A_75 = tpu.memref_slice %arg12[%dma_start3A_73, %dma_start3A_74] : memref<10240x64xf32, #tpu.memory_space<vmem_shared>> -> memref<10240x64xf32, #tpu.memory_space<vmem_shared>>
        tpu.enqueue_indirect_dma source(%arg10 : memref<128x64xf32, #tpu.memory_space<vmem>>) target(%dma_start3A_75 : memref<10240x64xf32, #tpu.memory_space<vmem_shared>>) offsets(%dma_start3A_72 : memref<128xi32, #tpu.memory_space<vmem>>) semaphore(%run_scoped3A : memref<!tpu.dma_semaphore, #tpu.memory_space<semaphore_mem>>) {add = true}
        %dma_wait3A_76 = arith.constant 0 : i32
        %dma_wait3A_77 = tpu.memref_slice %arg8[%add3A_69, %dma_wait3A_76] : memref<82x128xi32, #tpu.memory_space<vmem>> -> memref<1x128xi32, #tpu.memory_space<vmem>>
        %dma_wait3A_78 = tpu.memref_squeeze %dma_wait3A_77 : memref<1x128xi32, #tpu.memory_space<vmem>> -> memref<128xi32, #tpu.memory_space<vmem>>
        %dma_wait3A_79 = arith.constant 0 : i32
        %dma_wait3A_80 = arith.constant 0 : i32
        %dma_wait3A_81 = tpu.memref_slice %arg12[%dma_wait3A_79, %dma_wait3A_80] : memref<10240x64xf32, #tpu.memory_space<vmem_shared>> -> memref<10240x64xf32, #tpu.memory_space<vmem_shared>>
        tpu.wait_indirect_dma semaphore(%run_scoped3A : memref<!tpu.dma_semaphore, #tpu.memory_space<semaphore_mem>>) src(%arg10 : memref<128x64xf32, #tpu.memory_space<vmem>>) dst(%dma_wait3A_81 : memref<10240x64xf32, #tpu.memory_space<vmem_shared>>)
        tpu.yield
      }) : () -> ()
    }
    %scan3A_23 = arith.constant 40 : i32
    %dma_wait3A = arith.constant 80 : i32
    %dma_wait3A_24 = arith.constant 0 : i32
    %dma_wait3A_25 = tpu.memref_slice %arg7[%dma_wait3A, %dma_wait3A_24] : memref<82x128xi32, #tpu.memory_space<vmem>> -> memref<1x128xi32, #tpu.memory_space<vmem>>
    %dma_wait3A_26 = tpu.memref_squeeze %dma_wait3A_25 : memref<1x128xi32, #tpu.memory_space<vmem>> -> memref<128xi32, #tpu.memory_space<vmem>>
    %dma_wait3A_27 = arith.constant 0 : i32
    %dma_wait3A_28 = arith.constant 0 : i32
    %dma_wait3A_29 = tpu.memref_slice %arg11[%dma_wait3A_27, %dma_wait3A_28] : memref<10240x64xf32, #tpu.memory_space<vmem_shared>> -> memref<10240x64xf32, #tpu.memory_space<vmem_shared>>
    tpu.wait_indirect_dma semaphore(%arg13 : memref<!tpu.dma_semaphore, #tpu.memory_space<semaphore_mem>>) src(%dma_wait3A_29 : memref<10240x64xf32, #tpu.memory_space<vmem_shared>>) dst(%arg9 : memref<128x64xf32, #tpu.memory_space<vmem>>)
    %barrier3A_30 = arith.constant 0 : index
    tpu.barrier barrier_id(%barrier3A_30)
    %mul3A_31 = arith.constant 640 : i32
    %mul3A_32 = arith.muli %arg1, %mul3A_31 : i32
    %mul3A_33 = arith.constant 640 : i32
    %mul3A_34 = arith.muli %arg1, %mul3A_33 : i32
    "tpu.region"() ({
      %run_scoped3A = tpu.sem_alloc : memref<!tpu.dma_semaphore, #tpu.memory_space<semaphore_mem>>
      %dma_start3A_35 = arith.constant 0 : i32
      %dma_start3A_36 = tpu.memref_slice %arg6[%arg0, %mul3A_34, %dma_start3A_35] : memref<2x10240x64xf32, #tpu.memory_space<hbm>> -> memref<1x640x64xf32, #tpu.memory_space<hbm>>
      %dma_start3A_37 = tpu.memref_squeeze %dma_start3A_36 : memref<1x640x64xf32, #tpu.memory_space<hbm>> -> memref<640x64xf32, #tpu.memory_space<hbm>>
      %dma_start3A_38 = arith.constant 0 : i32
      %dma_start3A_39 = tpu.memref_slice %arg12[%mul3A_32, %dma_start3A_38] : memref<10240x64xf32, #tpu.memory_space<vmem_shared>> -> memref<640x64xf32, #tpu.memory_space<vmem_shared>>
      tpu.enqueue_dma source(%dma_start3A_39 : memref<640x64xf32, #tpu.memory_space<vmem_shared>>) target(%dma_start3A_37 : memref<640x64xf32, #tpu.memory_space<hbm>>) target_semaphore(%run_scoped3A : memref<!tpu.dma_semaphore, #tpu.memory_space<semaphore_mem>>)
      %dma_wait3A_40 = arith.constant 0 : i32
      %dma_wait3A_41 = tpu.memref_slice %arg6[%arg0, %mul3A_34, %dma_wait3A_40] : memref<2x10240x64xf32, #tpu.memory_space<hbm>> -> memref<1x640x64xf32, #tpu.memory_space<hbm>>
      %dma_wait3A_42 = tpu.memref_squeeze %dma_wait3A_41 : memref<1x640x64xf32, #tpu.memory_space<hbm>> -> memref<640x64xf32, #tpu.memory_space<hbm>>
      %dma_wait3A_43 = arith.constant 0 : i32
      %dma_wait3A_44 = tpu.memref_slice %arg12[%mul3A_32, %dma_wait3A_43] : memref<10240x64xf32, #tpu.memory_space<vmem_shared>> -> memref<640x64xf32, #tpu.memory_space<vmem_shared>>
      tpu.wait_dma2 semaphore(%run_scoped3A : memref<!tpu.dma_semaphore, #tpu.memory_space<semaphore_mem>>) src(%dma_wait3A_44 : memref<640x64xf32, #tpu.memory_space<vmem_shared>>) dst(%dma_wait3A_42 : memref<640x64xf32, #tpu.memory_space<hbm>>)
      tpu.yield
    }) : () -> ()
    return
  }
}

module attributes {stable_mosaic.version = 14 : i64} {
  func.func @_tc_a0(%arg0: memref<10000x128xf32, #tpu.memory_space<vmem>>, %arg1: memref<128x64xf32, #tpu.memory_space<vmem>>, %arg2: memref<10000x64xf32, #tpu.memory_space<vmem>>) attributes {dimension_semantics = [], scalar_prefetch = 0 : i64, scratch_operands = 0 : i64, tpu.core_type = #tpu.core_type<tc>} {
    %get3A = arith.constant 0 : index
    %get3A_0 = arith.constant 0 : index
    %get3A_1 = vector.load %arg0[%get3A, %get3A_0] : memref<10000x128xf32, #tpu.memory_space<vmem>>, vector<10000x128xf32>
    %get3A_2 = arith.constant 0 : index
    %get3A_3 = arith.constant 0 : index
    %get3A_4 = vector.load %arg1[%get3A_2, %get3A_3] : memref<128x64xf32, #tpu.memory_space<vmem>>, vector<128x64xf32>
    %dot_general3A = arith.constant dense<0.000000e+00> : vector<10000x64xf32>
    %dot_general3A_5 = tpu.matmul %get3A_1, %get3A_4, %dot_general3A {dimension_numbers = #tpu.dot_dimension_numbers<[1], [0], [0], [1], [0, 0, 1, 1], [], []>, transpose_lhs_hint = false} : vector<10000x128xf32>, vector<128x64xf32>, vector<10000x64xf32> -> vector<10000x64xf32>
    %swap3A = arith.constant 0 : index
    %swap3A_6 = arith.constant 0 : index
    %swap3A_7 = vector.load %arg2[%swap3A, %swap3A_6] : memref<10000x64xf32, #tpu.memory_space<vmem>>, vector<10000x64xf32>
    tpu.vector_store %arg2[%swap3A, %swap3A_6], %dot_general3A_5 {strides = array<i32>} : memref<10000x64xf32, #tpu.memory_space<vmem>>, vector<10000x64xf32>,
    return
  }
}

module attributes {stable_mosaic.version = 14 : i64} {
  func.func @_tc_a(%arg0: memref<10000x64xf32, #tpu.memory_space<vmem>>, %arg1: memref<2x2x10240x16xf32, #tpu.memory_space<vmem>>, %arg2: memref<10240x64xf32, #tpu.memory_space<vmem>>, %arg3: memref<10000x1xf32, #tpu.memory_space<vmem>>, %arg4: memref<10000x1xf32, #tpu.memory_space<vmem>>) attributes {dimension_semantics = [], scalar_prefetch = 0 : i64, scratch_operands = 0 : i64, tpu.core_type = #tpu.core_type<tc>} {
    %get3A = arith.constant 0 : index
    %get3A_0 = arith.constant 0 : index
    %get3A_1 = arith.constant 0 : index
    %get3A_2 = arith.constant 0 : index
    %get3A_3 = vector.load %arg1[%get3A, %get3A_0, %get3A_1, %get3A_2] : memref<2x2x10240x16xf32, #tpu.memory_space<vmem>>, vector<1x1x10000x1xf32>
    %get3A_4 = vector.shape_cast %get3A_3 : vector<1x1x10000x1xf32> to vector<10000x1xf32>
    %get3A_5 = arith.constant 1 : index
    %get3A_6 = arith.constant 0 : index
    %get3A_7 = arith.constant 0 : index
    %get3A_8 = arith.constant 0 : index
    %get3A_9 = vector.load %arg1[%get3A_5, %get3A_6, %get3A_7, %get3A_8] : memref<2x2x10240x16xf32, #tpu.memory_space<vmem>>, vector<1x1x10000x1xf32>
    %get3A_10 = vector.shape_cast %get3A_9 : vector<1x1x10000x1xf32> to vector<10000x1xf32>
    %add3A = arith.addf %get3A_4, %get3A_10 : vector<10000x1xf32>
    %get3A_11 = arith.constant 0 : index
    %get3A_12 = arith.constant 1 : index
    %get3A_13 = arith.constant 0 : index
    %get3A_14 = arith.constant 0 : index
    %get3A_15 = vector.load %arg1[%get3A_11, %get3A_12, %get3A_13, %get3A_14] : memref<2x2x10240x16xf32, #tpu.memory_space<vmem>>, vector<1x1x10000x1xf32>
    %get3A_16 = vector.shape_cast %get3A_15 : vector<1x1x10000x1xf32> to vector<10000x1xf32>
    %get3A_17 = arith.constant 1 : index
    %get3A_18 = arith.constant 1 : index
    %get3A_19 = arith.constant 0 : index
    %get3A_20 = arith.constant 0 : index
    %get3A_21 = vector.load %arg1[%get3A_17, %get3A_18, %get3A_19, %get3A_20] : memref<2x2x10240x16xf32, #tpu.memory_space<vmem>>, vector<1x1x10000x1xf32>
    %get3A_22 = vector.shape_cast %get3A_21 : vector<1x1x10000x1xf32> to vector<10000x1xf32>
    %add3A_23 = arith.addf %get3A_16, %get3A_22 : vector<10000x1xf32>
    %max3A = arith.constant 1.000000e+00 : f32
    %max3A_24 = vector.broadcast %max3A : f32 to vector<10000x1xf32>
    %max3A_25 = arith.maximumf %add3A, %max3A_24 : vector<10000x1xf32>
    %rsqrt3A = math.rsqrt %max3A_25 : vector<10000x1xf32>
    %max3A_26 = arith.constant 1.000000e+00 : f32
    %max3A_27 = vector.broadcast %max3A_26 : f32 to vector<10000x1xf32>
    %max3A_28 = arith.maximumf %add3A_23, %max3A_27 : vector<10000x1xf32>
    %rsqrt3A_29 = math.rsqrt %max3A_28 : vector<10000x1xf32>
    %swap3A = arith.constant 0 : index
    %swap3A_30 = arith.constant 0 : index
    %swap3A_31 = vector.load %arg3[%swap3A, %swap3A_30] : memref<10000x1xf32, #tpu.memory_space<vmem>>, vector<10000x1xf32>
    tpu.vector_store %arg3[%swap3A, %swap3A_30], %rsqrt3A {strides = array<i32>} : memref<10000x1xf32, #tpu.memory_space<vmem>>, vector<10000x1xf32>,
    %swap3A_32 = arith.constant 0 : index
    %swap3A_33 = arith.constant 0 : index
    %swap3A_34 = vector.load %arg4[%swap3A_32, %swap3A_33] : memref<10000x1xf32, #tpu.memory_space<vmem>>, vector<10000x1xf32>
    tpu.vector_store %arg4[%swap3A_32, %swap3A_33], %rsqrt3A_29 {strides = array<i32>} : memref<10000x1xf32, #tpu.memory_space<vmem>>, vector<10000x1xf32>,
    %get3A_35 = arith.constant 0 : index
    %get3A_36 = arith.constant 0 : index
    %get3A_37 = vector.load %arg0[%get3A_35, %get3A_36] : memref<10000x64xf32, #tpu.memory_space<vmem>>, vector<10000x64xf32>
    %mul3A = vector.broadcast %rsqrt3A : vector<10000x1xf32> to vector<10000x64xf32>
    %mul3A_38 = arith.mulf %get3A_37, %mul3A : vector<10000x64xf32>
    %swap3A_39 = arith.constant 0 : index
    %swap3A_40 = arith.constant 0 : index
    %swap3A_41 = vector.load %arg2[%swap3A_39, %swap3A_40] : memref<10240x64xf32, #tpu.memory_space<vmem>>, vector<10000x64xf32>
    tpu.vector_store %arg2[%swap3A_39, %swap3A_40], %mul3A_38 {strides = array<i32>} : memref<10240x64xf32, #tpu.memory_space<vmem>>, vector<10000x64xf32>,
    %broadcast_in_dim3A = arith.constant 0.000000e+00 : f32
    %broadcast_in_dim3A_42 = vector.broadcast %broadcast_in_dim3A : f32 to vector<240x64xf32>
    %swap3A_43 = arith.constant 10000 : index
    %swap3A_44 = arith.constant 0 : index
    %swap3A_45 = vector.load %arg2[%swap3A_43, %swap3A_44] : memref<10240x64xf32, #tpu.memory_space<vmem>>, vector<240x64xf32>
    tpu.vector_store %arg2[%swap3A_43, %swap3A_44], %broadcast_in_dim3A_42 {strides = array<i32>} : memref<10240x64xf32, #tpu.memory_space<vmem>>, vector<240x64xf32>,
    return
  }
}

module attributes {stable_mosaic.version = 14 : i64} {
  func.func @_tc_b(%arg0: memref<2x10240x64xf32, #tpu.memory_space<vmem>>, %arg1: memref<10000x1xf32, #tpu.memory_space<vmem>>, %arg2: memref<1x64xf32, #tpu.memory_space<vmem>>, %arg3: memref<1x64xf32, #tpu.memory_space<vmem>>, %arg4: memref<1x64xf32, #tpu.memory_space<vmem>>, %arg5: memref<64x64xf32, #tpu.memory_space<vmem>>, %arg6: memref<10000x1xf32, #tpu.memory_space<vmem>>, %arg7: memref<10240x64xf32, #tpu.memory_space<vmem>>) attributes {dimension_semantics = [], scalar_prefetch = 0 : i64, scratch_operands = 0 : i64, tpu.core_type = #tpu.core_type<tc>} {
    %get3A = arith.constant 0 : index
    %get3A_0 = arith.constant 0 : index
    %get3A_1 = arith.constant 0 : index
    %get3A_2 = vector.load %arg0[%get3A, %get3A_0, %get3A_1] : memref<2x10240x64xf32, #tpu.memory_space<vmem>>, vector<1x10000x64xf32>
    %get3A_3 = vector.shape_cast %get3A_2 : vector<1x10000x64xf32> to vector<10000x64xf32>
    %get3A_4 = arith.constant 1 : index
    %get3A_5 = arith.constant 0 : index
    %get3A_6 = arith.constant 0 : index
    %get3A_7 = vector.load %arg0[%get3A_4, %get3A_5, %get3A_6] : memref<2x10240x64xf32, #tpu.memory_space<vmem>>, vector<1x10000x64xf32>
    %get3A_8 = vector.shape_cast %get3A_7 : vector<1x10000x64xf32> to vector<10000x64xf32>
    %add3A = arith.addf %get3A_3, %get3A_8 : vector<10000x64xf32>
    %get3A_9 = arith.constant 0 : index
    %get3A_10 = arith.constant 0 : index
    %get3A_11 = vector.load %arg1[%get3A_9, %get3A_10] : memref<10000x1xf32, #tpu.memory_space<vmem>>, vector<10000x1xf32>
    %mul3A = vector.broadcast %get3A_11 : vector<10000x1xf32> to vector<10000x64xf32>
    %mul3A_12 = arith.mulf %add3A, %mul3A : vector<10000x64xf32>
    %get3A_13 = arith.constant 0 : index
    %get3A_14 = arith.constant 0 : index
    %get3A_15 = vector.load %arg2[%get3A_13, %get3A_14] : memref<1x64xf32, #tpu.memory_space<vmem>>, vector<1x64xf32>
    %add3A_16 = vector.broadcast %get3A_15 : vector<1x64xf32> to vector<10000x64xf32>
    %add3A_17 = arith.addf %mul3A_12, %add3A_16 : vector<10000x64xf32>
    %get3A_18 = arith.constant 0 : index
    %get3A_19 = arith.constant 0 : index
    %get3A_20 = vector.load %arg3[%get3A_18, %get3A_19] : memref<1x64xf32, #tpu.memory_space<vmem>>, vector<1x64xf32>
    %get3A_21 = arith.constant 0 : index
    %get3A_22 = arith.constant 0 : index
    %get3A_23 = vector.load %arg4[%get3A_21, %get3A_22] : memref<1x64xf32, #tpu.memory_space<vmem>>, vector<1x64xf32>
    %reduce_sum3A = arith.constant dense<0.000000e+00> : vector<64xf32>
    %reduce_sum3A_24 = vector.multi_reduction <add>, %add3A_17, %reduce_sum3A [0] : vector<10000x64xf32> to vector<64xf32>
    %broadcast_in_dim3A = vector.shape_cast %reduce_sum3A_24 : vector<64xf32> to vector<1x64xf32>
    %div3A = arith.constant 1.000000e+04 : f32
    %div3A_25 = vector.broadcast %div3A : f32 to vector<1x64xf32>
    %div3A_26 = arith.divf %broadcast_in_dim3A, %div3A_25 : vector<1x64xf32>
    %sub3A = vector.broadcast %div3A_26 : vector<1x64xf32> to vector<10000x64xf32>
    %sub3A_27 = arith.subf %add3A_17, %sub3A : vector<10000x64xf32>
    %sub3A_28 = vector.broadcast %div3A_26 : vector<1x64xf32> to vector<10000x64xf32>
    %sub3A_29 = arith.subf %add3A_17, %sub3A_28 : vector<10000x64xf32>
    %mul3A_30 = arith.mulf %sub3A_27, %sub3A_29 : vector<10000x64xf32>
    %reduce_sum3A_31 = arith.constant dense<0.000000e+00> : vector<64xf32>
    %reduce_sum3A_32 = vector.multi_reduction <add>, %mul3A_30, %reduce_sum3A_31 [0] : vector<10000x64xf32> to vector<64xf32>
    %broadcast_in_dim3A_33 = vector.shape_cast %reduce_sum3A_32 : vector<64xf32> to vector<1x64xf32>
    %div3A_34 = arith.constant 1.000000e+04 : f32
    %div3A_35 = vector.broadcast %div3A_34 : f32 to vector<1x64xf32>
    %div3A_36 = arith.divf %broadcast_in_dim3A_33, %div3A_35 : vector<1x64xf32>
    %sub3A_37 = vector.broadcast %div3A_26 : vector<1x64xf32> to vector<10000x64xf32>
    %sub3A_38 = arith.subf %add3A_17, %sub3A_37 : vector<10000x64xf32>
    %mul3A_39 = vector.broadcast %get3A_20 : vector<1x64xf32> to vector<10000x64xf32>
    %mul3A_40 = arith.mulf %mul3A_39, %sub3A_38 : vector<10000x64xf32>
    %add3A_41 = arith.constant 9.99999974E-6 : f32
    %add3A_42 = vector.broadcast %add3A_41 : f32 to vector<1x64xf32>
    %add3A_43 = arith.addf %div3A_36, %add3A_42 : vector<1x64xf32>
    %rsqrt3A = math.rsqrt %add3A_43 : vector<1x64xf32>
    %mul3A_44 = vector.broadcast %rsqrt3A : vector<1x64xf32> to vector<10000x64xf32>
    %mul3A_45 = arith.mulf %mul3A_40, %mul3A_44 : vector<10000x64xf32>
    %add3A_46 = vector.broadcast %get3A_23 : vector<1x64xf32> to vector<10000x64xf32>
    %add3A_47 = arith.addf %mul3A_45, %add3A_46 : vector<10000x64xf32>
    %gt3A = arith.constant 0.000000e+00 : f32
    %gt3A_48 = vector.broadcast %gt3A : f32 to vector<10000x64xf32>
    %gt3A_49 = arith.cmpf ogt, %add3A_47, %gt3A_48 : vector<10000x64xf32>
    %mul3A_50 = arith.constant 0.00999999977 : f32
    %mul3A_51 = vector.broadcast %mul3A_50 : f32 to vector<10000x64xf32>
    %mul3A_52 = arith.mulf %mul3A_51, %add3A_47 : vector<10000x64xf32>
    %select_n3A = arith.select %gt3A_49, %add3A_47, %mul3A_52 : vector<10000x64xi1>, vector<10000x64xf32>
    %get3A_53 = arith.constant 0 : index
    %get3A_54 = arith.constant 0 : index
    %get3A_55 = vector.load %arg5[%get3A_53, %get3A_54] : memref<64x64xf32, #tpu.memory_space<vmem>>, vector<64x64xf32>
    %dot_general3A = arith.constant dense<0.000000e+00> : vector<10000x64xf32>
    %dot_general3A_56 = tpu.matmul %select_n3A, %get3A_55, %dot_general3A {dimension_numbers = #tpu.dot_dimension_numbers<[1], [0], [0], [1], [0, 0, 1, 1], [], []>, transpose_lhs_hint = false} : vector<10000x64xf32>, vector<64x64xf32>, vector<10000x64xf32> -> vector<10000x64xf32>
    %get3A_57 = arith.constant 0 : index
    %get3A_58 = arith.constant 0 : index
    %get3A_59 = vector.load %arg6[%get3A_57, %get3A_58] : memref<10000x1xf32, #tpu.memory_space<vmem>>, vector<10000x1xf32>
    %mul3A_60 = vector.broadcast %get3A_59 : vector<10000x1xf32> to vector<10000x64xf32>
    %mul3A_61 = arith.mulf %dot_general3A_56, %mul3A_60 : vector<10000x64xf32>
    %swap3A = arith.constant 0 : index
    %swap3A_62 = arith.constant 0 : index
    %swap3A_63 = vector.load %arg7[%swap3A, %swap3A_62] : memref<10240x64xf32, #tpu.memory_space<vmem>>, vector<10000x64xf32>
    tpu.vector_store %arg7[%swap3A, %swap3A_62], %mul3A_61 {strides = array<i32>} : memref<10240x64xf32, #tpu.memory_space<vmem>>, vector<10000x64xf32>,
    %broadcast_in_dim3A_64 = arith.constant 0.000000e+00 : f32
    %broadcast_in_dim3A_65 = vector.broadcast %broadcast_in_dim3A_64 : f32 to vector<240x64xf32>
    %swap3A_66 = arith.constant 10000 : index
    %swap3A_67 = arith.constant 0 : index
    %swap3A_68 = vector.load %arg7[%swap3A_66, %swap3A_67] : memref<10240x64xf32, #tpu.memory_space<vmem>>, vector<240x64xf32>
    tpu.vector_store %arg7[%swap3A_66, %swap3A_67], %broadcast_in_dim3A_65 {strides = array<i32>} : memref<10240x64xf32, #tpu.memory_space<vmem>>, vector<240x64xf32>,
    return
  }
}

module attributes {stable_mosaic.version = 14 : i64} {
  func.func @_tc_c(%arg0: memref<2x10240x64xf32, #tpu.memory_space<vmem>>, %arg1: memref<10000x1xf32, #tpu.memory_space<vmem>>, %arg2: memref<1x64xf32, #tpu.memory_space<vmem>>, %arg3: memref<1x64xf32, #tpu.memory_space<vmem>>, %arg4: memref<1x64xf32, #tpu.memory_space<vmem>>, %arg5: memref<64x64xf32, #tpu.memory_space<vmem>>, %arg6: memref<64x64xf32, #tpu.memory_space<vmem>>, %arg7: memref<1x64xf32, #tpu.memory_space<vmem>>, %arg8: memref<10000x1xf32, #tpu.memory_space<vmem>>, %arg9: memref<10000x1xf32, #tpu.memory_space<vmem>>, %arg10: memref<10240x64xf32, #tpu.memory_space<vmem>>, %arg11: memref<10240x64xf32, #tpu.memory_space<vmem>>) attributes {dimension_semantics = [], scalar_prefetch = 0 : i64, scratch_operands = 0 : i64, tpu.core_type = #tpu.core_type<tc>} {
    %get3A = arith.constant 0 : index
    %get3A_0 = arith.constant 0 : index
    %get3A_1 = arith.constant 0 : index
    %get3A_2 = vector.load %arg0[%get3A, %get3A_0, %get3A_1] : memref<2x10240x64xf32, #tpu.memory_space<vmem>>, vector<1x10000x64xf32>
    %get3A_3 = vector.shape_cast %get3A_2 : vector<1x10000x64xf32> to vector<10000x64xf32>
    %get3A_4 = arith.constant 1 : index
    %get3A_5 = arith.constant 0 : index
    %get3A_6 = arith.constant 0 : index
    %get3A_7 = vector.load %arg0[%get3A_4, %get3A_5, %get3A_6] : memref<2x10240x64xf32, #tpu.memory_space<vmem>>, vector<1x10000x64xf32>
    %get3A_8 = vector.shape_cast %get3A_7 : vector<1x10000x64xf32> to vector<10000x64xf32>
    %add3A = arith.addf %get3A_3, %get3A_8 : vector<10000x64xf32>
    %get3A_9 = arith.constant 0 : index
    %get3A_10 = arith.constant 0 : index
    %get3A_11 = vector.load %arg1[%get3A_9, %get3A_10] : memref<10000x1xf32, #tpu.memory_space<vmem>>, vector<10000x1xf32>
    %mul3A = vector.broadcast %get3A_11 : vector<10000x1xf32> to vector<10000x64xf32>
    %mul3A_12 = arith.mulf %add3A, %mul3A : vector<10000x64xf32>
    %get3A_13 = arith.constant 0 : index
    %get3A_14 = arith.constant 0 : index
    %get3A_15 = vector.load %arg2[%get3A_13, %get3A_14] : memref<1x64xf32, #tpu.memory_space<vmem>>, vector<1x64xf32>
    %add3A_16 = vector.broadcast %get3A_15 : vector<1x64xf32> to vector<10000x64xf32>
    %add3A_17 = arith.addf %mul3A_12, %add3A_16 : vector<10000x64xf32>
    %get3A_18 = arith.constant 0 : index
    %get3A_19 = arith.constant 0 : index
    %get3A_20 = vector.load %arg3[%get3A_18, %get3A_19] : memref<1x64xf32, #tpu.memory_space<vmem>>, vector<1x64xf32>
    %get3A_21 = arith.constant 0 : index
    %get3A_22 = arith.constant 0 : index
    %get3A_23 = vector.load %arg4[%get3A_21, %get3A_22] : memref<1x64xf32, #tpu.memory_space<vmem>>, vector<1x64xf32>
    %reduce_sum3A = arith.constant dense<0.000000e+00> : vector<64xf32>
    %reduce_sum3A_24 = vector.multi_reduction <add>, %add3A_17, %reduce_sum3A [0] : vector<10000x64xf32> to vector<64xf32>
    %broadcast_in_dim3A = vector.shape_cast %reduce_sum3A_24 : vector<64xf32> to vector<1x64xf32>
    %div3A = arith.constant 1.000000e+04 : f32
    %div3A_25 = vector.broadcast %div3A : f32 to vector<1x64xf32>
    %div3A_26 = arith.divf %broadcast_in_dim3A, %div3A_25 : vector<1x64xf32>
    %sub3A = vector.broadcast %div3A_26 : vector<1x64xf32> to vector<10000x64xf32>
    %sub3A_27 = arith.subf %add3A_17, %sub3A : vector<10000x64xf32>
    %sub3A_28 = vector.broadcast %div3A_26 : vector<1x64xf32> to vector<10000x64xf32>
    %sub3A_29 = arith.subf %add3A_17, %sub3A_28 : vector<10000x64xf32>
    %mul3A_30 = arith.mulf %sub3A_27, %sub3A_29 : vector<10000x64xf32>
    %reduce_sum3A_31 = arith.constant dense<0.000000e+00> : vector<64xf32>
    %reduce_sum3A_32 = vector.multi_reduction <add>, %mul3A_30, %reduce_sum3A_31 [0] : vector<10000x64xf32> to vector<64xf32>
    %broadcast_in_dim3A_33 = vector.shape_cast %reduce_sum3A_32 : vector<64xf32> to vector<1x64xf32>
    %div3A_34 = arith.constant 1.000000e+04 : f32
    %div3A_35 = vector.broadcast %div3A_34 : f32 to vector<1x64xf32>
    %div3A_36 = arith.divf %broadcast_in_dim3A_33, %div3A_35 : vector<1x64xf32>
    %sub3A_37 = vector.broadcast %div3A_26 : vector<1x64xf32> to vector<10000x64xf32>
    %sub3A_38 = arith.subf %add3A_17, %sub3A_37 : vector<10000x64xf32>
    %mul3A_39 = vector.broadcast %get3A_20 : vector<1x64xf32> to vector<10000x64xf32>
    %mul3A_40 = arith.mulf %mul3A_39, %sub3A_38 : vector<10000x64xf32>
    %add3A_41 = arith.constant 9.99999974E-6 : f32
    %add3A_42 = vector.broadcast %add3A_41 : f32 to vector<1x64xf32>
    %add3A_43 = arith.addf %div3A_36, %add3A_42 : vector<1x64xf32>
    %rsqrt3A = math.rsqrt %add3A_43 : vector<1x64xf32>
    %mul3A_44 = vector.broadcast %rsqrt3A : vector<1x64xf32> to vector<10000x64xf32>
    %mul3A_45 = arith.mulf %mul3A_40, %mul3A_44 : vector<10000x64xf32>
    %add3A_46 = vector.broadcast %get3A_23 : vector<1x64xf32> to vector<10000x64xf32>
    %add3A_47 = arith.addf %mul3A_45, %add3A_46 : vector<10000x64xf32>
    %gt3A = arith.constant 0.000000e+00 : f32
    %gt3A_48 = vector.broadcast %gt3A : f32 to vector<10000x64xf32>
    %gt3A_49 = arith.cmpf ogt, %add3A_47, %gt3A_48 : vector<10000x64xf32>
    %mul3A_50 = arith.constant 0.00999999977 : f32
    %mul3A_51 = vector.broadcast %mul3A_50 : f32 to vector<10000x64xf32>
    %mul3A_52 = arith.mulf %mul3A_51, %add3A_47 : vector<10000x64xf32>
    %select_n3A = arith.select %gt3A_49, %add3A_47, %mul3A_52 : vector<10000x64xi1>, vector<10000x64xf32>
    %get3A_53 = arith.constant 0 : index
    %get3A_54 = arith.constant 0 : index
    %get3A_55 = vector.load %arg5[%get3A_53, %get3A_54] : memref<64x64xf32, #tpu.memory_space<vmem>>, vector<64x64xf32>
    %dot_general3A = arith.constant dense<0.000000e+00> : vector<10000x64xf32>
    %dot_general3A_56 = tpu.matmul %select_n3A, %get3A_55, %dot_general3A {dimension_numbers = #tpu.dot_dimension_numbers<[1], [0], [0], [1], [0, 0, 1, 1], [], []>, transpose_lhs_hint = false} : vector<10000x64xf32>, vector<64x64xf32>, vector<10000x64xf32> -> vector<10000x64xf32>
    %get3A_57 = arith.constant 0 : index
    %get3A_58 = arith.constant 0 : index
    %get3A_59 = vector.load %arg9[%get3A_57, %get3A_58] : memref<10000x1xf32, #tpu.memory_space<vmem>>, vector<10000x1xf32>
    %mul3A_60 = vector.broadcast %get3A_59 : vector<10000x1xf32> to vector<10000x64xf32>
    %mul3A_61 = arith.mulf %dot_general3A_56, %mul3A_60 : vector<10000x64xf32>
    %swap3A = arith.constant 0 : index
    %swap3A_62 = arith.constant 0 : index
    %swap3A_63 = vector.load %arg10[%swap3A, %swap3A_62] : memref<10240x64xf32, #tpu.memory_space<vmem>>, vector<10000x64xf32>
    tpu.vector_store %arg10[%swap3A, %swap3A_62], %mul3A_61 {strides = array<i32>} : memref<10240x64xf32, #tpu.memory_space<vmem>>, vector<10000x64xf32>,
    %broadcast_in_dim3A_64 = arith.constant 0.000000e+00 : f32
    %broadcast_in_dim3A_65 = vector.broadcast %broadcast_in_dim3A_64 : f32 to vector<240x64xf32>
    %swap3A_66 = arith.constant 10000 : index
    %swap3A_67 = arith.constant 0 : index
    %swap3A_68 = vector.load %arg10[%swap3A_66, %swap3A_67] : memref<10240x64xf32, #tpu.memory_space<vmem>>, vector<240x64xf32>
    tpu.vector_store %arg10[%swap3A_66, %swap3A_67], %broadcast_in_dim3A_65 {strides = array<i32>} : memref<10240x64xf32, #tpu.memory_space<vmem>>, vector<240x64xf32>,
    %get3A_69 = arith.constant 0 : index
    %get3A_70 = arith.constant 0 : index
    %get3A_71 = vector.load %arg6[%get3A_69, %get3A_70] : memref<64x64xf32, #tpu.memory_space<vmem>>, vector<64x64xf32>
    %dot_general3A_72 = arith.constant dense<0.000000e+00> : vector<10000x64xf32>
    %dot_general3A_73 = tpu.matmul %select_n3A, %get3A_71, %dot_general3A_72 {dimension_numbers = #tpu.dot_dimension_numbers<[1], [0], [0], [1], [0, 0, 1, 1], [], []>, transpose_lhs_hint = false} : vector<10000x64xf32>, vector<64x64xf32>, vector<10000x64xf32> -> vector<10000x64xf32>
    %get3A_74 = arith.constant 0 : index
    %get3A_75 = arith.constant 0 : index
    %get3A_76 = vector.load %arg8[%get3A_74, %get3A_75] : memref<10000x1xf32, #tpu.memory_space<vmem>>, vector<10000x1xf32>
    %get3A_77 = arith.constant 0 : index
    %get3A_78 = arith.constant 0 : index
    %get3A_79 = vector.load %arg7[%get3A_77, %get3A_78] : memref<1x64xf32, #tpu.memory_space<vmem>>, vector<1x64xf32>
    %mul3A_80 = vector.broadcast %get3A_76 : vector<10000x1xf32> to vector<10000x64xf32>
    %mul3A_81 = vector.broadcast %get3A_79 : vector<1x64xf32> to vector<10000x64xf32>
    %mul3A_82 = arith.mulf %mul3A_80, %mul3A_81 : vector<10000x64xf32>
    %add3A_83 = arith.addf %dot_general3A_73, %mul3A_82 : vector<10000x64xf32>
    %get3A_84 = arith.constant 0 : index
    %get3A_85 = arith.constant 0 : index
    %get3A_86 = vector.load %arg9[%get3A_84, %get3A_85] : memref<10000x1xf32, #tpu.memory_space<vmem>>, vector<10000x1xf32>
    %mul3A_87 = vector.broadcast %get3A_86 : vector<10000x1xf32> to vector<10000x64xf32>
    %mul3A_88 = arith.mulf %add3A_83, %mul3A_87 : vector<10000x64xf32>
    %swap3A_89 = arith.constant 0 : index
    %swap3A_90 = arith.constant 0 : index
    %swap3A_91 = vector.load %arg11[%swap3A_89, %swap3A_90] : memref<10240x64xf32, #tpu.memory_space<vmem>>, vector<10000x64xf32>
    tpu.vector_store %arg11[%swap3A_89, %swap3A_90], %mul3A_88 {strides = array<i32>} : memref<10240x64xf32, #tpu.memory_space<vmem>>, vector<10000x64xf32>,
    %broadcast_in_dim3A_92 = arith.constant 0.000000e+00 : f32
    %broadcast_in_dim3A_93 = vector.broadcast %broadcast_in_dim3A_92 : f32 to vector<240x64xf32>
    %swap3A_94 = arith.constant 10000 : index
    %swap3A_95 = arith.constant 0 : index
    %swap3A_96 = vector.load %arg11[%swap3A_94, %swap3A_95] : memref<10240x64xf32, #tpu.memory_space<vmem>>, vector<240x64xf32>
    tpu.vector_store %arg11[%swap3A_94, %swap3A_95], %broadcast_in_dim3A_93 {strides = array<i32>} : memref<10240x64xf32, #tpu.memory_space<vmem>>, vector<240x64xf32>,
    return
  }
}

module attributes {stable_mosaic.version = 14 : i64} {
  func.func @_tc_d(%arg0: memref<2x10240x64xf32, #tpu.memory_space<vmem>>, %arg1: memref<2x10240x64xf32, #tpu.memory_space<vmem>>, %arg2: memref<10000x1xf32, #tpu.memory_space<vmem>>, %arg3: memref<1x64xf32, #tpu.memory_space<vmem>>, %arg4: memref<1x64xf32, #tpu.memory_space<vmem>>, %arg5: memref<64x64xf32, #tpu.memory_space<vmem>>, %arg6: memref<10000x1xf32, #tpu.memory_space<vmem>>, %arg7: memref<10240x64xf32, #tpu.memory_space<vmem>>, %arg8: memref<1x64xf32, #tpu.memory_space<vmem>>) attributes {dimension_semantics = [], scalar_prefetch = 0 : i64, scratch_operands = 0 : i64, tpu.core_type = #tpu.core_type<tc>} {
    %get3A = arith.constant 0 : index
    %get3A_0 = arith.constant 0 : index
    %get3A_1 = arith.constant 0 : index
    %get3A_2 = vector.load %arg0[%get3A, %get3A_0, %get3A_1] : memref<2x10240x64xf32, #tpu.memory_space<vmem>>, vector<1x10000x64xf32>
    %get3A_3 = vector.shape_cast %get3A_2 : vector<1x10000x64xf32> to vector<10000x64xf32>
    %get3A_4 = arith.constant 1 : index
    %get3A_5 = arith.constant 0 : index
    %get3A_6 = arith.constant 0 : index
    %get3A_7 = vector.load %arg0[%get3A_4, %get3A_5, %get3A_6] : memref<2x10240x64xf32, #tpu.memory_space<vmem>>, vector<1x10000x64xf32>
    %get3A_8 = vector.shape_cast %get3A_7 : vector<1x10000x64xf32> to vector<10000x64xf32>
    %add3A = arith.addf %get3A_3, %get3A_8 : vector<10000x64xf32>
    %get3A_9 = arith.constant 0 : index
    %get3A_10 = arith.constant 0 : index
    %get3A_11 = vector.load %arg2[%get3A_9, %get3A_10] : memref<10000x1xf32, #tpu.memory_space<vmem>>, vector<10000x1xf32>
    %mul3A = vector.broadcast %get3A_11 : vector<10000x1xf32> to vector<10000x64xf32>
    %mul3A_12 = arith.mulf %add3A, %mul3A : vector<10000x64xf32>
    %get3A_13 = arith.constant 0 : index
    %get3A_14 = arith.constant 0 : index
    %get3A_15 = vector.load %arg3[%get3A_13, %get3A_14] : memref<1x64xf32, #tpu.memory_space<vmem>>, vector<1x64xf32>
    %add3A_16 = vector.broadcast %get3A_15 : vector<1x64xf32> to vector<10000x64xf32>
    %add3A_17 = arith.addf %mul3A_12, %add3A_16 : vector<10000x64xf32>
    %gt3A = arith.constant 0.000000e+00 : f32
    %gt3A_18 = vector.broadcast %gt3A : f32 to vector<10000x64xf32>
    %gt3A_19 = arith.cmpf ogt, %add3A_17, %gt3A_18 : vector<10000x64xf32>
    %mul3A_20 = arith.constant 0.00999999977 : f32
    %mul3A_21 = vector.broadcast %mul3A_20 : f32 to vector<10000x64xf32>
    %mul3A_22 = arith.mulf %mul3A_21, %add3A_17 : vector<10000x64xf32>
    %select_n3A = arith.select %gt3A_19, %add3A_17, %mul3A_22 : vector<10000x64xi1>, vector<10000x64xf32>
    %get3A_23 = arith.constant 0 : index
    %get3A_24 = arith.constant 0 : index
    %get3A_25 = vector.load %arg5[%get3A_23, %get3A_24] : memref<64x64xf32, #tpu.memory_space<vmem>>, vector<64x64xf32>
    %dot_general3A = arith.constant dense<0.000000e+00> : vector<10000x64xf32>
    %dot_general3A_26 = tpu.matmul %select_n3A, %get3A_25, %dot_general3A {dimension_numbers = #tpu.dot_dimension_numbers<[1], [0], [0], [1], [0, 0, 1, 1], [], []>, transpose_lhs_hint = false} : vector<10000x64xf32>, vector<64x64xf32>, vector<10000x64xf32> -> vector<10000x64xf32>
    %get3A_27 = arith.constant 0 : index
    %get3A_28 = arith.constant 0 : index
    %get3A_29 = vector.load %arg6[%get3A_27, %get3A_28] : memref<10000x1xf32, #tpu.memory_space<vmem>>, vector<10000x1xf32>
    %mul3A_30 = vector.broadcast %get3A_29 : vector<10000x1xf32> to vector<10000x64xf32>
    %mul3A_31 = arith.mulf %dot_general3A_26, %mul3A_30 : vector<10000x64xf32>
    %swap3A = arith.constant 0 : index
    %swap3A_32 = arith.constant 0 : index
    %swap3A_33 = vector.load %arg7[%swap3A, %swap3A_32] : memref<10240x64xf32, #tpu.memory_space<vmem>>, vector<10000x64xf32>
    tpu.vector_store %arg7[%swap3A, %swap3A_32], %mul3A_31 {strides = array<i32>} : memref<10240x64xf32, #tpu.memory_space<vmem>>, vector<10000x64xf32>,
    %broadcast_in_dim3A = arith.constant 0.000000e+00 : f32
    %broadcast_in_dim3A_34 = vector.broadcast %broadcast_in_dim3A : f32 to vector<240x64xf32>
    %swap3A_35 = arith.constant 10000 : index
    %swap3A_36 = arith.constant 0 : index
    %swap3A_37 = vector.load %arg7[%swap3A_35, %swap3A_36] : memref<10240x64xf32, #tpu.memory_space<vmem>>, vector<240x64xf32>
    tpu.vector_store %arg7[%swap3A_35, %swap3A_36], %broadcast_in_dim3A_34 {strides = array<i32>} : memref<10240x64xf32, #tpu.memory_space<vmem>>, vector<240x64xf32>,
    %get3A_38 = arith.constant 0 : index
    %get3A_39 = arith.constant 0 : index
    %get3A_40 = arith.constant 0 : index
    %get3A_41 = vector.load %arg1[%get3A_38, %get3A_39, %get3A_40] : memref<2x10240x64xf32, #tpu.memory_space<vmem>>, vector<1x10000x64xf32>
    %get3A_42 = vector.shape_cast %get3A_41 : vector<1x10000x64xf32> to vector<10000x64xf32>
    %get3A_43 = arith.constant 1 : index
    %get3A_44 = arith.constant 0 : index
    %get3A_45 = arith.constant 0 : index
    %get3A_46 = vector.load %arg1[%get3A_43, %get3A_44, %get3A_45] : memref<2x10240x64xf32, #tpu.memory_space<vmem>>, vector<1x10000x64xf32>
    %get3A_47 = vector.shape_cast %get3A_46 : vector<1x10000x64xf32> to vector<10000x64xf32>
    %add3A_48 = arith.addf %get3A_42, %get3A_47 : vector<10000x64xf32>
    %get3A_49 = arith.constant 0 : index
    %get3A_50 = arith.constant 0 : index
    %get3A_51 = vector.load %arg2[%get3A_49, %get3A_50] : memref<10000x1xf32, #tpu.memory_space<vmem>>, vector<10000x1xf32>
    %mul3A_52 = vector.broadcast %get3A_51 : vector<10000x1xf32> to vector<10000x64xf32>
    %mul3A_53 = arith.mulf %add3A_48, %mul3A_52 : vector<10000x64xf32>
    %get3A_54 = arith.constant 0 : index
    %get3A_55 = arith.constant 0 : index
    %get3A_56 = vector.load %arg4[%get3A_54, %get3A_55] : memref<1x64xf32, #tpu.memory_space<vmem>>, vector<1x64xf32>
    %add3A_57 = vector.broadcast %get3A_56 : vector<1x64xf32> to vector<10000x64xf32>
    %add3A_58 = arith.addf %mul3A_53, %add3A_57 : vector<10000x64xf32>
    %gt3A_59 = arith.constant 0.000000e+00 : f32
    %gt3A_60 = vector.broadcast %gt3A_59 : f32 to vector<10000x64xf32>
    %gt3A_61 = arith.cmpf ogt, %add3A_58, %gt3A_60 : vector<10000x64xf32>
    %mul3A_62 = arith.constant 0.00999999977 : f32
    %mul3A_63 = vector.broadcast %mul3A_62 : f32 to vector<10000x64xf32>
    %mul3A_64 = arith.mulf %mul3A_63, %add3A_58 : vector<10000x64xf32>
    %select_n3A_65 = arith.select %gt3A_61, %add3A_58, %mul3A_64 : vector<10000x64xi1>, vector<10000x64xf32>
    %reduce_sum3A = arith.constant dense<0.000000e+00> : vector<64xf32>
    %reduce_sum3A_66 = vector.multi_reduction <add>, %select_n3A_65, %reduce_sum3A [0] : vector<10000x64xf32> to vector<64xf32>
    %broadcast_in_dim3A_67 = vector.shape_cast %reduce_sum3A_66 : vector<64xf32> to vector<1x64xf32>
    %div3A = arith.constant 1.000000e+04 : f32
    %div3A_68 = vector.broadcast %div3A : f32 to vector<1x64xf32>
    %div3A_69 = arith.divf %broadcast_in_dim3A_67, %div3A_68 : vector<1x64xf32>
    %swap3A_70 = arith.constant 0 : index
    %swap3A_71 = arith.constant 0 : index
    %swap3A_72 = vector.load %arg8[%swap3A_70, %swap3A_71] : memref<1x64xf32, #tpu.memory_space<vmem>>, vector<1x64xf32>
    tpu.vector_store %arg8[%swap3A_70, %swap3A_71], %div3A_69 {strides = array<i32>} : memref<1x64xf32, #tpu.memory_space<vmem>>, vector<1x64xf32>,
    return
  }
}

module attributes {stable_mosaic.version = 14 : i64} {
  func.func @_tc_e(%arg0: memref<2x10240x64xf32, #tpu.memory_space<vmem>>, %arg1: memref<10000x1xf32, #tpu.memory_space<vmem>>, %arg2: memref<1x64xf32, #tpu.memory_space<vmem>>, %arg3: memref<64x16xf32, #tpu.memory_space<vmem>>, %arg4: memref<1x16xf32, #tpu.memory_space<vmem>>, %arg5: memref<1x64xf32, #tpu.memory_space<vmem>>, %arg6: memref<64x8xf32, #tpu.memory_space<vmem>>, %arg7: memref<1x8xf32, #tpu.memory_space<vmem>>, %arg8: memref<10000x16xf32, #tpu.memory_space<vmem>>, %arg9: memref<1x8xf32, #tpu.memory_space<vmem>>) attributes {dimension_semantics = [], scalar_prefetch = 0 : i64, scratch_operands = 0 : i64, tpu.core_type = #tpu.core_type<tc>} {
    %get3A = arith.constant 0 : index
    %get3A_0 = arith.constant 0 : index
    %get3A_1 = arith.constant 0 : index
    %get3A_2 = vector.load %arg0[%get3A, %get3A_0, %get3A_1] : memref<2x10240x64xf32, #tpu.memory_space<vmem>>, vector<1x10000x64xf32>
    %get3A_3 = vector.shape_cast %get3A_2 : vector<1x10000x64xf32> to vector<10000x64xf32>
    %get3A_4 = arith.constant 1 : index
    %get3A_5 = arith.constant 0 : index
    %get3A_6 = arith.constant 0 : index
    %get3A_7 = vector.load %arg0[%get3A_4, %get3A_5, %get3A_6] : memref<2x10240x64xf32, #tpu.memory_space<vmem>>, vector<1x10000x64xf32>
    %get3A_8 = vector.shape_cast %get3A_7 : vector<1x10000x64xf32> to vector<10000x64xf32>
    %add3A = arith.addf %get3A_3, %get3A_8 : vector<10000x64xf32>
    %get3A_9 = arith.constant 0 : index
    %get3A_10 = arith.constant 0 : index
    %get3A_11 = vector.load %arg1[%get3A_9, %get3A_10] : memref<10000x1xf32, #tpu.memory_space<vmem>>, vector<10000x1xf32>
    %mul3A = vector.broadcast %get3A_11 : vector<10000x1xf32> to vector<10000x64xf32>
    %mul3A_12 = arith.mulf %add3A, %mul3A : vector<10000x64xf32>
    %get3A_13 = arith.constant 0 : index
    %get3A_14 = arith.constant 0 : index
    %get3A_15 = vector.load %arg2[%get3A_13, %get3A_14] : memref<1x64xf32, #tpu.memory_space<vmem>>, vector<1x64xf32>
    %add3A_16 = vector.broadcast %get3A_15 : vector<1x64xf32> to vector<10000x64xf32>
    %add3A_17 = arith.addf %mul3A_12, %add3A_16 : vector<10000x64xf32>
    %gt3A = arith.constant 0.000000e+00 : f32
    %gt3A_18 = vector.broadcast %gt3A : f32 to vector<10000x64xf32>
    %gt3A_19 = arith.cmpf ogt, %add3A_17, %gt3A_18 : vector<10000x64xf32>
    %mul3A_20 = arith.constant 0.00999999977 : f32
    %mul3A_21 = vector.broadcast %mul3A_20 : f32 to vector<10000x64xf32>
    %mul3A_22 = arith.mulf %mul3A_21, %add3A_17 : vector<10000x64xf32>
    %select_n3A = arith.select %gt3A_19, %add3A_17, %mul3A_22 : vector<10000x64xi1>, vector<10000x64xf32>
    %get3A_23 = arith.constant 0 : index
    %get3A_24 = arith.constant 0 : index
    %get3A_25 = vector.load %arg3[%get3A_23, %get3A_24] : memref<64x16xf32, #tpu.memory_space<vmem>>, vector<64x16xf32>
    %dot_general3A = arith.constant dense<0.000000e+00> : vector<10000x16xf32>
    %dot_general3A_26 = tpu.matmul %select_n3A, %get3A_25, %dot_general3A {dimension_numbers = #tpu.dot_dimension_numbers<[1], [0], [0], [1], [0, 0, 1, 1], [], []>, transpose_lhs_hint = false} : vector<10000x64xf32>, vector<64x16xf32>, vector<10000x16xf32> -> vector<10000x16xf32>
    %get3A_27 = arith.constant 0 : index
    %get3A_28 = arith.constant 0 : index
    %get3A_29 = vector.load %arg4[%get3A_27, %get3A_28] : memref<1x16xf32, #tpu.memory_space<vmem>>, vector<1x16xf32>
    %add3A_30 = vector.broadcast %get3A_29 : vector<1x16xf32> to vector<10000x16xf32>
    %add3A_31 = arith.addf %dot_general3A_26, %add3A_30 : vector<10000x16xf32>
    %swap3A = arith.constant 0 : index
    %swap3A_32 = arith.constant 0 : index
    %swap3A_33 = vector.load %arg8[%swap3A, %swap3A_32] : memref<10000x16xf32, #tpu.memory_space<vmem>>, vector<10000x16xf32>
    tpu.vector_store %arg8[%swap3A, %swap3A_32], %add3A_31 {strides = array<i32>} : memref<10000x16xf32, #tpu.memory_space<vmem>>, vector<10000x16xf32>,
    %get3A_34 = arith.constant 0 : index
    %get3A_35 = arith.constant 0 : index
    %get3A_36 = vector.load %arg5[%get3A_34, %get3A_35] : memref<1x64xf32, #tpu.memory_space<vmem>>, vector<1x64xf32>
    %get3A_37 = arith.constant 0 : index
    %get3A_38 = arith.constant 0 : index
    %get3A_39 = vector.load %arg6[%get3A_37, %get3A_38] : memref<64x8xf32, #tpu.memory_space<vmem>>, vector<64x8xf32>
    %dot_general3A_40 = arith.constant dense<0.000000e+00> : vector<1x8xf32>
    %dot_general3A_41 = tpu.matmul %get3A_36, %get3A_39, %dot_general3A_40 {dimension_numbers = #tpu.dot_dimension_numbers<[1], [0], [0], [1], [0, 0, 1, 1], [], []>, transpose_lhs_hint = false} : vector<1x64xf32>, vector<64x8xf32>, vector<1x8xf32> -> vector<1x8xf32>
    %get3A_42 = arith.constant 0 : index
    %get3A_43 = arith.constant 0 : index
    %get3A_44 = vector.load %arg7[%get3A_42, %get3A_43] : memref<1x8xf32, #tpu.memory_space<vmem>>, vector<1x8xf32>
    %add3A_45 = arith.addf %dot_general3A_41, %get3A_44 : vector<1x8xf32>
    %swap3A_46 = arith.constant 0 : index
    %swap3A_47 = arith.constant 0 : index
    %swap3A_48 = vector.load %arg9[%swap3A_46, %swap3A_47] : memref<1x8xf32, #tpu.memory_space<vmem>>, vector<1x8xf32>
    tpu.vector_store %arg9[%swap3A_46, %swap3A_47], %add3A_45 {strides = array<i32>} : memref<1x8xf32, #tpu.memory_space<vmem>>, vector<1x8xf32>,
    return
  }
}

</mosaic_0001>

<sc_bundles>
// kernel: kernel.13.cloned.1.call-start
scs
__scs_entry_jumppad:
0x0: {  	(pc) =	sbr.rel $0x88, $3  }
0x1: {  	(tag) =	ssettag $0x0;
	lr =	simm.s32 $0x1  }
0x2: {  	[smem:$0x3F8C] =	sst lr;
	_ =	strace $0xD0000000  }
0x3: {  	_ = 	snop  }
0x4: {  	_ = 	snop  }
0x5: {  	_ = 	snop  }
0x6: {  	_ = 	snop  }
0x7: {  	_ = 	snop  }
__scs_overlays_trampoline_lowered:
0x8: {  	[smem:$0x3F9B] =	sst s0  }
0x9: {  	[smem:$0x3F9C] =	sst s1  }
0xa: {  	[smem:$0x3F9D] =	sst s2  }
0xb: {  	[smem:$0x3F9E] =	sst s3  }
0xc: {  	[smem:$0x3F9F] =	sst s4  }
0xd: {  	[smem:$0x3FA0] =	sst s5  }
0xe: {  	[smem:$0x3FA1] =	sst s6  }
0xf: {  	[smem:$0x3FA2] =	sst s7  }
0x10: {  	[smem:$0x3FA3] =	sst s8  }
0x11: {  	[smem:$0x3FA4] =	sst s9;
	s0 =	simm.s32 @!p0 $0x0  }
0x12: {  	s1 =	sld [smem:$0x3F8A];
	s0 =	simm.s32 @p0 $0x1  }
0x13: {  	[smem:$0x3FA5] =	sst s0;
	s0 =	simm.s32 @!p1 $0x0  }
0x14: {  	s2 =	sld [smem:$0x3F89];
	s0 =	simm.s32 @p1 $0x1  }
0x15: {  	[smem:$0x3FA6] =	sst s0;
	s0 =	simm.s32 @!p2 $0x0  }
0x16: {  	s3 =	sld [smem:$0x3FDB];
	s0 =	simm.s32 @p2 $0x1  }
0x17: {  	s4 =	simm.s32 $0x1BF5;
	[smem:$0x3FA8] =	sst s0  }
0x18: {  	s0 =	sld [smem:$0x3F8B];
	_ =	swait.ge [sflag:s4], $0x0  }
0x19: {  	s7 =	sld [smem:$0x3F8C]  }
0x1a: {  	s8 =	sadd.s32 $0xFFFFE003, lr  }
0x1b: {  	s9 =	sadd.s32 $0xFFFFFEF7, lr;
	s5 =	simm.s32 $0xFFFFFFFF;
	p2 =	slt.u32 s8, $0xFFFFF086  }
0x1c: {  	p1 =	slt.u32 s9, $0xF7A;
	s5 =	simm.s32 @!p2 $0x0  }
0x1d: {  	s5 =	simm.s32 @p1 $0x1;
	p0 =	seq.s32 s7, s2  }
0x1e: {  	s7 =	smul.u32 @!p0 $0xF7A, s2;
	p2 =	seq.s32 @!p0 s5, $0x0  }
0x1f: {  	s9 =	smul.u32 $0xF7A, s1;
	s8 =	simm.s32 @!p0 $0x1BF5;
	p2 =	por !p2, p0  }
0x20: {  	[sflag:s8] =	ssyncset.s32 @!p0 $0xFFFFF086;
	s6 =	sadd.s32 @!p0 s3, s7;
	s7 =	simm.s32 @!p0 $0x108  }
0x21: {  	s3 =	sadd.s32 s3, s9;
	s6 =	sadd.s32 @!p0 $0x88, s6;
	s7 =	simm.s32 @p2 $0x1082  }
0x22: {  	[simem:s7], [sflag:s8] =	dma.local @!p0 [hbm:s6], $0xF7A  }
0x23: {  	s9 =	sor.u32 $0xD0000000, s2;
	s6 =	simm.s32 $0x108;
	_ =	swait.ge @!p0 [sflag:s8], $0x0  }
0x24: {  	s3 =	sadd.s32 $0x88, s3;
	s6 =	simm.s32 @!p1 $0x1082;
	[sflag:s4] =	ssyncset.s32 $0xFFFFF086  }
0x25: {  	[simem:s6], [sflag:s4] =	dma.local [hbm:s3], $0xF7A  }
0x26: {  	[smem:$0x3F8C] =	sst s1;
	(tag) =	ssettag s2;
	_ =	strace s9  }
0x27: {  	s1 =	sld [smem:$0x3F9C]  }
0x28: {  	s2 =	sld [smem:$0x3F9D]  }
0x29: {  	s4 =	sld [smem:$0x3F9F]  }
0x2a: {  	p0 =	seq.s32 s5, $0x0;
	s5 =	sld [smem:$0x3FA0]  }
0x2b: {  	s6 =	sld [smem:$0x3FA1]  }
0x2c: {  	s7 =	sld [smem:$0x3FA2]  }
0x2d: {  	s3 =	simm.s32 $0x108;
	s8 =	sld [smem:$0x3FA3]  }
0x2e: {  	s3 =	simm.s32 @!p0 $0x1082;
	s9 =	sld [smem:$0x3FA4]  }
0x2f: {  	lr =	sadd.s32 s0, s3;
	s0 =	sld [smem:$0x3F9B]  }
0x30: {  	s3 =	sld [smem:$0x3F9E]  }
0x31: {  	[smem:$0x3FA7] =	sst s10  }
0x32: {  	s10 =	sld [smem:$0x3FA5];
	_ =	sdelay $0x3  }
0x33: {  	p0 =	seq.s32 s10, $0x1;
	s10 =	sld [smem:$0x3FA7];
	_ =	sdelay $0x3  }
0x34: {  	[smem:$0x3FA7] =	sst s10  }
0x35: {  	s10 =	sld [smem:$0x3FA6];
	_ =	sdelay $0x3  }
0x36: {  	p1 =	seq.s32 s10, $0x1;
	s10 =	sld [smem:$0x3FA7];
	_ =	sdelay $0x3  }
0x37: {  	[smem:$0x3FA7] =	sst s10  }
0x38: {  	s10 =	sld [smem:$0x3FA8]  }
0x39: {  	_ = 	snop;
	(pc) =	sbr.ind lr, $3  }
0x3a: {  	_ = 	snop  }
0x3b: {  	_ = 	snop  }
0x3c: {  	p2 =	seq.s32 s10, $0x1;
	s10 =	sld [smem:$0x3FA7]  }
0x3d: {  	_ =	shalt  }
0x3e: {  	_ =	shalt  }
0x3f: {  	_ =	shalt  }
0x40: {  	_ =	shalt  }
0x41: {  	_ =	shalt  }
0x42: {  	_ =	shalt  }
0x43: {  	_ =	shalt  }
0x44: {  	_ =	shalt  }
0x45: {  	_ =	shalt  }
0x46: {  	_ =	shalt  }
0x47: {  	_ =	shalt  }
0x48: {  	_ =	shalt  }
0x49: {  	_ =	shalt  }
0x4a: {  	_ =	shalt  }
0x4b: {  	_ =	shalt  }
0x4c: {  	_ =	shalt  }
0x4d: {  	_ =	shalt  }
0x4e: {  	_ =	shalt  }
0x4f: {  	_ =	shalt  }
0x50: {  	_ =	shalt  }
0x51: {  	_ =	shalt  }
0x52: {  	_ =	shalt  }
0x53: {  	_ =	shalt  }
0x54: {  	_ =	shalt  }
0x55: {  	_ =	shalt  }
0x56: {  	_ =	shalt  }
0x57: {  	_ =	shalt  }
0x58: {  	_ =	shalt  }
0x59: {  	_ =	shalt  }
0x5a: {  	_ =	shalt  }
0x5b: {  	_ =	shalt  }
0x5c: {  	_ =	shalt  }
0x5d: {  	_ =	shalt  }
0x5e: {  	_ =	shalt  }
0x5f: {  	_ =	shalt  }
0x60: {  	_ =	shalt  }
0x61: {  	_ =	shalt  }
0x62: {  	_ =	shalt  }
0x63: {  	_ =	shalt  }
0x64: {  	_ =	shalt  }
0x65: {  	_ =	shalt  }
0x66: {  	_ =	shalt  }
0x67: {  	_ =	shalt  }
0x68: {  	_ =	shalt  }
0x69: {  	_ =	shalt  }
0x6a: {  	_ =	shalt  }
0x6b: {  	_ =	shalt  }
0x6c: {  	_ =	shalt  }
0x6d: {  	_ =	shalt  }
0x6e: {  	_ =	shalt  }
0x6f: {  	_ =	shalt  }
0x70: {  	_ =	shalt  }
0x71: {  	_ =	shalt  }
0x72: {  	_ =	shalt  }
0x73: {  	_ =	shalt  }
0x74: {  	_ =	shalt  }
0x75: {  	_ =	shalt  }
0x76: {  	_ =	shalt  }
0x77: {  	_ =	shalt  }
0x78: {  	_ =	shalt  }
0x79: {  	_ =	shalt  }
0x7a: {  	_ =	shalt  }
0x7b: {  	_ =	shalt  }
0x7c: {  	_ =	shalt  }
0x7d: {  	_ =	shalt  }
0x7e: {  	_ =	shalt  }
0x7f: {  	_ =	shalt  }
0x80: {  	_ =	shalt  }
0x81: {  	_ =	shalt  }
0x82: {  	_ =	shalt  }
0x83: {  	_ =	shalt  }
0x84: {  	_ =	shalt  }
0x85: {  	_ =	shalt  }
0x86: {  	_ =	shalt  }
0x87: {  	_ =	shalt  }
.Lfunc_end0:
.L_simem_size_0:
called_computation_lowered:
.L_overlay_start_0:
0x88: {  	s2 =	sld [smem:$0x3FD9]  }
0x89: {  	s3 =	sld [smem:$0x3FFE];
	_ =	sdelay $0x1  }
0x8a: {  	s1 =	srdreg.scid  }
0x8b: {  	s0 =	sand.u32 $0x1, s1  }
0x8c: {  	s14 =	sshll.u32 s0, $0xA;
	s2 =	sadd.s32 s3, s2  }
0x8d: {  	s2 =	sadd.s32 s2, s14  }
0x8e: {  	[smem:$0x3FB3] =	sst s2  }
0x8f: {  	_ = 	snop  }
0x90: {  	s2 =	sld [smem:$0x3FD0];
	_ =	sdelay $0x2  }
0x91: {  	s15 =	simm.s32 $0xA;
	s4 =	simm.s32 $0x10  }
0x92: {  	[smem:s4], [sflag:s15] =	dma.local [hbm:s2], $0x1  }
0x93: {  	_ =	swait.eq [sflag:s15], $0x1  }
0x94: {  	[sflag:s15] =	ssyncset.done $0x0  }
0x95: {  	[sflag:s15] =	ssyncadd.s32 $0xFFFFFFFF  }
0x96: {  	s16 =	sld [smem:$0x10];
	(tm) =	ssettm $0x1  }
0x97: {  	s17 =	sld [smem:$0x3FFB];
	_ =	sdelay $0x3  }
0x98: {  	_ =	strace s17  }
0x99: {  	s3 =	sld [smem:$0x3FFC];
	_ =	sdelay $0x3  }
0x9a: {  	_ =	strace s3  }
0x9b: {  	s3 =	sld [smem:$0x3FFD];
	_ =	sdelay $0x3  }
0x9c: {  	_ =	strace s3  }
0x9d: {  	_ =	strace $0x8FFFFFFF  }
0x9e: {  	s18 =	sld [smem:$0x3FDB];
	_ =	sdelay $0x1  }
0x9f: {  	s19 =	simm.s32 $_scs_section_size  }
0xa0: {  	s5 =	simm.s32 $_size__tile_overlayer_lowered;
	s6 =	simm.s32 $_tile_overlayer_lowered  }
0xa1: {  	s22 =	simm.s32 $0x1BFF;
	s21 =	sshll.u32 s6, $0x1;
	s3 =	sadd.s32 s19, s18  }
0xa2: {  	s7 =	simm.s32 $0x0;
	s20 =	sshll.u32 s5, $0x1;
	s5 =	sadd.s32 s21, s3  }
0xa3: {  	[timem:s7], [sflag:s22] =	dma.local [hbm:s5], s20  }
0xa4: {  	_ =	swait.ge [sflag:s22], s20  }
0xa5: {  	s4 =	ssub.s32 $0x0, s20;
	[sflag:s22] =	ssyncset.done $0x0  }
0xa6: {  	[sflag:s22] =	ssyncadd.s32 s4;
	_ =	sdelay $0x1  }
0xa7: {  	s23 =	simm.s32 $0x1B8B  }
0xa8: {  	_ =	swait.ge [sflag:s23], $0x1  }
0xa9: {  	[sflag:s23] =	ssyncset.done $0x0  }
0xaa: {  	s25 =	simm.s32 $0x1B8E;
	s24 =	sld [smem:$0x3FFE];
	[sflag:s23] =	ssyncadd.s32 $0xFFFFFFFF  }
0xab: {  	s26 =	simm.s32 $execute0_lowered;
	[smem:$0x3FD2] =	sst s25  }
0xac: {  	s5 =	sshll.u32 s26, $0x1;
	_ =	strace $0x80000046;
	[dreg:$0x1] =	wrdreg $0xFFFFFFFF  }
0xad: {  	s28 =	simm.s32 $_size_execute0_lowered;
	s3 =	sadd.s32 s3, s5;
	[dreg:$0x0] =	wrdreg $0x0  }
0xae: {  	s5 =	sshll.u32 s28, $0x1;
	[dreg:$0x2] =	wrdreg s3  }
0xaf: {  	[dreg:$0x3] =	wrdreg s5  }
0xb0: {  	[dreg:$0x4] =	wrdreg $0xC0  }
0xb1: {  	_ =	task [dreg:s7], $0x5FFFF  }
0xb2: {  	[dreg:$0x1] =	wrdreg $0xFFFFFFFF  }
0xb3: {  	[dreg:$0x0] =	wrdreg $0x60  }
0xb4: {  	[dreg:$0x2] =	wrdreg s24  }
0xb5: {  	[dreg:$0x3] =	wrdreg s16  }
0xb6: {  	[dreg:$0x4] =	wrdreg $0x5A000  }
0xb7: {  	[dreg:$0x5] =	wrdreg $0x82000  }
0xb8: {  	[dreg:$0x6] =	wrdreg $0x9  }
0xb9: {  	_ =	task.clear_ibuf [dreg:s7], $0x7FFFF;
	_ =	strace $0x90000046  }
0xba: {  	s29 =	simm.s32 $0x9;
	_ =	strace $0x80000048  }
0xbb: {  	_ =	swait.ge [sflag:s29], $0x1  }
0xbc: {  	[sflag:s29] =	ssyncadd.s32 $0xFFFFFFFF  }
0xbd: {  	_ =	strace $0x90000048  }
0xbe: {  	_ =	sfence  }
0xbf: {  	s30 =	sld [smem:$0x0];
	_ =	sdelay $0x2  }
0xc0: {  	s31 =	sshll.u32 s1, $0xD;
	s1 =	sshrl.u32 s1, $0x2  }
0xc1: {  	s3 =	sand.u32 $0x4000, s31;
	s1 =	sadd.s32 s1, s30  }
0xc2: {  	s0 =	sor.u32 s3, s0;
	s1 =	sshll.u32 s1, $0x11  }
0xc3: {  	s0 =	sor.u32 s1, s0  }
0xc4: {  	s0 =	sadd.s32 $0x8F2B, s0  }
0xc5: {  	[sflag:s0] =	ssyncadd.remote.s32 $0x1  }
0xc6: {  	_ =	sfence.sel $0xFFFF  }
0xc7: {  	[dreg:$0x0] =	wrdreg $0xFFFFFFFF;
	(pc) =	sbr.abs _section_cstart, $3  }
0xc8: {  	[dreg:$0x1] =	wrdreg $0xFFFFFFFF  }
0xc9: {  	_ =	task.clear_ibuf [dreg:s7], $0x2FFFF;
	_ =	strace $0x9FFFFFFF  }
0xca: {  	(tm) =	ssettm $0x7FFFFFFF  }
0xcb: {  	_ =	shalt  }
tec
execute0_lowered:
.L_overlay_start_1:
0x0: {  	(tag) =	ssettag $0x1  }
0x1: {  	s6 =	rddreg [dreg:$0x0]  }
0x2: {  	s1 =	rddreg [dreg:$0x1]  }
0x3: {  	s3 =	rddreg [dreg:$0x2]  }
0x4: {  	s0 =	srdreg.scid;
	s4 =	rddreg [dreg:$0x3]  }
0x5: {  	s5 =	simm.s32 $0x0;
	s16 =	simm.s32 $0x2900;
	s17 =	simm.s32 $0x5200  }
0x6: {  	s18 =	simm.s32 $0x80;
	s19 =	simm.s32 $0x1;
	s20 =	simm.s32 $0x2  }
0x7: {  	s21 =	simm.s32 $0x0;
	s7 =	sand.u32 $0x1, s0;
	s0 =	stileid.u32  }
0x8: {  	[smem:$0x7FF] =	sst s5;
	s2 =	sshll.u32 s7, $0x4;
	s9 =	smul.u32 $0x2800, s0  }
0x9: {  	s10 =	smul.u32 $0x50000, s7;
	s7 =	ssub.s32 $0x2, s7;
	s2 =	sor.u32 s0, s2  }
0xa: {  	s31 =	sshll.u32 s0, $0x6;
	s12 =	sshrl.u32 s7, $0x1;
	s8 =	smul.u32 $0x520, s2  }
0xb: {  	s2 =	rddreg [dreg:$0x4];
	_ =	strace $0x80000047;
	s30 =	sshrl.u32 s9, $0x3  }
0xc: {  	s10 =	sadd.s32 s9, s10;
	s12 =	ssub.s32 s7, s12;
	s14 =	sadd.s32 s9, s3  }
0xd: {  	s7 =	sor.u32 $0x1C03, s31;
	s15 =	sadd.s32 s9, s4;
	s10 =	sshrl.u32 s10, $0x3  }
0xe: {  	s12 =	smax.u32 s12, $0x1;
	s11 =	sadd.s32 s8, s6;
	s8 =	sadd.s32 s30, s6  }
0xf: {  	s15 =	sshrl.u32 s15, $0x3;
	s13 =	sadd.s32 s10, s6;
	s6 =	sadd.s32 $0x19000, s8  }
0x10: {  	s8 =	sadd.s32 $0xEC00, s11;
	s9 =	sadd.s32 $0x4800, s11;
	s10 =	sadd.s32 $0x1E000, s13  }
0x11: {  	s11 =	sadd.s32 $0x23000, s13;
	s13 =	sshrl.u32 s14, $0x3;
	s14 =	simm.s32 $0x3  }
.LBB2_1:
0x12: {  	[spmem:s13], [sflag:s7] =	dma.local [hbm:s6], $0x500  }
0x13: {  	_ =	swait.ge [sflag:s14], $0x500  }
0x14: {  	[sflag:s14] =	ssyncset.done $0x0  }
0x15: {  	[sflag:s14] =	ssyncadd.s32 $0xFFFFFB00  }
0x16: {  	[spmem:s15], [sflag:s7] =	dma.local [hbm:s6], $0x500  }
0x17: {  	_ =	swait.ge [sflag:s14], $0x500  }
0x18: {  	[sflag:s14] =	ssyncset.done $0x0  }
0x19: {  	[sflag:s14] =	ssyncadd.s32 $0xFFFFFB00  }
0x1a: {  	[tilespmem:s5], [sflag:$0x3] =	stream.linear.gather [hbm4b:s8+s5], $0x2900, $0x38;
	[tilespmem:$0xAA00] =	vst v63  }
0x1b: {  	_ =	swait.ge [sflag:s14], $0x2900  }
0x1c: {  	[sflag:s14] =	ssyncset.done $0x0  }
0x1d: {  	[sflag:s14] =	ssyncadd.s32 $0xFFFFD700  }
0x1e: {  	[tilespmem:s16], [sflag:$0x3] =	stream.linear.gather [hbm4b:s9+s5], $0x2900, $0x38;
	[tilespmem:$0xAA00] =	vst v63  }
0x1f: {  	_ =	swait.ge [sflag:s14], $0x2900  }
0x20: {  	[sflag:s14] =	ssyncset.done $0x0  }
0x21: {  	[sflag:s14] =	ssyncadd.s32 $0xFFFFD700  }
0x22: {  	[tilespmem:s17], [sflag:$0x3] =	stream.linear.gather [hbm4b:s1+s5], $0x800, $0x38;
	[tilespmem:$0xAA00] =	vst v63  }
0x23: {  	_ =	swait.ge [sflag:s14], $0x800  }
0x24: {  	[sflag:s14] =	ssyncset.done $0x0  }
0x25: {  	[sflag:s14] =	ssyncadd.s32 $0xFFFFF800  }
0x26: {  	s22 =	simm.s32 $0x0;
	[bflag:$0x0] =	sbarrier.arrive $0xFFFF  }
0x27: {  	[spmem:s3] =	stream.indirect.scatter.add.f32 [tilespmem:s17], [sflag:$0x1], $0x10, s22, s18, $0xb8;
	[tilespmem:$0xAA00] =	vst v63  }
0x28: {  	s23 =	simm.s32 $0x2900;
	s22 =	simm.s32 $0x200  }
.LBB2_2:
0x29: {  	[spmem:s4] =	stream.indirect.scatter.add.f32 [tilespmem:s17], [sflag:$0x2], $0x10, s23, s18, $0xb8;
	[tilespmem:$0xAA00] =	vst v63  }
0x2a: {  	s23 =	smov.u32 s22;
	p0 =	sne.s32 s22, $0x9E00  }
.Ltmp0:
0x2b: {  	s22 =	sadd.s32 $0x200, s22;
	(pc) =	sbr.rel @p0 .LBB2_2-.Ltmp0, $4  }
0x2c: {  	_ = 	snop  }
0x2d: {  	s23 =	sshra.s32 s23, $0x2  }
0x2e: {  	[spmem:s3] =	stream.indirect.scatter.add.f32 [tilespmem:s17], [sflag:$0x1], $0x10, s23, s18, $0xb8;
	[tilespmem:$0xAA00] =	vst v63  }
0x2f: {  	s23 =	sadd.s32 $0x2900, s23  }
0x30: {  	[spmem:s4] =	stream.indirect.scatter.add.f32 [tilespmem:s17], [sflag:$0x2], $0x10, s23, s18, $0xb8;
	[tilespmem:$0xAA00] =	vst v63  }
0x31: {  	_ =	swait.ge [sflag:s19], $0x800  }
0x32: {  	[sflag:s19] =	ssyncset.done $0x0  }
0x33: {  	[sflag:s19] =	ssyncadd.s32 $0xFFFFF800  }
0x34: {  	_ =	swait.ge [sflag:s20], $0x800  }
0x35: {  	s22 =	simm.s32 $0x4F;
	[sflag:s20] =	ssyncset.done $0x0  }
.LBB2_4:
0x36: {  	p0 =	sne.s32 s22, $0x1;
	s22 =	sadd.s32 $0xFFFFFFFF, s22;
	[sflag:s20] =	ssyncadd.s32 $0xFFFFF800  }
.Ltmp1:
0x37: {  	_ =	swait.ge [sflag:s19], $0x800;
	(pc) =	sbr.rel @p0 .LBB2_4-.Ltmp1, $4  }
0x38: {  	[sflag:s19] =	ssyncset.done $0x0  }
0x39: {  	[sflag:s19] =	ssyncadd.s32 $0xFFFFF800  }
0x3a: {  	_ =	swait.ge [sflag:s20], $0x800  }
0x3b: {  	[sflag:s20] =	ssyncset.done $0x0  }
0x3c: {  	[sflag:s20] =	ssyncadd.s32 $0xFFFFF800  }
0x3d: {  	[bflag:$0x0] =	sbarrier.arrive $0xFFFF  }
0x3e: {  	[hbm:s10], [sflag:s7] =	dma.local [spmem:s13], $0x500  }
0x3f: {  	s21 =	sadd.s32 $0x1, s21;
	_ =	swait.ge [sflag:s14], $0x500  }
0x40: {  	p0 =	sne.s32 s21, s12;
	[sflag:s14] =	ssyncset.done $0x0  }
.Ltmp2:
0x41: {  	[sflag:s14] =	ssyncadd.s32 $0xFFFFFB00;
	(pc) =	sbr.rel @p0 .LBB2_1-.Ltmp2, $4  }
0x42: {  	[hbm:s11], [sflag:s7] =	dma.local [spmem:s15], $0x500  }
0x43: {  	_ =	swait.ge [sflag:s14], $0x500  }
0x44: {  	[sflag:s14] =	ssyncset.done $0x0  }
0x45: {  	[sflag:s14] =	ssyncadd.s32 $0xFFFFFB00  }
0x46: {  	_ =	sfence.sel $0x180000  }
0x47: {  	[bflag:$0x0] =	sbarrier.arrive $0xFFFF  }
0x48: {  	p0 =	sne.s32 s0, $0x0;
	_ =	strace $0x90000047  }
0x49: {  	s0 =	sadd.s32 @!p0 $0x100000, s2;
	[bflag:$0x2] =	sbarrier.arrive $0xFFFF  }
0x4a: {  	[sflag:s0] =	ssyncadd.tile.s32 @!p0 $0x1;
	_ =	shalt  }
.Lfunc_end2:
_tile_overlayer_lowered:
.L_overlay_start_2:
0x4b: {  	(tag) =	ssettag $0x2  }
0x4c: {  	s0 =	rddreg [dreg:$0x0];
	s2 =	stileid.u32  }
0x4d: {  	s1 =	rddreg [dreg:$0x1];
	p0 =	sne.s32 s2, $0x0  }
0x4e: {  	s3 =	rddreg [dreg:$0x2];
	[bflag:$0x3] =	sbarrier.arrive $0xFFFF;
	s2 =	simm.s32 @!p0 $0x1C03  }
0x4f: {  	[timem:s3], [sflag:s2] =	dma.local @!p0 [hbm:s0], s1  }
0x50: {  	s0 =	simm.s32 @!p0 $0x3  }
0x51: {  	_ =	swait.ge @!p0 [sflag:s0], s1  }
0x52: {  	s1 =	ssub.s32 @!p0 $0x0, s1;
	[sflag:s0] =	ssyncset.done @!p0 $0x0  }
0x53: {  	[sflag:s0] =	ssyncadd.s32 @!p0 s1  }
0x54: {  	[bflag:$0x3] =	sbarrier.arrive $0xFFFF  }
0x55: {  	_ =	shalt  }

// kernel: kernel.16.cloned.1.call-start
scs
__scs_entry_jumppad:
0x0: {  	(pc) =	sbr.rel $0x88, $3  }
0x1: {  	(tag) =	ssettag $0x0;
	lr =	simm.s32 $0x1  }
0x2: {  	[smem:$0x3F8C] =	sst lr;
	_ =	strace $0xD0000000  }
0x3: {  	_ = 	snop  }
0x4: {  	_ = 	snop  }
0x5: {  	_ = 	snop  }
0x6: {  	_ = 	snop  }
0x7: {  	_ = 	snop  }
__scs_overlays_trampoline_lowered:
0x8: {  	[smem:$0x3F9B] =	sst s0  }
0x9: {  	[smem:$0x3F9C] =	sst s1  }
0xa: {  	[smem:$0x3F9D] =	sst s2  }
0xb: {  	[smem:$0x3F9E] =	sst s3  }
0xc: {  	[smem:$0x3F9F] =	sst s4  }
0xd: {  	[smem:$0x3FA0] =	sst s5  }
0xe: {  	[smem:$0x3FA1] =	sst s6  }
0xf: {  	[smem:$0x3FA2] =	sst s7  }
0x10: {  	[smem:$0x3FA3] =	sst s8  }
0x11: {  	[smem:$0x3FA4] =	sst s9;
	s0 =	simm.s32 @!p0 $0x0  }
0x12: {  	s1 =	sld [smem:$0x3F8A];
	s0 =	simm.s32 @p0 $0x1  }
0x13: {  	[smem:$0x3FA5] =	sst s0;
	s0 =	simm.s32 @!p1 $0x0  }
0x14: {  	s2 =	sld [smem:$0x3F89];
	s0 =	simm.s32 @p1 $0x1  }
0x15: {  	[smem:$0x3FA6] =	sst s0;
	s0 =	simm.s32 @!p2 $0x0  }
0x16: {  	s3 =	sld [smem:$0x3FDB];
	s0 =	simm.s32 @p2 $0x1  }
0x17: {  	s4 =	simm.s32 $0x1BF5;
	[smem:$0x3FA8] =	sst s0  }
0x18: {  	s0 =	sld [smem:$0x3F8B];
	_ =	swait.ge [sflag:s4], $0x0  }
0x19: {  	s7 =	sld [smem:$0x3F8C]  }
0x1a: {  	s8 =	sadd.s32 $0xFFFFE003, lr  }
0x1b: {  	s9 =	sadd.s32 $0xFFFFFEF7, lr;
	s5 =	simm.s32 $0xFFFFFFFF;
	p2 =	slt.u32 s8, $0xFFFFF086  }
0x1c: {  	p1 =	slt.u32 s9, $0xF7A;
	s5 =	simm.s32 @!p2 $0x0  }
0x1d: {  	s5 =	simm.s32 @p1 $0x1;
	p0 =	seq.s32 s7, s2  }
0x1e: {  	s7 =	smul.u32 @!p0 $0xF7A, s2;
	p2 =	seq.s32 @!p0 s5, $0x0  }
0x1f: {  	s9 =	smul.u32 $0xF7A, s1;
	s8 =	simm.s32 @!p0 $0x1BF5;
	p2 =	por !p2, p0  }
0x20: {  	[sflag:s8] =	ssyncset.s32 @!p0 $0xFFFFF086;
	s6 =	sadd.s32 @!p0 s3, s7;
	s7 =	simm.s32 @!p0 $0x108  }
0x21: {  	s3 =	sadd.s32 s3, s9;
	s6 =	sadd.s32 @!p0 $0x88, s6;
	s7 =	simm.s32 @p2 $0x1082  }
0x22: {  	[simem:s7], [sflag:s8] =	dma.local @!p0 [hbm:s6], $0xF7A  }
0x23: {  	s9 =	sor.u32 $0xD0000000, s2;
	s6 =	simm.s32 $0x108;
	_ =	swait.ge @!p0 [sflag:s8], $0x0  }
0x24: {  	s3 =	sadd.s32 $0x88, s3;
	s6 =	simm.s32 @!p1 $0x1082;
	[sflag:s4] =	ssyncset.s32 $0xFFFFF086  }
0x25: {  	[simem:s6], [sflag:s4] =	dma.local [hbm:s3], $0xF7A  }
0x26: {  	[smem:$0x3F8C] =	sst s1;
	(tag) =	ssettag s2;
	_ =	strace s9  }
0x27: {  	s1 =	sld [smem:$0x3F9C]  }
0x28: {  	s2 =	sld [smem:$0x3F9D]  }
0x29: {  	s4 =	sld [smem:$0x3F9F]  }
0x2a: {  	p0 =	seq.s32 s5, $0x0;
	s5 =	sld [smem:$0x3FA0]  }
0x2b: {  	s6 =	sld [smem:$0x3FA1]  }
0x2c: {  	s7 =	sld [smem:$0x3FA2]  }
0x2d: {  	s3 =	simm.s32 $0x108;
	s8 =	sld [smem:$0x3FA3]  }
0x2e: {  	s3 =	simm.s32 @!p0 $0x1082;
	s9 =	sld [smem:$0x3FA4]  }
0x2f: {  	lr =	sadd.s32 s0, s3;
	s0 =	sld [smem:$0x3F9B]  }
0x30: {  	s3 =	sld [smem:$0x3F9E]  }
0x31: {  	[smem:$0x3FA7] =	sst s10  }
0x32: {  	s10 =	sld [smem:$0x3FA5];
	_ =	sdelay $0x3  }
0x33: {  	p0 =	seq.s32 s10, $0x1;
	s10 =	sld [smem:$0x3FA7];
	_ =	sdelay $0x3  }
0x34: {  	[smem:$0x3FA7] =	sst s10  }
0x35: {  	s10 =	sld [smem:$0x3FA6];
	_ =	sdelay $0x3  }
0x36: {  	p1 =	seq.s32 s10, $0x1;
	s10 =	sld [smem:$0x3FA7];
	_ =	sdelay $0x3  }
0x37: {  	[smem:$0x3FA7] =	sst s10  }
0x38: {  	s10 =	sld [smem:$0x3FA8]  }
0x39: {  	_ = 	snop;
	(pc) =	sbr.ind lr, $3  }
0x3a: {  	_ = 	snop  }
0x3b: {  	_ = 	snop  }
0x3c: {  	p2 =	seq.s32 s10, $0x1;
	s10 =	sld [smem:$0x3FA7]  }
0x3d: {  	_ =	shalt  }
0x3e: {  	_ =	shalt  }
0x3f: {  	_ =	shalt  }
0x40: {  	_ =	shalt  }
0x41: {  	_ =	shalt  }
0x42: {  	_ =	shalt  }
0x43: {  	_ =	shalt  }
0x44: {  	_ =	shalt  }
0x45: {  	_ =	shalt  }
0x46: {  	_ =	shalt  }
0x47: {  	_ =	shalt  }
0x48: {  	_ =	shalt  }
0x49: {  	_ =	shalt  }
0x4a: {  	_ =	shalt  }
0x4b: {  	_ =	shalt  }
0x4c: {  	_ =	shalt  }
0x4d: {  	_ =	shalt  }
0x4e: {  	_ =	shalt  }
0x4f: {  	_ =	shalt  }
0x50: {  	_ =	shalt  }
0x51: {  	_ =	shalt  }
0x52: {  	_ =	shalt  }
0x53: {  	_ =	shalt  }
0x54: {  	_ =	shalt  }
0x55: {  	_ =	shalt  }
0x56: {  	_ =	shalt  }
0x57: {  	_ =	shalt  }
0x58: {  	_ =	shalt  }
0x59: {  	_ =	shalt  }
0x5a: {  	_ =	shalt  }
0x5b: {  	_ =	shalt  }
0x5c: {  	_ =	shalt  }
0x5d: {  	_ =	shalt  }
0x5e: {  	_ =	shalt  }
0x5f: {  	_ =	shalt  }
0x60: {  	_ =	shalt  }
0x61: {  	_ =	shalt  }
0x62: {  	_ =	shalt  }
0x63: {  	_ =	shalt  }
0x64: {  	_ =	shalt  }
0x65: {  	_ =	shalt  }
0x66: {  	_ =	shalt  }
0x67: {  	_ =	shalt  }
0x68: {  	_ =	shalt  }
0x69: {  	_ =	shalt  }
0x6a: {  	_ =	shalt  }
0x6b: {  	_ =	shalt  }
0x6c: {  	_ =	shalt  }
0x6d: {  	_ =	shalt  }
0x6e: {  	_ =	shalt  }
0x6f: {  	_ =	shalt  }
0x70: {  	_ =	shalt  }
0x71: {  	_ =	shalt  }
0x72: {  	_ =	shalt  }
0x73: {  	_ =	shalt  }
0x74: {  	_ =	shalt  }
0x75: {  	_ =	shalt  }
0x76: {  	_ =	shalt  }
0x77: {  	_ =	shalt  }
0x78: {  	_ =	shalt  }
0x79: {  	_ =	shalt  }
0x7a: {  	_ =	shalt  }
0x7b: {  	_ =	shalt  }
0x7c: {  	_ =	shalt  }
0x7d: {  	_ =	shalt  }
0x7e: {  	_ =	shalt  }
0x7f: {  	_ =	shalt  }
0x80: {  	_ =	shalt  }
0x81: {  	_ =	shalt  }
0x82: {  	_ =	shalt  }
0x83: {  	_ =	shalt  }
0x84: {  	_ =	shalt  }
0x85: {  	_ =	shalt  }
0x86: {  	_ =	shalt  }
0x87: {  	_ =	shalt  }
.Lfunc_end0:
.L_simem_size_0:
called_computation.1_lowered:
.L_overlay_start_0:
0x88: {  	s2 =	sld [smem:$0x3FD9]  }
0x89: {  	s3 =	sld [smem:$0x3FFE];
	_ =	sdelay $0x1  }
0x8a: {  	s1 =	srdreg.scid  }
0x8b: {  	s0 =	sand.u32 $0x1, s1  }
0x8c: {  	s16 =	sshll.u32 s0, $0xA;
	s2 =	sadd.s32 s3, s2  }
0x8d: {  	s2 =	sadd.s32 s2, s16  }
0x8e: {  	[smem:$0x3FB3] =	sst s2  }
0x8f: {  	_ = 	snop  }
0x90: {  	(tm) =	ssettm $0x1  }
0x91: {  	s17 =	sld [smem:$0x3FFB];
	_ =	sdelay $0x3  }
0x92: {  	_ =	strace s17  }
0x93: {  	s2 =	sld [smem:$0x3FFC];
	_ =	sdelay $0x3  }
0x94: {  	_ =	strace s2  }
0x95: {  	s2 =	sld [smem:$0x3FFD];
	_ =	sdelay $0x3  }
0x96: {  	_ =	strace s2  }
0x97: {  	_ =	strace $0x8FFFFFFF  }
0x98: {  	s18 =	sld [smem:$0x3FDB];
	_ =	sdelay $0x1  }
0x99: {  	s19 =	simm.s32 $_scs_section_size  }
0x9a: {  	s4 =	simm.s32 $_size__tile_overlayer_lowered;
	s5 =	simm.s32 $_tile_overlayer_lowered  }
0x9b: {  	s22 =	simm.s32 $0x1BFF;
	s21 =	sshll.u32 s5, $0x1;
	s2 =	sadd.s32 s19, s18  }
0x9c: {  	s6 =	simm.s32 $0x0;
	s20 =	sshll.u32 s4, $0x1;
	s4 =	sadd.s32 s21, s2  }
0x9d: {  	[timem:s6], [sflag:s22] =	dma.local [hbm:s4], s20  }
0x9e: {  	_ =	swait.ge [sflag:s22], s20  }
0x9f: {  	s3 =	ssub.s32 $0x0, s20;
	[sflag:s22] =	ssyncset.done $0x0  }
0xa0: {  	[sflag:s22] =	ssyncadd.s32 s3;
	_ =	sdelay $0x1  }
0xa1: {  	s23 =	simm.s32 $0x1B8B  }
0xa2: {  	_ =	swait.ge [sflag:s23], $0x1  }
0xa3: {  	[sflag:s23] =	ssyncset.done $0x0  }
0xa4: {  	s25 =	simm.s32 $0x1B8E;
	s24 =	sld [smem:$0x3FFE];
	[sflag:s23] =	ssyncadd.s32 $0xFFFFFFFF  }
0xa5: {  	s26 =	simm.s32 $execute0_lowered;
	[smem:$0x3FD2] =	sst s25  }
0xa6: {  	s4 =	sshll.u32 s26, $0x1;
	_ =	strace $0x80000049;
	[dreg:$0x1] =	wrdreg $0xFFFFFFFF  }
0xa7: {  	s28 =	simm.s32 $_size_execute0_lowered;
	s2 =	sadd.s32 s2, s4;
	[dreg:$0x0] =	wrdreg $0x0  }
0xa8: {  	s4 =	sshll.u32 s28, $0x1;
	[dreg:$0x2] =	wrdreg s2  }
0xa9: {  	[dreg:$0x3] =	wrdreg s4  }
0xaa: {  	[dreg:$0x4] =	wrdreg $0xC0  }
0xab: {  	_ =	task [dreg:s6], $0x5FFFF  }
0xac: {  	[dreg:$0x1] =	wrdreg $0xFFFFFFFF  }
0xad: {  	[dreg:$0x0] =	wrdreg $0x60  }
0xae: {  	[dreg:$0x2] =	wrdreg s24  }
0xaf: {  	[dreg:$0x3] =	wrdreg $0x92000  }
0xb0: {  	[dreg:$0x4] =	wrdreg $0x132000  }
0xb1: {  	[dreg:$0x5] =	wrdreg $0x9  }
0xb2: {  	_ =	task.clear_ibuf [dreg:s6], $0x6FFFF;
	_ =	strace $0x90000049  }
0xb3: {  	s29 =	simm.s32 $0x9;
	_ =	strace $0x8000004B  }
0xb4: {  	_ =	swait.ge [sflag:s29], $0x1  }
0xb5: {  	[sflag:s29] =	ssyncadd.s32 $0xFFFFFFFF  }
0xb6: {  	_ =	strace $0x9000004B  }
0xb7: {  	_ =	sfence  }
0xb8: {  	s30 =	sld [smem:$0x0];
	_ =	sdelay $0x2  }
0xb9: {  	s31 =	sshll.u32 s1, $0xD;
	s1 =	sshrl.u32 s1, $0x2  }
0xba: {  	s3 =	sand.u32 $0x4000, s31;
	s1 =	sadd.s32 s1, s30  }
0xbb: {  	s0 =	sor.u32 s3, s0;
	s1 =	sshll.u32 s1, $0x11  }
0xbc: {  	s0 =	sor.u32 s1, s0  }
0xbd: {  	s0 =	sadd.s32 $0x8F2B, s0  }
0xbe: {  	[sflag:s0] =	ssyncadd.remote.s32 $0x1  }
0xbf: {  	_ =	sfence.sel $0xFFFF  }
0xc0: {  	[dreg:$0x0] =	wrdreg $0xFFFFFFFF;
	(pc) =	sbr.abs _section_cstart, $3  }
0xc1: {  	[dreg:$0x1] =	wrdreg $0xFFFFFFFF  }
0xc2: {  	_ =	task.clear_ibuf [dreg:s6], $0x2FFFF;
	_ =	strace $0x9FFFFFFF  }
0xc3: {  	(tm) =	ssettm $0x7FFFFFFF  }
tec
execute0_lowered:
.L_overlay_start_1:
0x0: {  	(tag) =	ssettag $0x1  }
0x1: {  	s6 =	rddreg [dreg:$0x0]  }
0x2: {  	s2 =	rddreg [dreg:$0x1]  }
0x3: {  	s0 =	srdreg.scid;
	s3 =	rddreg [dreg:$0x2];
	s4 =	simm.s32 $0x0  }
0x4: {  	s12 =	simm.s32 $0x2900;
	s16 =	simm.s32 $0x80;
	s17 =	simm.s32 $0x5200  }
0x5: {  	s18 =	simm.s32 $0x7200;
	s19 =	simm.s32 $0x1;
	s20 =	simm.s32 $0x2  }
0x6: {  	s21 =	simm.s32 $0x0;
	s5 =	sand.u32 $0x1, s0;
	s0 =	stileid.u32  }
0x7: {  	[smem:$0x7FF] =	sst s4;
	s1 =	sshll.u32 s5, $0x4;
	s8 =	smul.u32 $0xA000, s0  }
0x8: {  	s9 =	smul.u32 $0xA0000, s5;
	s5 =	ssub.s32 $0x2, s5;
	s13 =	sshll.u32 s0, $0x6  }
0x9: {  	s1 =	sor.u32 s0, s1;
	s31 =	sshrl.u32 s5, $0x1;
	s13 =	sor.u32 $0x1C03, s13  }
0xa: {  	s7 =	smul.u32 $0x520, s1;
	s1 =	rddreg [dreg:$0x3];
	_ =	strace $0x8000004A  }
0xb: {  	s9 =	sadd.s32 s8, s9;
	s10 =	sshrl.u32 s8, $0x3;
	s11 =	ssub.s32 s5, s31  }
0xc: {  	s14 =	sadd.s32 s8, s2;
	s15 =	sadd.s32 s8, s3;
	s9 =	sshrl.u32 s9, $0x3  }
0xd: {  	s10 =	sadd.s32 s10, s6;
	s14 =	sshrl.u32 s14, $0x3;
	s15 =	sshrl.u32 s15, $0x3  }
0xe: {  	s7 =	sadd.s32 s7, s6;
	s9 =	sadd.s32 s9, s6;
	s8 =	sadd.s32 $0x2D000, s10  }
0xf: {  	s5 =	sadd.s32 $0xEC00, s7;
	s6 =	sadd.s32 $0x4800, s7;
	s7 =	sadd.s32 $0x19000, s10  }
0x10: {  	s9 =	sadd.s32 $0x41000, s9;
	s10 =	smax.u32 s11, $0x1;
	s11 =	simm.s32 $0x3  }
.LBB2_1:
0x11: {  	[tilespmem:s4], [sflag:$0x3] =	stream.linear.gather [hbm4b:s5+s4], $0x2900, $0x38;
	[tilespmem:$0x1D200] =	vst v63  }
0x12: {  	_ =	swait.ge [sflag:s11], $0x2900  }
0x13: {  	[sflag:s11] =	ssyncset.done $0x0  }
0x14: {  	[sflag:s11] =	ssyncadd.s32 $0xFFFFD700  }
0x15: {  	[tilespmem:s12], [sflag:$0x3] =	stream.linear.gather [hbm4b:s6+s4], $0x2900, $0x38;
	[tilespmem:$0x1D200] =	vst v63  }
0x16: {  	_ =	swait.ge [sflag:s11], $0x2900  }
0x17: {  	[sflag:s11] =	ssyncset.done $0x0  }
0x18: {  	[sflag:s11] =	ssyncadd.s32 $0xFFFFD700  }
0x19: {  	[spmem:s14], [sflag:s13] =	dma.local [hbm:s7], $0x1400  }
0x1a: {  	_ =	swait.ge [sflag:s11], $0x1400  }
0x1b: {  	[sflag:s11] =	ssyncset.done $0x0  }
0x1c: {  	[sflag:s11] =	ssyncadd.s32 $0xFFFFEC00  }
0x1d: {  	[spmem:s15], [sflag:s13] =	dma.local [hbm:s8], $0x1400  }
0x1e: {  	_ =	swait.ge [sflag:s11], $0x1400  }
0x1f: {  	[sflag:s11] =	ssyncset.done $0x0  }
0x20: {  	[sflag:s11] =	ssyncadd.s32 $0xFFFFEC00  }
0x21: {  	[bflag:$0x0] =	sbarrier.arrive $0xFFFF  }
0x22: {  	[tilespmem:s17], [sflag:$0x1] =	stream.indirect.gather [spmem:s2], $0x40, s4, s16, $0xb8;
	[tilespmem:$0x1D200] =	vst v63  }
0x23: {  	s22 =	simm.s32 $0x80  }
0x24: {  	[tilespmem:s18], [sflag:$0x2] =	stream.indirect.gather [spmem:s2], $0x40, s22, s16, $0xb8;
	[tilespmem:$0x1D200] =	vst v63  }
0x25: {  	_ =	swait.ge [sflag:s19], $0x2000  }
0x26: {  	[sflag:s19] =	ssyncset.done $0x0  }
0x27: {  	s29 =	simm.s32 $0x2900;
	[sflag:s19] =	ssyncadd.s32 $0xFFFFE000  }
0x28: {  	[spmem:s3] =	stream.indirect.scatter.add.f32 [tilespmem:s17], [sflag:$0x3], $0x40, s29, s16, $0xb8;
	[tilespmem:$0x1D200] =	vst v63  }
0x29: {  	_ =	swait.ge [sflag:s11], $0x2000  }
0x2a: {  	[sflag:s11] =	ssyncset.done $0x0  }
0x2b: {  	s30 =	simm.s32 $0x100;
	[sflag:s11] =	ssyncadd.s32 $0xFFFFE000  }
0x2c: {  	[tilespmem:s17], [sflag:$0x1] =	stream.indirect.gather [spmem:s2], $0x40, s30, s16, $0xb8;
	[tilespmem:$0x1D200] =	vst v63  }
0x2d: {  	_ =	swait.ge [sflag:s20], $0x2000  }
0x2e: {  	[sflag:s20] =	ssyncset.done $0x0  }
0x2f: {  	s31 =	simm.s32 $0x2980;
	[sflag:s20] =	ssyncadd.s32 $0xFFFFE000  }
0x30: {  	[spmem:s3] =	stream.indirect.scatter.add.f32 [tilespmem:s18], [sflag:$0x3], $0x40, s31, s16, $0xb8;
	[tilespmem:$0x1D200] =	vst v63  }
0x31: {  	_ =	swait.ge [sflag:s11], $0x2000  }
0x32: {  	s23 =	simm.s32 $0x800;
	s22 =	simm.s32 $0x100;
	[sflag:s11] =	ssyncset.done $0x0  }
.LBB2_2:
0x33: {  	s24 =	sadd.s32 $0x80, s22  }
0x34: {  	[sflag:s11] =	ssyncadd.s32 $0xFFFFE000;
	s25 =	smov.u32 s23;
	s26 =	sadd.s32 $0x400, s23  }
0x35: {  	[tilespmem:s18], [sflag:$0x2] =	stream.indirect.gather [spmem:s2], $0x40, s24, s16, $0xb8;
	[tilespmem:$0x1D200] =	vst v63  }
0x36: {  	p0 =	sne.s32 s23, $0x9C00;
	_ =	swait.ge [sflag:s19], $0x2000  }
0x37: {  	[sflag:s19] =	ssyncset.done $0x0  }
0x38: {  	s23 =	sadd.s32 $0x2900, s22;
	[sflag:s19] =	ssyncadd.s32 $0xFFFFE000  }
0x39: {  	[spmem:s3] =	stream.indirect.scatter.add.f32 [tilespmem:s17], [sflag:$0x3], $0x40, s23, s16, $0xb8;
	[tilespmem:$0x1D200] =	vst v63  }
0x3a: {  	_ =	swait.ge [sflag:s11], $0x2000  }
0x3b: {  	[sflag:s11] =	ssyncset.done $0x0  }
0x3c: {  	s23 =	sadd.s32 $0x100, s22;
	[sflag:s11] =	ssyncadd.s32 $0xFFFFE000  }
0x3d: {  	[tilespmem:s17], [sflag:$0x1] =	stream.indirect.gather [spmem:s2], $0x40, s23, s16, $0xb8;
	[tilespmem:$0x1D200] =	vst v63  }
0x3e: {  	_ =	swait.ge [sflag:s20], $0x2000  }
.Ltmp0:
0x3f: {  	[sflag:s20] =	ssyncset.done $0x0;
	(pc) =	sbr.rel @p0 .LBB2_2-.Ltmp0, $4  }
0x40: {  	s22 =	sadd.s32 $0x2980, s22;
	[sflag:s20] =	ssyncadd.s32 $0xFFFFE000  }
0x41: {  	[spmem:s3] =	stream.indirect.scatter.add.f32 [tilespmem:s18], [sflag:$0x3], $0x40, s22, s16, $0xb8;
	[tilespmem:$0x1D200] =	vst v63  }
0x42: {  	_ =	swait.ge [sflag:s11], $0x2000  }
0x43: {  	s23 =	smov.u32 s26;
	s22 =	sshra.s32 s25, $0x2;
	[sflag:s11] =	ssyncset.done $0x0  }
0x44: {  	s23 =	sadd.s32 $0x80, s22;
	[sflag:s11] =	ssyncadd.s32 $0xFFFFE000  }
0x45: {  	[tilespmem:s18], [sflag:$0x2] =	stream.indirect.gather [spmem:s2], $0x40, s23, s16, $0xb8;
	[tilespmem:$0x1D200] =	vst v63  }
0x46: {  	_ =	swait.ge [sflag:s19], $0x2000  }
0x47: {  	[sflag:s19] =	ssyncset.done $0x0  }
0x48: {  	s29 =	sadd.s32 $0x2900, s22;
	[sflag:s19] =	ssyncadd.s32 $0xFFFFE000  }
0x49: {  	[spmem:s3] =	stream.indirect.scatter.add.f32 [tilespmem:s17], [sflag:$0x3], $0x40, s29, s16, $0xb8;
	[tilespmem:$0x1D200] =	vst v63  }
0x4a: {  	_ =	swait.ge [sflag:s11], $0x2000  }
0x4b: {  	[sflag:s11] =	ssyncset.done $0x0  }
0x4c: {  	s30 =	sadd.s32 $0x100, s22;
	[sflag:s11] =	ssyncadd.s32 $0xFFFFE000  }
0x4d: {  	[tilespmem:s17], [sflag:$0x1] =	stream.indirect.gather [spmem:s2], $0x40, s30, s16, $0xb8;
	[tilespmem:$0x1D200] =	vst v63  }
0x4e: {  	_ =	swait.ge [sflag:s20], $0x2000  }
0x4f: {  	[sflag:s20] =	ssyncset.done $0x0  }
0x50: {  	s31 =	sadd.s32 $0x2980, s22;
	[sflag:s20] =	ssyncadd.s32 $0xFFFFE000  }
0x51: {  	[spmem:s3] =	stream.indirect.scatter.add.f32 [tilespmem:s18], [sflag:$0x3], $0x40, s31, s16, $0xb8;
	[tilespmem:$0x1D200] =	vst v63  }
0x52: {  	_ =	swait.ge [sflag:s11], $0x2000  }
0x53: {  	[sflag:s11] =	ssyncset.done $0x0  }
0x54: {  	[sflag:s11] =	ssyncadd.s32 $0xFFFFE000  }
0x55: {  	_ =	swait.ge [sflag:s19], $0x2000  }
0x56: {  	s21 =	sadd.s32 $0x1, s21;
	[sflag:s19] =	ssyncset.done $0x0  }
0x57: {  	p0 =	sne.s32 s21, s10;
	[sflag:s19] =	ssyncadd.s32 $0xFFFFE000  }
.Ltmp1:
0x58: {  	[bflag:$0x0] =	sbarrier.arrive $0xFFFF;
	(pc) =	sbr.rel @p0 .LBB2_1-.Ltmp1, $4  }
0x59: {  	[hbm:s9], [sflag:s13] =	dma.local [spmem:s15], $0x1400  }
0x5a: {  	_ =	swait.ge [sflag:s11], $0x1400  }
0x5b: {  	[sflag:s11] =	ssyncset.done $0x0  }
0x5c: {  	[sflag:s11] =	ssyncadd.s32 $0xFFFFEC00  }
0x5d: {  	_ =	sfence.sel $0x180000  }
0x5e: {  	[bflag:$0x0] =	sbarrier.arrive $0xFFFF  }
0x5f: {  	p0 =	sne.s32 s0, $0x0;
	_ =	strace $0x9000004A  }
0x60: {  	s0 =	sadd.s32 @!p0 $0x100000, s1;
	[bflag:$0x2] =	sbarrier.arrive $0xFFFF  }
0x61: {  	[sflag:s0] =	ssyncadd.tile.s32 @!p0 $0x1;
	_ =	shalt  }
.Lfunc_end2:
_tile_overlayer_lowered:
.L_overlay_start_2:
0x62: {  	(tag) =	ssettag $0x2  }
0x63: {  	s0 =	rddreg [dreg:$0x0];
	s2 =	stileid.u32  }
0x64: {  	s1 =	rddreg [dreg:$0x1];
	p0 =	sne.s32 s2, $0x0  }
0x65: {  	s3 =	rddreg [dreg:$0x2];
	[bflag:$0x3] =	sbarrier.arrive $0xFFFF;
	s2 =	simm.s32 @!p0 $0x1C03  }
0x66: {  	[timem:s3], [sflag:s2] =	dma.local @!p0 [hbm:s0], s1  }
0x67: {  	s0 =	simm.s32 @!p0 $0x3  }
0x68: {  	_ =	swait.ge @!p0 [sflag:s0], s1  }
0x69: {  	s1 =	ssub.s32 @!p0 $0x0, s1;
	[sflag:s0] =	ssyncset.done @!p0 $0x0  }
0x6a: {  	[sflag:s0] =	ssyncadd.s32 @!p0 s1  }
0x6b: {  	[bflag:$0x3] =	sbarrier.arrive $0xFFFF  }
0x6c: {  	_ =	shalt  }

// kernel: kernel.19.cloned.1.call-start
scs
__scs_entry_jumppad:
0x0: {  	(pc) =	sbr.rel $0x88, $3  }
0x1: {  	(tag) =	ssettag $0x0;
	lr =	simm.s32 $0x1  }
0x2: {  	[smem:$0x3F8C] =	sst lr;
	_ =	strace $0xD0000000  }
0x3: {  	_ = 	snop  }
0x4: {  	_ = 	snop  }
0x5: {  	_ = 	snop  }
0x6: {  	_ = 	snop  }
0x7: {  	_ = 	snop  }
__scs_overlays_trampoline_lowered:
0x8: {  	[smem:$0x3F9B] =	sst s0  }
0x9: {  	[smem:$0x3F9C] =	sst s1  }
0xa: {  	[smem:$0x3F9D] =	sst s2  }
0xb: {  	[smem:$0x3F9E] =	sst s3  }
0xc: {  	[smem:$0x3F9F] =	sst s4  }
0xd: {  	[smem:$0x3FA0] =	sst s5  }
0xe: {  	[smem:$0x3FA1] =	sst s6  }
0xf: {  	[smem:$0x3FA2] =	sst s7  }
0x10: {  	[smem:$0x3FA3] =	sst s8  }
0x11: {  	[smem:$0x3FA4] =	sst s9;
	s0 =	simm.s32 @!p0 $0x0  }
0x12: {  	s1 =	sld [smem:$0x3F8A];
	s0 =	simm.s32 @p0 $0x1  }
0x13: {  	[smem:$0x3FA5] =	sst s0;
	s0 =	simm.s32 @!p1 $0x0  }
0x14: {  	s2 =	sld [smem:$0x3F89];
	s0 =	simm.s32 @p1 $0x1  }
0x15: {  	[smem:$0x3FA6] =	sst s0;
	s0 =	simm.s32 @!p2 $0x0  }
0x16: {  	s3 =	sld [smem:$0x3FDB];
	s0 =	simm.s32 @p2 $0x1  }
0x17: {  	s4 =	simm.s32 $0x1BF5;
	[smem:$0x3FA8] =	sst s0  }
0x18: {  	s0 =	sld [smem:$0x3F8B];
	_ =	swait.ge [sflag:s4], $0x0  }
0x19: {  	s7 =	sld [smem:$0x3F8C]  }
0x1a: {  	s8 =	sadd.s32 $0xFFFFE003, lr  }
0x1b: {  	s9 =	sadd.s32 $0xFFFFFEF7, lr;
	s5 =	simm.s32 $0xFFFFFFFF;
	p2 =	slt.u32 s8, $0xFFFFF086  }
0x1c: {  	p1 =	slt.u32 s9, $0xF7A;
	s5 =	simm.s32 @!p2 $0x0  }
0x1d: {  	s5 =	simm.s32 @p1 $0x1;
	p0 =	seq.s32 s7, s2  }
0x1e: {  	s7 =	smul.u32 @!p0 $0xF7A, s2;
	p2 =	seq.s32 @!p0 s5, $0x0  }
0x1f: {  	s9 =	smul.u32 $0xF7A, s1;
	s8 =	simm.s32 @!p0 $0x1BF5;
	p2 =	por !p2, p0  }
0x20: {  	[sflag:s8] =	ssyncset.s32 @!p0 $0xFFFFF086;
	s6 =	sadd.s32 @!p0 s3, s7;
	s7 =	simm.s32 @!p0 $0x108  }
0x21: {  	s3 =	sadd.s32 s3, s9;
	s6 =	sadd.s32 @!p0 $0x88, s6;
	s7 =	simm.s32 @p2 $0x1082  }
0x22: {  	[simem:s7], [sflag:s8] =	dma.local @!p0 [hbm:s6], $0xF7A  }
0x23: {  	s9 =	sor.u32 $0xD0000000, s2;
	s6 =	simm.s32 $0x108;
	_ =	swait.ge @!p0 [sflag:s8], $0x0  }
0x24: {  	s3 =	sadd.s32 $0x88, s3;
	s6 =	simm.s32 @!p1 $0x1082;
	[sflag:s4] =	ssyncset.s32 $0xFFFFF086  }
0x25: {  	[simem:s6], [sflag:s4] =	dma.local [hbm:s3], $0xF7A  }
0x26: {  	[smem:$0x3F8C] =	sst s1;
	(tag) =	ssettag s2;
	_ =	strace s9  }
0x27: {  	s1 =	sld [smem:$0x3F9C]  }
0x28: {  	s2 =	sld [smem:$0x3F9D]  }
0x29: {  	s4 =	sld [smem:$0x3F9F]  }
0x2a: {  	p0 =	seq.s32 s5, $0x0;
	s5 =	sld [smem:$0x3FA0]  }
0x2b: {  	s6 =	sld [smem:$0x3FA1]  }
0x2c: {  	s7 =	sld [smem:$0x3FA2]  }
0x2d: {  	s3 =	simm.s32 $0x108;
	s8 =	sld [smem:$0x3FA3]  }
0x2e: {  	s3 =	simm.s32 @!p0 $0x1082;
	s9 =	sld [smem:$0x3FA4]  }
0x2f: {  	lr =	sadd.s32 s0, s3;
	s0 =	sld [smem:$0x3F9B]  }
0x30: {  	s3 =	sld [smem:$0x3F9E]  }
0x31: {  	[smem:$0x3FA7] =	sst s10  }
0x32: {  	s10 =	sld [smem:$0x3FA5];
	_ =	sdelay $0x3  }
0x33: {  	p0 =	seq.s32 s10, $0x1;
	s10 =	sld [smem:$0x3FA7];
	_ =	sdelay $0x3  }
0x34: {  	[smem:$0x3FA7] =	sst s10  }
0x35: {  	s10 =	sld [smem:$0x3FA6];
	_ =	sdelay $0x3  }
0x36: {  	p1 =	seq.s32 s10, $0x1;
	s10 =	sld [smem:$0x3FA7];
	_ =	sdelay $0x3  }
0x37: {  	[smem:$0x3FA7] =	sst s10  }
0x38: {  	s10 =	sld [smem:$0x3FA8]  }
0x39: {  	_ = 	snop;
	(pc) =	sbr.ind lr, $3  }
0x3a: {  	_ = 	snop  }
0x3b: {  	_ = 	snop  }
0x3c: {  	p2 =	seq.s32 s10, $0x1;
	s10 =	sld [smem:$0x3FA7]  }
0x3d: {  	_ =	shalt  }
0x3e: {  	_ =	shalt  }
0x3f: {  	_ =	shalt  }
0x40: {  	_ =	shalt  }
0x41: {  	_ =	shalt  }
0x42: {  	_ =	shalt  }
0x43: {  	_ =	shalt  }
0x44: {  	_ =	shalt  }
0x45: {  	_ =	shalt  }
0x46: {  	_ =	shalt  }
0x47: {  	_ =	shalt  }
0x48: {  	_ =	shalt  }
0x49: {  	_ =	shalt  }
0x4a: {  	_ =	shalt  }
0x4b: {  	_ =	shalt  }
0x4c: {  	_ =	shalt  }
0x4d: {  	_ =	shalt  }
0x4e: {  	_ =	shalt  }
0x4f: {  	_ =	shalt  }
0x50: {  	_ =	shalt  }
0x51: {  	_ =	shalt  }
0x52: {  	_ =	shalt  }
0x53: {  	_ =	shalt  }
0x54: {  	_ =	shalt  }
0x55: {  	_ =	shalt  }
0x56: {  	_ =	shalt  }
0x57: {  	_ =	shalt  }
0x58: {  	_ =	shalt  }
0x59: {  	_ =	shalt  }
0x5a: {  	_ =	shalt  }
0x5b: {  	_ =	shalt  }
0x5c: {  	_ =	shalt  }
0x5d: {  	_ =	shalt  }
0x5e: {  	_ =	shalt  }
0x5f: {  	_ =	shalt  }
0x60: {  	_ =	shalt  }
0x61: {  	_ =	shalt  }
0x62: {  	_ =	shalt  }
0x63: {  	_ =	shalt  }
0x64: {  	_ =	shalt  }
0x65: {  	_ =	shalt  }
0x66: {  	_ =	shalt  }
0x67: {  	_ =	shalt  }
0x68: {  	_ =	shalt  }
0x69: {  	_ =	shalt  }
0x6a: {  	_ =	shalt  }
0x6b: {  	_ =	shalt  }
0x6c: {  	_ =	shalt  }
0x6d: {  	_ =	shalt  }
0x6e: {  	_ =	shalt  }
0x6f: {  	_ =	shalt  }
0x70: {  	_ =	shalt  }
0x71: {  	_ =	shalt  }
0x72: {  	_ =	shalt  }
0x73: {  	_ =	shalt  }
0x74: {  	_ =	shalt  }
0x75: {  	_ =	shalt  }
0x76: {  	_ =	shalt  }
0x77: {  	_ =	shalt  }
0x78: {  	_ =	shalt  }
0x79: {  	_ =	shalt  }
0x7a: {  	_ =	shalt  }
0x7b: {  	_ =	shalt  }
0x7c: {  	_ =	shalt  }
0x7d: {  	_ =	shalt  }
0x7e: {  	_ =	shalt  }
0x7f: {  	_ =	shalt  }
0x80: {  	_ =	shalt  }
0x81: {  	_ =	shalt  }
0x82: {  	_ =	shalt  }
0x83: {  	_ =	shalt  }
0x84: {  	_ =	shalt  }
0x85: {  	_ =	shalt  }
0x86: {  	_ =	shalt  }
0x87: {  	_ =	shalt  }
.Lfunc_end0:
.L_simem_size_0:
called_computation.2_lowered:
.L_overlay_start_0:
0x88: {  	s2 =	sld [smem:$0x3FD9]  }
0x89: {  	s3 =	sld [smem:$0x3FFE];
	_ =	sdelay $0x1  }
0x8a: {  	s1 =	srdreg.scid  }
0x8b: {  	s0 =	sand.u32 $0x1, s1  }
0x8c: {  	s16 =	sshll.u32 s0, $0xA;
	s2 =	sadd.s32 s3, s2  }
0x8d: {  	s2 =	sadd.s32 s2, s16  }
0x8e: {  	[smem:$0x3FB3] =	sst s2  }
0x8f: {  	_ = 	snop  }
0x90: {  	(tm) =	ssettm $0x1  }
0x91: {  	s17 =	sld [smem:$0x3FFB];
	_ =	sdelay $0x3  }
0x92: {  	_ =	strace s17  }
0x93: {  	s2 =	sld [smem:$0x3FFC];
	_ =	sdelay $0x3  }
0x94: {  	_ =	strace s2  }
0x95: {  	s2 =	sld [smem:$0x3FFD];
	_ =	sdelay $0x3  }
0x96: {  	_ =	strace s2  }
0x97: {  	_ =	strace $0x8FFFFFFF  }
0x98: {  	s18 =	sld [smem:$0x3FDB];
	_ =	sdelay $0x1  }
0x99: {  	s19 =	simm.s32 $_scs_section_size  }
0x9a: {  	s4 =	simm.s32 $_size__tile_overlayer_lowered;
	s5 =	simm.s32 $_tile_overlayer_lowered  }
0x9b: {  	s22 =	simm.s32 $0x1BFF;
	s21 =	sshll.u32 s5, $0x1;
	s2 =	sadd.s32 s19, s18  }
0x9c: {  	s6 =	simm.s32 $0x0;
	s20 =	sshll.u32 s4, $0x1;
	s4 =	sadd.s32 s21, s2  }
0x9d: {  	[timem:s6], [sflag:s22] =	dma.local [hbm:s4], s20  }
0x9e: {  	_ =	swait.ge [sflag:s22], s20  }
0x9f: {  	s3 =	ssub.s32 $0x0, s20;
	[sflag:s22] =	ssyncset.done $0x0  }
0xa0: {  	[sflag:s22] =	ssyncadd.s32 s3;
	_ =	sdelay $0x1  }
0xa1: {  	s23 =	simm.s32 $0x1B8B  }
0xa2: {  	_ =	swait.ge [sflag:s23], $0x1  }
0xa3: {  	[sflag:s23] =	ssyncset.done $0x0  }
0xa4: {  	s25 =	simm.s32 $0x1B8E;
	s24 =	sld [smem:$0x3FFE];
	[sflag:s23] =	ssyncadd.s32 $0xFFFFFFFF  }
0xa5: {  	s26 =	simm.s32 $execute0_lowered;
	[smem:$0x3FD2] =	sst s25  }
0xa6: {  	s4 =	sshll.u32 s26, $0x1;
	_ =	strace $0x8000004C;
	[dreg:$0x1] =	wrdreg $0xFFFFFFFF  }
0xa7: {  	s28 =	simm.s32 $_size_execute0_lowered;
	s2 =	sadd.s32 s2, s4;
	[dreg:$0x0] =	wrdreg $0x0  }
0xa8: {  	s4 =	sshll.u32 s28, $0x1;
	[dreg:$0x2] =	wrdreg s2  }
0xa9: {  	[dreg:$0x3] =	wrdreg s4  }
0xaa: {  	[dreg:$0x4] =	wrdreg $0xC0  }
0xab: {  	_ =	task [dreg:s6], $0x5FFFF  }
0xac: {  	[dreg:$0x1] =	wrdreg $0xFFFFFFFF  }
0xad: {  	[dreg:$0x0] =	wrdreg $0x60  }
0xae: {  	[dreg:$0x2] =	wrdreg s24  }
0xaf: {  	[dreg:$0x3] =	wrdreg $0x92000  }
0xb0: {  	[dreg:$0x4] =	wrdreg $0x132000  }
0xb1: {  	[dreg:$0x5] =	wrdreg $0x9  }
0xb2: {  	_ =	task.clear_ibuf [dreg:s6], $0x6FFFF;
	_ =	strace $0x9000004C  }
0xb3: {  	s29 =	simm.s32 $0x9;
	_ =	strace $0x8000004E  }
0xb4: {  	_ =	swait.ge [sflag:s29], $0x1  }
0xb5: {  	[sflag:s29] =	ssyncadd.s32 $0xFFFFFFFF  }
0xb6: {  	_ =	strace $0x9000004E  }
0xb7: {  	_ =	sfence  }
0xb8: {  	s30 =	sld [smem:$0x0];
	_ =	sdelay $0x2  }
0xb9: {  	s31 =	sshll.u32 s1, $0xD;
	s1 =	sshrl.u32 s1, $0x2  }
0xba: {  	s3 =	sand.u32 $0x4000, s31;
	s1 =	sadd.s32 s1, s30  }
0xbb: {  	s0 =	sor.u32 s3, s0;
	s1 =	sshll.u32 s1, $0x11  }
0xbc: {  	s0 =	sor.u32 s1, s0  }
0xbd: {  	s0 =	sadd.s32 $0x8F2B, s0  }
0xbe: {  	[sflag:s0] =	ssyncadd.remote.s32 $0x1  }
0xbf: {  	_ =	sfence.sel $0xFFFF  }
0xc0: {  	[dreg:$0x0] =	wrdreg $0xFFFFFFFF;
	(pc) =	sbr.abs _section_cstart, $3  }
0xc1: {  	[dreg:$0x1] =	wrdreg $0xFFFFFFFF  }
0xc2: {  	_ =	task.clear_ibuf [dreg:s6], $0x2FFFF;
	_ =	strace $0x9FFFFFFF  }
0xc3: {  	(tm) =	ssettm $0x7FFFFFFF  }
tec
execute0_lowered:
.L_overlay_start_1:
0x0: {  	(tag) =	ssettag $0x1  }
0x1: {  	s6 =	rddreg [dreg:$0x0]  }
0x2: {  	s2 =	rddreg [dreg:$0x1]  }
0x3: {  	s0 =	srdreg.scid;
	s3 =	rddreg [dreg:$0x2];
	s4 =	simm.s32 $0x0  }
0x4: {  	s12 =	simm.s32 $0x2900;
	s16 =	simm.s32 $0x80;
	s17 =	simm.s32 $0x5200  }
0x5: {  	s18 =	simm.s32 $0x7200;
	s19 =	simm.s32 $0x1;
	s20 =	simm.s32 $0x2  }
0x6: {  	s21 =	simm.s32 $0x0;
	s5 =	sand.u32 $0x1, s0;
	s0 =	stileid.u32  }
0x7: {  	[smem:$0x7FF] =	sst s4;
	s1 =	sshll.u32 s5, $0x4;
	s8 =	smul.u32 $0xA000, s0  }
0x8: {  	s9 =	smul.u32 $0xA0000, s5;
	s5 =	ssub.s32 $0x2, s5;
	s13 =	sshll.u32 s0, $0x6  }
0x9: {  	s1 =	sor.u32 s0, s1;
	s31 =	sshrl.u32 s5, $0x1;
	s13 =	sor.u32 $0x1C03, s13  }
0xa: {  	s7 =	smul.u32 $0x520, s1;
	s1 =	rddreg [dreg:$0x3];
	_ =	strace $0x8000004D  }
0xb: {  	s9 =	sadd.s32 s8, s9;
	s10 =	sshrl.u32 s8, $0x3;
	s11 =	ssub.s32 s5, s31  }
0xc: {  	s14 =	sadd.s32 s8, s2;
	s15 =	sadd.s32 s8, s3;
	s9 =	sshrl.u32 s9, $0x3  }
0xd: {  	s10 =	sadd.s32 s10, s6;
	s14 =	sshrl.u32 s14, $0x3;
	s15 =	sshrl.u32 s15, $0x3  }
0xe: {  	s7 =	sadd.s32 s7, s6;
	s9 =	sadd.s32 s9, s6;
	s8 =	sadd.s32 $0x2D000, s10  }
0xf: {  	s5 =	sadd.s32 $0xEC00, s7;
	s6 =	sadd.s32 $0x4800, s7;
	s7 =	sadd.s32 $0x19000, s10  }
0x10: {  	s9 =	sadd.s32 $0x41000, s9;
	s10 =	smax.u32 s11, $0x1;
	s11 =	simm.s32 $0x3  }
.LBB2_1:
0x11: {  	[tilespmem:s4], [sflag:$0x3] =	stream.linear.gather [hbm4b:s5+s4], $0x2900, $0x38;
	[tilespmem:$0x1D200] =	vst v63  }
0x12: {  	_ =	swait.ge [sflag:s11], $0x2900  }
0x13: {  	[sflag:s11] =	ssyncset.done $0x0  }
0x14: {  	[sflag:s11] =	ssyncadd.s32 $0xFFFFD700  }
0x15: {  	[tilespmem:s12], [sflag:$0x3] =	stream.linear.gather [hbm4b:s6+s4], $0x2900, $0x38;
	[tilespmem:$0x1D200] =	vst v63  }
0x16: {  	_ =	swait.ge [sflag:s11], $0x2900  }
0x17: {  	[sflag:s11] =	ssyncset.done $0x0  }
0x18: {  	[sflag:s11] =	ssyncadd.s32 $0xFFFFD700  }
0x19: {  	[spmem:s14], [sflag:s13] =	dma.local [hbm:s7], $0x1400  }
0x1a: {  	_ =	swait.ge [sflag:s11], $0x1400  }
0x1b: {  	[sflag:s11] =	ssyncset.done $0x0  }
0x1c: {  	[sflag:s11] =	ssyncadd.s32 $0xFFFFEC00  }
0x1d: {  	[spmem:s15], [sflag:s13] =	dma.local [hbm:s8], $0x1400  }
0x1e: {  	_ =	swait.ge [sflag:s11], $0x1400  }
0x1f: {  	[sflag:s11] =	ssyncset.done $0x0  }
0x20: {  	[sflag:s11] =	ssyncadd.s32 $0xFFFFEC00  }
0x21: {  	[bflag:$0x0] =	sbarrier.arrive $0xFFFF  }
0x22: {  	[tilespmem:s17], [sflag:$0x1] =	stream.indirect.gather [spmem:s2], $0x40, s4, s16, $0xb8;
	[tilespmem:$0x1D200] =	vst v63  }
0x23: {  	s22 =	simm.s32 $0x80  }
0x24: {  	[tilespmem:s18], [sflag:$0x2] =	stream.indirect.gather [spmem:s2], $0x40, s22, s16, $0xb8;
	[tilespmem:$0x1D200] =	vst v63  }
0x25: {  	_ =	swait.ge [sflag:s19], $0x2000  }
0x26: {  	[sflag:s19] =	ssyncset.done $0x0  }
0x27: {  	s29 =	simm.s32 $0x2900;
	[sflag:s19] =	ssyncadd.s32 $0xFFFFE000  }
0x28: {  	[spmem:s3] =	stream.indirect.scatter.add.f32 [tilespmem:s17], [sflag:$0x3], $0x40, s29, s16, $0xb8;
	[tilespmem:$0x1D200] =	vst v63  }
0x29: {  	_ =	swait.ge [sflag:s11], $0x2000  }
0x2a: {  	[sflag:s11] =	ssyncset.done $0x0  }
0x2b: {  	s30 =	simm.s32 $0x100;
	[sflag:s11] =	ssyncadd.s32 $0xFFFFE000  }
0x2c: {  	[tilespmem:s17], [sflag:$0x1] =	stream.indirect.gather [spmem:s2], $0x40, s30, s16, $0xb8;
	[tilespmem:$0x1D200] =	vst v63  }
0x2d: {  	_ =	swait.ge [sflag:s20], $0x2000  }
0x2e: {  	[sflag:s20] =	ssyncset.done $0x0  }
0x2f: {  	s31 =	simm.s32 $0x2980;
	[sflag:s20] =	ssyncadd.s32 $0xFFFFE000  }
0x30: {  	[spmem:s3] =	stream.indirect.scatter.add.f32 [tilespmem:s18], [sflag:$0x3], $0x40, s31, s16, $0xb8;
	[tilespmem:$0x1D200] =	vst v63  }
0x31: {  	_ =	swait.ge [sflag:s11], $0x2000  }
0x32: {  	s23 =	simm.s32 $0x800;
	s22 =	simm.s32 $0x100;
	[sflag:s11] =	ssyncset.done $0x0  }
.LBB2_2:
0x33: {  	s24 =	sadd.s32 $0x80, s22  }
0x34: {  	[sflag:s11] =	ssyncadd.s32 $0xFFFFE000;
	s25 =	smov.u32 s23;
	s26 =	sadd.s32 $0x400, s23  }
0x35: {  	[tilespmem:s18], [sflag:$0x2] =	stream.indirect.gather [spmem:s2], $0x40, s24, s16, $0xb8;
	[tilespmem:$0x1D200] =	vst v63  }
0x36: {  	p0 =	sne.s32 s23, $0x9C00;
	_ =	swait.ge [sflag:s19], $0x2000  }
0x37: {  	[sflag:s19] =	ssyncset.done $0x0  }
0x38: {  	s23 =	sadd.s32 $0x2900, s22;
	[sflag:s19] =	ssyncadd.s32 $0xFFFFE000  }
0x39: {  	[spmem:s3] =	stream.indirect.scatter.add.f32 [tilespmem:s17], [sflag:$0x3], $0x40, s23, s16, $0xb8;
	[tilespmem:$0x1D200] =	vst v63  }
0x3a: {  	_ =	swait.ge [sflag:s11], $0x2000  }
0x3b: {  	[sflag:s11] =	ssyncset.done $0x0  }
0x3c: {  	s23 =	sadd.s32 $0x100, s22;
	[sflag:s11] =	ssyncadd.s32 $0xFFFFE000  }
0x3d: {  	[tilespmem:s17], [sflag:$0x1] =	stream.indirect.gather [spmem:s2], $0x40, s23, s16, $0xb8;
	[tilespmem:$0x1D200] =	vst v63  }
0x3e: {  	_ =	swait.ge [sflag:s20], $0x2000  }
.Ltmp0:
0x3f: {  	[sflag:s20] =	ssyncset.done $0x0;
	(pc) =	sbr.rel @p0 .LBB2_2-.Ltmp0, $4  }
0x40: {  	s22 =	sadd.s32 $0x2980, s22;
	[sflag:s20] =	ssyncadd.s32 $0xFFFFE000  }
0x41: {  	[spmem:s3] =	stream.indirect.scatter.add.f32 [tilespmem:s18], [sflag:$0x3], $0x40, s22, s16, $0xb8;
	[tilespmem:$0x1D200] =	vst v63  }
0x42: {  	_ =	swait.ge [sflag:s11], $0x2000  }
0x43: {  	s23 =	smov.u32 s26;
	s22 =	sshra.s32 s25, $0x2;
	[sflag:s11] =	ssyncset.done $0x0  }
0x44: {  	s23 =	sadd.s32 $0x80, s22;
	[sflag:s11] =	ssyncadd.s32 $0xFFFFE000  }
0x45: {  	[tilespmem:s18], [sflag:$0x2] =	stream.indirect.gather [spmem:s2], $0x40, s23, s16, $0xb8;
	[tilespmem:$0x1D200] =	vst v63  }
0x46: {  	_ =	swait.ge [sflag:s19], $0x2000  }
0x47: {  	[sflag:s19] =	ssyncset.done $0x0  }
0x48: {  	s29 =	sadd.s32 $0x2900, s22;
	[sflag:s19] =	ssyncadd.s32 $0xFFFFE000  }
0x49: {  	[spmem:s3] =	stream.indirect.scatter.add.f32 [tilespmem:s17], [sflag:$0x3], $0x40, s29, s16, $0xb8;
	[tilespmem:$0x1D200] =	vst v63  }
0x4a: {  	_ =	swait.ge [sflag:s11], $0x2000  }
0x4b: {  	[sflag:s11] =	ssyncset.done $0x0  }
0x4c: {  	s30 =	sadd.s32 $0x100, s22;
	[sflag:s11] =	ssyncadd.s32 $0xFFFFE000  }
0x4d: {  	[tilespmem:s17], [sflag:$0x1] =	stream.indirect.gather [spmem:s2], $0x40, s30, s16, $0xb8;
	[tilespmem:$0x1D200] =	vst v63  }
0x4e: {  	_ =	swait.ge [sflag:s20], $0x2000  }
0x4f: {  	[sflag:s20] =	ssyncset.done $0x0  }
0x50: {  	s31 =	sadd.s32 $0x2980, s22;
	[sflag:s20] =	ssyncadd.s32 $0xFFFFE000  }
0x51: {  	[spmem:s3] =	stream.indirect.scatter.add.f32 [tilespmem:s18], [sflag:$0x3], $0x40, s31, s16, $0xb8;
	[tilespmem:$0x1D200] =	vst v63  }
0x52: {  	_ =	swait.ge [sflag:s11], $0x2000  }
0x53: {  	[sflag:s11] =	ssyncset.done $0x0  }
0x54: {  	[sflag:s11] =	ssyncadd.s32 $0xFFFFE000  }
0x55: {  	_ =	swait.ge [sflag:s19], $0x2000  }
0x56: {  	s21 =	sadd.s32 $0x1, s21;
	[sflag:s19] =	ssyncset.done $0x0  }
0x57: {  	p0 =	sne.s32 s21, s10;
	[sflag:s19] =	ssyncadd.s32 $0xFFFFE000  }
.Ltmp1:
0x58: {  	[bflag:$0x0] =	sbarrier.arrive $0xFFFF;
	(pc) =	sbr.rel @p0 .LBB2_1-.Ltmp1, $4  }
0x59: {  	[hbm:s9], [sflag:s13] =	dma.local [spmem:s15], $0x1400  }
0x5a: {  	_ =	swait.ge [sflag:s11], $0x1400  }
0x5b: {  	[sflag:s11] =	ssyncset.done $0x0  }
0x5c: {  	[sflag:s11] =	ssyncadd.s32 $0xFFFFEC00  }
0x5d: {  	_ =	sfence.sel $0x180000  }
0x5e: {  	[bflag:$0x0] =	sbarrier.arrive $0xFFFF  }
0x5f: {  	p0 =	sne.s32 s0, $0x0;
	_ =	strace $0x9000004D  }
0x60: {  	s0 =	sadd.s32 @!p0 $0x100000, s1;
	[bflag:$0x2] =	sbarrier.arrive $0xFFFF  }
0x61: {  	[sflag:s0] =	ssyncadd.tile.s32 @!p0 $0x1;
	_ =	shalt  }
.Lfunc_end2:
_tile_overlayer_lowered:
.L_overlay_start_2:
0x62: {  	(tag) =	ssettag $0x2  }
0x63: {  	s0 =	rddreg [dreg:$0x0];
	s2 =	stileid.u32  }
0x64: {  	s1 =	rddreg [dreg:$0x1];
	p0 =	sne.s32 s2, $0x0  }
0x65: {  	s3 =	rddreg [dreg:$0x2];
	[bflag:$0x3] =	sbarrier.arrive $0xFFFF;
	s2 =	simm.s32 @!p0 $0x1C03  }
0x66: {  	[timem:s3], [sflag:s2] =	dma.local @!p0 [hbm:s0], s1  }
0x67: {  	s0 =	simm.s32 @!p0 $0x3  }
0x68: {  	_ =	swait.ge @!p0 [sflag:s0], s1  }
0x69: {  	s1 =	ssub.s32 @!p0 $0x0, s1;
	[sflag:s0] =	ssyncset.done @!p0 $0x0  }
0x6a: {  	[sflag:s0] =	ssyncadd.s32 @!p0 s1  }
0x6b: {  	[bflag:$0x3] =	sbarrier.arrive $0xFFFF  }
0x6c: {  	_ =	shalt  }

// kernel: kernel.22.cloned.1.call-start
scs
__scs_entry_jumppad:
0x0: {  	(pc) =	sbr.rel $0x88, $3  }
0x1: {  	(tag) =	ssettag $0x0;
	lr =	simm.s32 $0x1  }
0x2: {  	[smem:$0x3F8C] =	sst lr;
	_ =	strace $0xD0000000  }
0x3: {  	_ = 	snop  }
0x4: {  	_ = 	snop  }
0x5: {  	_ = 	snop  }
0x6: {  	_ = 	snop  }
0x7: {  	_ = 	snop  }
__scs_overlays_trampoline_lowered:
0x8: {  	[smem:$0x3F9B] =	sst s0  }
0x9: {  	[smem:$0x3F9C] =	sst s1  }
0xa: {  	[smem:$0x3F9D] =	sst s2  }
0xb: {  	[smem:$0x3F9E] =	sst s3  }
0xc: {  	[smem:$0x3F9F] =	sst s4  }
0xd: {  	[smem:$0x3FA0] =	sst s5  }
0xe: {  	[smem:$0x3FA1] =	sst s6  }
0xf: {  	[smem:$0x3FA2] =	sst s7  }
0x10: {  	[smem:$0x3FA3] =	sst s8  }
0x11: {  	[smem:$0x3FA4] =	sst s9;
	s0 =	simm.s32 @!p0 $0x0  }
0x12: {  	s1 =	sld [smem:$0x3F8A];
	s0 =	simm.s32 @p0 $0x1  }
0x13: {  	[smem:$0x3FA5] =	sst s0;
	s0 =	simm.s32 @!p1 $0x0  }
0x14: {  	s2 =	sld [smem:$0x3F89];
	s0 =	simm.s32 @p1 $0x1  }
0x15: {  	[smem:$0x3FA6] =	sst s0;
	s0 =	simm.s32 @!p2 $0x0  }
0x16: {  	s3 =	sld [smem:$0x3FDB];
	s0 =	simm.s32 @p2 $0x1  }
0x17: {  	s4 =	simm.s32 $0x1BF5;
	[smem:$0x3FA8] =	sst s0  }
0x18: {  	s0 =	sld [smem:$0x3F8B];
	_ =	swait.ge [sflag:s4], $0x0  }
0x19: {  	s7 =	sld [smem:$0x3F8C]  }
0x1a: {  	s8 =	sadd.s32 $0xFFFFE003, lr  }
0x1b: {  	s9 =	sadd.s32 $0xFFFFFEF7, lr;
	s5 =	simm.s32 $0xFFFFFFFF;
	p2 =	slt.u32 s8, $0xFFFFF086  }
0x1c: {  	p1 =	slt.u32 s9, $0xF7A;
	s5 =	simm.s32 @!p2 $0x0  }
0x1d: {  	s5 =	simm.s32 @p1 $0x1;
	p0 =	seq.s32 s7, s2  }
0x1e: {  	s7 =	smul.u32 @!p0 $0xF7A, s2;
	p2 =	seq.s32 @!p0 s5, $0x0  }
0x1f: {  	s9 =	smul.u32 $0xF7A, s1;
	s8 =	simm.s32 @!p0 $0x1BF5;
	p2 =	por !p2, p0  }
0x20: {  	[sflag:s8] =	ssyncset.s32 @!p0 $0xFFFFF086;
	s6 =	sadd.s32 @!p0 s3, s7;
	s7 =	simm.s32 @!p0 $0x108  }
0x21: {  	s3 =	sadd.s32 s3, s9;
	s6 =	sadd.s32 @!p0 $0x88, s6;
	s7 =	simm.s32 @p2 $0x1082  }
0x22: {  	[simem:s7], [sflag:s8] =	dma.local @!p0 [hbm:s6], $0xF7A  }
0x23: {  	s9 =	sor.u32 $0xD0000000, s2;
	s6 =	simm.s32 $0x108;
	_ =	swait.ge @!p0 [sflag:s8], $0x0  }
0x24: {  	s3 =	sadd.s32 $0x88, s3;
	s6 =	simm.s32 @!p1 $0x1082;
	[sflag:s4] =	ssyncset.s32 $0xFFFFF086  }
0x25: {  	[simem:s6], [sflag:s4] =	dma.local [hbm:s3], $0xF7A  }
0x26: {  	[smem:$0x3F8C] =	sst s1;
	(tag) =	ssettag s2;
	_ =	strace s9  }
0x27: {  	s1 =	sld [smem:$0x3F9C]  }
0x28: {  	s2 =	sld [smem:$0x3F9D]  }
0x29: {  	s4 =	sld [smem:$0x3F9F]  }
0x2a: {  	p0 =	seq.s32 s5, $0x0;
	s5 =	sld [smem:$0x3FA0]  }
0x2b: {  	s6 =	sld [smem:$0x3FA1]  }
0x2c: {  	s7 =	sld [smem:$0x3FA2]  }
0x2d: {  	s3 =	simm.s32 $0x108;
	s8 =	sld [smem:$0x3FA3]  }
0x2e: {  	s3 =	simm.s32 @!p0 $0x1082;
	s9 =	sld [smem:$0x3FA4]  }
0x2f: {  	lr =	sadd.s32 s0, s3;
	s0 =	sld [smem:$0x3F9B]  }
0x30: {  	s3 =	sld [smem:$0x3F9E]  }
0x31: {  	[smem:$0x3FA7] =	sst s10  }
0x32: {  	s10 =	sld [smem:$0x3FA5];
	_ =	sdelay $0x3  }
0x33: {  	p0 =	seq.s32 s10, $0x1;
	s10 =	sld [smem:$0x3FA7];
	_ =	sdelay $0x3  }
0x34: {  	[smem:$0x3FA7] =	sst s10  }
0x35: {  	s10 =	sld [smem:$0x3FA6];
	_ =	sdelay $0x3  }
0x36: {  	p1 =	seq.s32 s10, $0x1;
	s10 =	sld [smem:$0x3FA7];
	_ =	sdelay $0x3  }
0x37: {  	[smem:$0x3FA7] =	sst s10  }
0x38: {  	s10 =	sld [smem:$0x3FA8]  }
0x39: {  	_ = 	snop;
	(pc) =	sbr.ind lr, $3  }
0x3a: {  	_ = 	snop  }
0x3b: {  	_ = 	snop  }
0x3c: {  	p2 =	seq.s32 s10, $0x1;
	s10 =	sld [smem:$0x3FA7]  }
0x3d: {  	_ =	shalt  }
0x3e: {  	_ =	shalt  }
0x3f: {  	_ =	shalt  }
0x40: {  	_ =	shalt  }
0x41: {  	_ =	shalt  }
0x42: {  	_ =	shalt  }
0x43: {  	_ =	shalt  }
0x44: {  	_ =	shalt  }
0x45: {  	_ =	shalt  }
0x46: {  	_ =	shalt  }
0x47: {  	_ =	shalt  }
0x48: {  	_ =	shalt  }
0x49: {  	_ =	shalt  }
0x4a: {  	_ =	shalt  }
0x4b: {  	_ =	shalt  }
0x4c: {  	_ =	shalt  }
0x4d: {  	_ =	shalt  }
0x4e: {  	_ =	shalt  }
0x4f: {  	_ =	shalt  }
0x50: {  	_ =	shalt  }
0x51: {  	_ =	shalt  }
0x52: {  	_ =	shalt  }
0x53: {  	_ =	shalt  }
0x54: {  	_ =	shalt  }
0x55: {  	_ =	shalt  }
0x56: {  	_ =	shalt  }
0x57: {  	_ =	shalt  }
0x58: {  	_ =	shalt  }
0x59: {  	_ =	shalt  }
0x5a: {  	_ =	shalt  }
0x5b: {  	_ =	shalt  }
0x5c: {  	_ =	shalt  }
0x5d: {  	_ =	shalt  }
0x5e: {  	_ =	shalt  }
0x5f: {  	_ =	shalt  }
0x60: {  	_ =	shalt  }
0x61: {  	_ =	shalt  }
0x62: {  	_ =	shalt  }
0x63: {  	_ =	shalt  }
0x64: {  	_ =	shalt  }
0x65: {  	_ =	shalt  }
0x66: {  	_ =	shalt  }
0x67: {  	_ =	shalt  }
0x68: {  	_ =	shalt  }
0x69: {  	_ =	shalt  }
0x6a: {  	_ =	shalt  }
0x6b: {  	_ =	shalt  }
0x6c: {  	_ =	shalt  }
0x6d: {  	_ =	shalt  }
0x6e: {  	_ =	shalt  }
0x6f: {  	_ =	shalt  }
0x70: {  	_ =	shalt  }
0x71: {  	_ =	shalt  }
0x72: {  	_ =	shalt  }
0x73: {  	_ =	shalt  }
0x74: {  	_ =	shalt  }
0x75: {  	_ =	shalt  }
0x76: {  	_ =	shalt  }
0x77: {  	_ =	shalt  }
0x78: {  	_ =	shalt  }
0x79: {  	_ =	shalt  }
0x7a: {  	_ =	shalt  }
0x7b: {  	_ =	shalt  }
0x7c: {  	_ =	shalt  }
0x7d: {  	_ =	shalt  }
0x7e: {  	_ =	shalt  }
0x7f: {  	_ =	shalt  }
0x80: {  	_ =	shalt  }
0x81: {  	_ =	shalt  }
0x82: {  	_ =	shalt  }
0x83: {  	_ =	shalt  }
0x84: {  	_ =	shalt  }
0x85: {  	_ =	shalt  }
0x86: {  	_ =	shalt  }
0x87: {  	_ =	shalt  }
.Lfunc_end0:
.L_simem_size_0:
called_computation.3_lowered:
.L_overlay_start_0:
0x88: {  	s2 =	sld [smem:$0x3FD9]  }
0x89: {  	s3 =	sld [smem:$0x3FFE];
	_ =	sdelay $0x1  }
0x8a: {  	s1 =	srdreg.scid  }
0x8b: {  	s0 =	sand.u32 $0x1, s1  }
0x8c: {  	s16 =	sshll.u32 s0, $0xA;
	s2 =	sadd.s32 s3, s2  }
0x8d: {  	s2 =	sadd.s32 s2, s16  }
0x8e: {  	[smem:$0x3FB3] =	sst s2  }
0x8f: {  	_ = 	snop  }
0x90: {  	(tm) =	ssettm $0x1  }
0x91: {  	s17 =	sld [smem:$0x3FFB];
	_ =	sdelay $0x3  }
0x92: {  	_ =	strace s17  }
0x93: {  	s2 =	sld [smem:$0x3FFC];
	_ =	sdelay $0x3  }
0x94: {  	_ =	strace s2  }
0x95: {  	s2 =	sld [smem:$0x3FFD];
	_ =	sdelay $0x3  }
0x96: {  	_ =	strace s2  }
0x97: {  	_ =	strace $0x8FFFFFFF  }
0x98: {  	s18 =	sld [smem:$0x3FDB];
	_ =	sdelay $0x1  }
0x99: {  	s19 =	simm.s32 $_scs_section_size  }
0x9a: {  	s4 =	simm.s32 $_size__tile_overlayer_lowered;
	s5 =	simm.s32 $_tile_overlayer_lowered  }
0x9b: {  	s22 =	simm.s32 $0x1BFF;
	s21 =	sshll.u32 s5, $0x1;
	s2 =	sadd.s32 s19, s18  }
0x9c: {  	s6 =	simm.s32 $0x0;
	s20 =	sshll.u32 s4, $0x1;
	s4 =	sadd.s32 s21, s2  }
0x9d: {  	[timem:s6], [sflag:s22] =	dma.local [hbm:s4], s20  }
0x9e: {  	_ =	swait.ge [sflag:s22], s20  }
0x9f: {  	s3 =	ssub.s32 $0x0, s20;
	[sflag:s22] =	ssyncset.done $0x0  }
0xa0: {  	[sflag:s22] =	ssyncadd.s32 s3;
	_ =	sdelay $0x1  }
0xa1: {  	s23 =	simm.s32 $0x1B8B  }
0xa2: {  	_ =	swait.ge [sflag:s23], $0x1  }
0xa3: {  	[sflag:s23] =	ssyncset.done $0x0  }
0xa4: {  	s25 =	simm.s32 $0x1B8E;
	s24 =	sld [smem:$0x3FFE];
	[sflag:s23] =	ssyncadd.s32 $0xFFFFFFFF  }
0xa5: {  	s26 =	simm.s32 $execute0_lowered;
	[smem:$0x3FD2] =	sst s25  }
0xa6: {  	s4 =	sshll.u32 s26, $0x1;
	_ =	strace $0x8000004F;
	[dreg:$0x1] =	wrdreg $0xFFFFFFFF  }
0xa7: {  	s28 =	simm.s32 $_size_execute0_lowered;
	s2 =	sadd.s32 s2, s4;
	[dreg:$0x0] =	wrdreg $0x0  }
0xa8: {  	s4 =	sshll.u32 s28, $0x1;
	[dreg:$0x2] =	wrdreg s2  }
0xa9: {  	[dreg:$0x3] =	wrdreg s4  }
0xaa: {  	[dreg:$0x4] =	wrdreg $0xC0  }
0xab: {  	_ =	task [dreg:s6], $0x5FFFF  }
0xac: {  	[dreg:$0x1] =	wrdreg $0xFFFFFFFF  }
0xad: {  	[dreg:$0x0] =	wrdreg $0x60  }
0xae: {  	[dreg:$0x2] =	wrdreg s24  }
0xaf: {  	[dreg:$0x3] =	wrdreg $0x92000  }
0xb0: {  	[dreg:$0x4] =	wrdreg $0x132000  }
0xb1: {  	[dreg:$0x5] =	wrdreg $0x9  }
0xb2: {  	_ =	task.clear_ibuf [dreg:s6], $0x6FFFF;
	_ =	strace $0x9000004F  }
0xb3: {  	s29 =	simm.s32 $0x9;
	_ =	strace $0x80000051  }
0xb4: {  	_ =	swait.ge [sflag:s29], $0x1  }
0xb5: {  	[sflag:s29] =	ssyncadd.s32 $0xFFFFFFFF  }
0xb6: {  	_ =	strace $0x90000051  }
0xb7: {  	_ =	sfence  }
0xb8: {  	s30 =	sld [smem:$0x0];
	_ =	sdelay $0x2  }
0xb9: {  	s31 =	sshll.u32 s1, $0xD;
	s1 =	sshrl.u32 s1, $0x2  }
0xba: {  	s3 =	sand.u32 $0x4000, s31;
	s1 =	sadd.s32 s1, s30  }
0xbb: {  	s0 =	sor.u32 s3, s0;
	s1 =	sshll.u32 s1, $0x11  }
0xbc: {  	s0 =	sor.u32 s1, s0  }
0xbd: {  	s0 =	sadd.s32 $0x8F2B, s0  }
0xbe: {  	[sflag:s0] =	ssyncadd.remote.s32 $0x1  }
0xbf: {  	_ =	sfence.sel $0xFFFF  }
0xc0: {  	[dreg:$0x0] =	wrdreg $0xFFFFFFFF;
	(pc) =	sbr.abs _section_cstart, $3  }
0xc1: {  	[dreg:$0x1] =	wrdreg $0xFFFFFFFF  }
0xc2: {  	_ =	task.clear_ibuf [dreg:s6], $0x2FFFF;
	_ =	strace $0x9FFFFFFF  }
0xc3: {  	(tm) =	ssettm $0x7FFFFFFF  }
tec
execute0_lowered:
.L_overlay_start_1:
0x0: {  	(tag) =	ssettag $0x1  }
0x1: {  	s5 =	rddreg [dreg:$0x0]  }
0x2: {  	s2 =	rddreg [dreg:$0x1]  }
0x3: {  	s3 =	rddreg [dreg:$0x2];
	s4 =	srdreg.scid  }
0x4: {  	s0 =	rddreg [dreg:$0x3];
	s1 =	stileid.u32;
	s14 =	simm.s32 $0x2900  }
0x5: {  	s18 =	simm.s32 $0x80;
	s19 =	simm.s32 $0x5200;
	s20 =	simm.s32 $0x7200  }
0x6: {  	s21 =	simm.s32 $0x1;
	s22 =	simm.s32 $0x2;
	s23 =	simm.s32 $0x0  }
0x7: {  	s6 =	sand.u32 $0x1, s4;
	s4 =	simm.s32 $0x0;
	s8 =	smul.u32 $0xA000, s1  }
0x8: {  	s15 =	sshll.u32 s1, $0x6;
	s7 =	sshll.u32 s6, $0x4;
	[smem:$0x7FF] =	sst s4  }
0x9: {  	s9 =	smul.u32 $0xA0000, s6;
	s6 =	ssub.s32 $0x2, s6;
	s15 =	sor.u32 $0x1C03, s15  }
0xa: {  	s7 =	sor.u32 s1, s7;
	_ =	strace $0x80000050;
	s10 =	sshrl.u32 s8, $0x3  }
0xb: {  	s11 =	sshrl.u32 s6, $0x1;
	s16 =	sadd.s32 s8, s2;
	s17 =	sadd.s32 s8, s3  }
0xc: {  	s7 =	smul.u32 $0x520, s7;
	s10 =	sadd.s32 s10, s5;
	s9 =	sadd.s32 s8, s9  }
0xd: {  	s13 =	ssub.s32 s6, s11;
	s16 =	sshrl.u32 s16, $0x3;
	s17 =	sshrl.u32 s17, $0x3  }
0xe: {  	s9 =	sshrl.u32 s9, $0x3;
	s8 =	sadd.s32 $0x2D000, s10;
	s7 =	sadd.s32 s7, s5  }
0xf: {  	s12 =	sadd.s32 s9, s5;
	s5 =	sadd.s32 $0xEC00, s7;
	s6 =	sadd.s32 $0x4800, s7  }
0x10: {  	s7 =	sadd.s32 $0x41000, s10;
	s9 =	sadd.s32 $0x55000, s12;
	s10 =	sadd.s32 $0x19000, s10  }
0x11: {  	s11 =	sadd.s32 $0x7D000, s12;
	s12 =	smax.u32 s13, $0x1;
	s13 =	simm.s32 $0x3  }
.LBB2_1:
0x12: {  	[tilespmem:s4], [sflag:$0x3] =	stream.linear.gather [hbm4b:s5+s4], $0x2900, $0x38;
	[tilespmem:$0x1D200] =	vst v63  }
0x13: {  	_ =	swait.ge [sflag:s13], $0x2900  }
0x14: {  	[sflag:s13] =	ssyncset.done $0x0  }
0x15: {  	[sflag:s13] =	ssyncadd.s32 $0xFFFFD700  }
0x16: {  	[tilespmem:s14], [sflag:$0x3] =	stream.linear.gather [hbm4b:s6+s4], $0x2900, $0x38;
	[tilespmem:$0x1D200] =	vst v63  }
0x17: {  	_ =	swait.ge [sflag:s13], $0x2900  }
0x18: {  	[sflag:s13] =	ssyncset.done $0x0  }
0x19: {  	[sflag:s13] =	ssyncadd.s32 $0xFFFFD700  }
0x1a: {  	[spmem:s16], [sflag:s15] =	dma.local [hbm:s7], $0x1400  }
0x1b: {  	_ =	swait.ge [sflag:s13], $0x1400  }
0x1c: {  	[sflag:s13] =	ssyncset.done $0x0  }
0x1d: {  	[sflag:s13] =	ssyncadd.s32 $0xFFFFEC00  }
0x1e: {  	[spmem:s17], [sflag:s15] =	dma.local [hbm:s8], $0x1400  }
0x1f: {  	_ =	swait.ge [sflag:s13], $0x1400  }
0x20: {  	[sflag:s13] =	ssyncset.done $0x0  }
0x21: {  	[sflag:s13] =	ssyncadd.s32 $0xFFFFEC00  }
0x22: {  	[bflag:$0x0] =	sbarrier.arrive $0xFFFF  }
0x23: {  	[tilespmem:s19], [sflag:$0x1] =	stream.indirect.gather [spmem:s2], $0x40, s4, s18, $0xb8;
	[tilespmem:$0x1D200] =	vst v63  }
0x24: {  	s24 =	simm.s32 $0x80  }
0x25: {  	[tilespmem:s20], [sflag:$0x2] =	stream.indirect.gather [spmem:s2], $0x40, s24, s18, $0xb8;
	[tilespmem:$0x1D200] =	vst v63  }
0x26: {  	_ =	swait.ge [sflag:s21], $0x2000  }
0x27: {  	[sflag:s21] =	ssyncset.done $0x0  }
0x28: {  	s29 =	simm.s32 $0x2900;
	[sflag:s21] =	ssyncadd.s32 $0xFFFFE000  }
0x29: {  	[spmem:s3] =	stream.indirect.scatter.add.f32 [tilespmem:s19], [sflag:$0x3], $0x40, s29, s18, $0xb8;
	[tilespmem:$0x1D200] =	vst v63  }
0x2a: {  	_ =	swait.ge [sflag:s13], $0x2000  }
0x2b: {  	[sflag:s13] =	ssyncset.done $0x0  }
0x2c: {  	s30 =	simm.s32 $0x100;
	[sflag:s13] =	ssyncadd.s32 $0xFFFFE000  }
0x2d: {  	[tilespmem:s19], [sflag:$0x1] =	stream.indirect.gather [spmem:s2], $0x40, s30, s18, $0xb8;
	[tilespmem:$0x1D200] =	vst v63  }
0x2e: {  	_ =	swait.ge [sflag:s22], $0x2000  }
0x2f: {  	[sflag:s22] =	ssyncset.done $0x0  }
0x30: {  	s31 =	simm.s32 $0x2980;
	[sflag:s22] =	ssyncadd.s32 $0xFFFFE000  }
0x31: {  	[spmem:s3] =	stream.indirect.scatter.add.f32 [tilespmem:s20], [sflag:$0x3], $0x40, s31, s18, $0xb8;
	[tilespmem:$0x1D200] =	vst v63  }
0x32: {  	_ =	swait.ge [sflag:s13], $0x2000  }
0x33: {  	s25 =	simm.s32 $0x800;
	s24 =	simm.s32 $0x100;
	[sflag:s13] =	ssyncset.done $0x0  }
.LBB2_2:
0x34: {  	s26 =	sadd.s32 $0x80, s24  }
0x35: {  	[sflag:s13] =	ssyncadd.s32 $0xFFFFE000;
	s28 =	smov.u32 s25;
	s29 =	sadd.s32 $0x400, s25  }
0x36: {  	[tilespmem:s20], [sflag:$0x2] =	stream.indirect.gather [spmem:s2], $0x40, s26, s18, $0xb8;
	[tilespmem:$0x1D200] =	vst v63  }
0x37: {  	p0 =	sne.s32 s25, $0x9C00;
	_ =	swait.ge [sflag:s21], $0x2000  }
0x38: {  	[sflag:s21] =	ssyncset.done $0x0  }
0x39: {  	s25 =	sadd.s32 $0x2900, s24;
	[sflag:s21] =	ssyncadd.s32 $0xFFFFE000  }
0x3a: {  	[spmem:s3] =	stream.indirect.scatter.add.f32 [tilespmem:s19], [sflag:$0x3], $0x40, s25, s18, $0xb8;
	[tilespmem:$0x1D200] =	vst v63  }
0x3b: {  	_ =	swait.ge [sflag:s13], $0x2000  }
0x3c: {  	[sflag:s13] =	ssyncset.done $0x0  }
0x3d: {  	s25 =	sadd.s32 $0x100, s24;
	[sflag:s13] =	ssyncadd.s32 $0xFFFFE000  }
0x3e: {  	[tilespmem:s19], [sflag:$0x1] =	stream.indirect.gather [spmem:s2], $0x40, s25, s18, $0xb8;
	[tilespmem:$0x1D200] =	vst v63  }
0x3f: {  	_ =	swait.ge [sflag:s22], $0x2000  }
.Ltmp0:
0x40: {  	[sflag:s22] =	ssyncset.done $0x0;
	(pc) =	sbr.rel @p0 .LBB2_2-.Ltmp0, $4  }
0x41: {  	s24 =	sadd.s32 $0x2980, s24;
	[sflag:s22] =	ssyncadd.s32 $0xFFFFE000  }
0x42: {  	[spmem:s3] =	stream.indirect.scatter.add.f32 [tilespmem:s20], [sflag:$0x3], $0x40, s24, s18, $0xb8;
	[tilespmem:$0x1D200] =	vst v63  }
0x43: {  	_ =	swait.ge [sflag:s13], $0x2000  }
0x44: {  	s25 =	smov.u32 s29;
	s24 =	sshra.s32 s28, $0x2;
	[sflag:s13] =	ssyncset.done $0x0  }
0x45: {  	s25 =	sadd.s32 $0x80, s24;
	[sflag:s13] =	ssyncadd.s32 $0xFFFFE000  }
0x46: {  	[tilespmem:s20], [sflag:$0x2] =	stream.indirect.gather [spmem:s2], $0x40, s25, s18, $0xb8;
	[tilespmem:$0x1D200] =	vst v63  }
0x47: {  	_ =	swait.ge [sflag:s21], $0x2000  }
0x48: {  	[sflag:s21] =	ssyncset.done $0x0  }
0x49: {  	s30 =	sadd.s32 $0x2900, s24;
	[sflag:s21] =	ssyncadd.s32 $0xFFFFE000  }
0x4a: {  	[spmem:s3] =	stream.indirect.scatter.add.f32 [tilespmem:s19], [sflag:$0x3], $0x40, s30, s18, $0xb8;
	[tilespmem:$0x1D200] =	vst v63  }
0x4b: {  	_ =	swait.ge [sflag:s13], $0x2000  }
0x4c: {  	[sflag:s13] =	ssyncset.done $0x0  }
0x4d: {  	s31 =	sadd.s32 $0x100, s24;
	[sflag:s13] =	ssyncadd.s32 $0xFFFFE000  }
0x4e: {  	[tilespmem:s19], [sflag:$0x1] =	stream.indirect.gather [spmem:s2], $0x40, s31, s18, $0xb8;
	[tilespmem:$0x1D200] =	vst v63  }
0x4f: {  	_ =	swait.ge [sflag:s22], $0x2000  }
0x50: {  	[sflag:s22] =	ssyncset.done $0x0  }
0x51: {  	s25 =	sadd.s32 $0x2980, s24;
	[sflag:s22] =	ssyncadd.s32 $0xFFFFE000  }
0x52: {  	[spmem:s3] =	stream.indirect.scatter.add.f32 [tilespmem:s20], [sflag:$0x3], $0x40, s25, s18, $0xb8;
	[tilespmem:$0x1D200] =	vst v63  }
0x53: {  	_ =	swait.ge [sflag:s13], $0x2000  }
0x54: {  	[sflag:s13] =	ssyncset.done $0x0  }
0x55: {  	[sflag:s13] =	ssyncadd.s32 $0xFFFFE000  }
0x56: {  	_ =	swait.ge [sflag:s21], $0x2000  }
0x57: {  	[sflag:s21] =	ssyncset.done $0x0  }
0x58: {  	[sflag:s21] =	ssyncadd.s32 $0xFFFFE000  }
0x59: {  	[bflag:$0x0] =	sbarrier.arrive $0xFFFF  }
0x5a: {  	[hbm:s9], [sflag:s15] =	dma.local [spmem:s17], $0x1400  }
0x5b: {  	_ =	swait.ge [sflag:s13], $0x1400  }
0x5c: {  	[sflag:s13] =	ssyncset.done $0x0  }
0x5d: {  	[sflag:s13] =	ssyncadd.s32 $0xFFFFEC00  }
0x5e: {  	[bflag:$0x0] =	sbarrier.arrive $0xFFFF  }
0x5f: {  	[spmem:s16], [sflag:s15] =	dma.local [hbm:s10], $0x1400  }
0x60: {  	_ =	swait.ge [sflag:s13], $0x1400  }
0x61: {  	[sflag:s13] =	ssyncset.done $0x0  }
0x62: {  	[sflag:s13] =	ssyncadd.s32 $0xFFFFEC00  }
0x63: {  	[spmem:s17], [sflag:s15] =	dma.local [hbm:s8], $0x1400  }
0x64: {  	_ =	swait.ge [sflag:s13], $0x1400  }
0x65: {  	[sflag:s13] =	ssyncset.done $0x0  }
0x66: {  	[sflag:s13] =	ssyncadd.s32 $0xFFFFEC00  }
0x67: {  	s26 =	simm.s32 $0x0;
	[bflag:$0x0] =	sbarrier.arrive $0xFFFF  }
0x68: {  	[tilespmem:s19], [sflag:$0x1] =	stream.indirect.gather [spmem:s2], $0x40, s26, s18, $0xb8;
	[tilespmem:$0x1D200] =	vst v63  }
0x69: {  	s28 =	simm.s32 $0x80  }
0x6a: {  	[tilespmem:s20], [sflag:$0x2] =	stream.indirect.gather [spmem:s2], $0x40, s28, s18, $0xb8;
	[tilespmem:$0x1D200] =	vst v63  }
0x6b: {  	_ =	swait.ge [sflag:s21], $0x2000  }
0x6c: {  	[sflag:s21] =	ssyncset.done $0x0  }
0x6d: {  	s29 =	simm.s32 $0x2900;
	[sflag:s21] =	ssyncadd.s32 $0xFFFFE000  }
0x6e: {  	[spmem:s3] =	stream.indirect.scatter.add.f32 [tilespmem:s19], [sflag:$0x3], $0x40, s29, s18, $0xb8;
	[tilespmem:$0x1D200] =	vst v63  }
0x6f: {  	_ =	swait.ge [sflag:s13], $0x2000  }
0x70: {  	[sflag:s13] =	ssyncset.done $0x0  }
0x71: {  	s30 =	simm.s32 $0x100;
	[sflag:s13] =	ssyncadd.s32 $0xFFFFE000  }
0x72: {  	[tilespmem:s19], [sflag:$0x1] =	stream.indirect.gather [spmem:s2], $0x40, s30, s18, $0xb8;
	[tilespmem:$0x1D200] =	vst v63  }
0x73: {  	_ =	swait.ge [sflag:s22], $0x2000  }
0x74: {  	[sflag:s22] =	ssyncset.done $0x0  }
0x75: {  	s31 =	simm.s32 $0x2980;
	[sflag:s22] =	ssyncadd.s32 $0xFFFFE000  }
0x76: {  	[spmem:s3] =	stream.indirect.scatter.add.f32 [tilespmem:s20], [sflag:$0x3], $0x40, s31, s18, $0xb8;
	[tilespmem:$0x1D200] =	vst v63  }
0x77: {  	_ =	swait.ge [sflag:s13], $0x2000  }
0x78: {  	s24 =	simm.s32 $0x100;
	s25 =	simm.s32 $0x800;
	[sflag:s13] =	ssyncset.done $0x0  }
.LBB2_4:
0x79: {  	s26 =	sadd.s32 $0x80, s24  }
0x7a: {  	[sflag:s13] =	ssyncadd.s32 $0xFFFFE000;
	s28 =	smov.u32 s25;
	s29 =	sadd.s32 $0x400, s25  }
0x7b: {  	[tilespmem:s20], [sflag:$0x2] =	stream.indirect.gather [spmem:s2], $0x40, s26, s18, $0xb8;
	[tilespmem:$0x1D200] =	vst v63  }
0x7c: {  	p0 =	sne.s32 s25, $0x9C00;
	_ =	swait.ge [sflag:s21], $0x2000  }
0x7d: {  	[sflag:s21] =	ssyncset.done $0x0  }
0x7e: {  	s25 =	sadd.s32 $0x2900, s24;
	[sflag:s21] =	ssyncadd.s32 $0xFFFFE000  }
0x7f: {  	[spmem:s3] =	stream.indirect.scatter.add.f32 [tilespmem:s19], [sflag:$0x3], $0x40, s25, s18, $0xb8;
	[tilespmem:$0x1D200] =	vst v63  }
0x80: {  	_ =	swait.ge [sflag:s13], $0x2000  }
0x81: {  	[sflag:s13] =	ssyncset.done $0x0  }
0x82: {  	s25 =	sadd.s32 $0x100, s24;
	[sflag:s13] =	ssyncadd.s32 $0xFFFFE000  }
0x83: {  	[tilespmem:s19], [sflag:$0x1] =	stream.indirect.gather [spmem:s2], $0x40, s25, s18, $0xb8;
	[tilespmem:$0x1D200] =	vst v63  }
0x84: {  	_ =	swait.ge [sflag:s22], $0x2000  }
.Ltmp1:
0x85: {  	[sflag:s22] =	ssyncset.done $0x0;
	(pc) =	sbr.rel @p0 .LBB2_4-.Ltmp1, $4  }
0x86: {  	s24 =	sadd.s32 $0x2980, s24;
	[sflag:s22] =	ssyncadd.s32 $0xFFFFE000  }
0x87: {  	[spmem:s3] =	stream.indirect.scatter.add.f32 [tilespmem:s20], [sflag:$0x3], $0x40, s24, s18, $0xb8;
	[tilespmem:$0x1D200] =	vst v63  }
0x88: {  	_ =	swait.ge [sflag:s13], $0x2000  }
0x89: {  	s25 =	smov.u32 s29;
	s24 =	sshra.s32 s28, $0x2;
	[sflag:s13] =	ssyncset.done $0x0  }
0x8a: {  	s25 =	sadd.s32 $0x80, s24;
	[sflag:s13] =	ssyncadd.s32 $0xFFFFE000  }
0x8b: {  	[tilespmem:s20], [sflag:$0x2] =	stream.indirect.gather [spmem:s2], $0x40, s25, s18, $0xb8;
	[tilespmem:$0x1D200] =	vst v63  }
0x8c: {  	_ =	swait.ge [sflag:s21], $0x2000  }
0x8d: {  	[sflag:s21] =	ssyncset.done $0x0  }
0x8e: {  	s29 =	sadd.s32 $0x2900, s24;
	[sflag:s21] =	ssyncadd.s32 $0xFFFFE000  }
0x8f: {  	[spmem:s3] =	stream.indirect.scatter.add.f32 [tilespmem:s19], [sflag:$0x3], $0x40, s29, s18, $0xb8;
	[tilespmem:$0x1D200] =	vst v63  }
0x90: {  	_ =	swait.ge [sflag:s13], $0x2000  }
0x91: {  	[sflag:s13] =	ssyncset.done $0x0  }
0x92: {  	s30 =	sadd.s32 $0x100, s24;
	[sflag:s13] =	ssyncadd.s32 $0xFFFFE000  }
0x93: {  	[tilespmem:s19], [sflag:$0x1] =	stream.indirect.gather [spmem:s2], $0x40, s30, s18, $0xb8;
	[tilespmem:$0x1D200] =	vst v63  }
0x94: {  	_ =	swait.ge [sflag:s22], $0x2000  }
0x95: {  	[sflag:s22] =	ssyncset.done $0x0  }
0x96: {  	s31 =	sadd.s32 $0x2980, s24;
	[sflag:s22] =	ssyncadd.s32 $0xFFFFE000  }
0x97: {  	[spmem:s3] =	stream.indirect.scatter.add.f32 [tilespmem:s20], [sflag:$0x3], $0x40, s31, s18, $0xb8;
	[tilespmem:$0x1D200] =	vst v63  }
0x98: {  	_ =	swait.ge [sflag:s13], $0x2000  }
0x99: {  	[sflag:s13] =	ssyncset.done $0x0  }
0x9a: {  	[sflag:s13] =	ssyncadd.s32 $0xFFFFE000  }
0x9b: {  	_ =	swait.ge [sflag:s21], $0x2000  }
0x9c: {  	s23 =	sadd.s32 $0x1, s23;
	[sflag:s21] =	ssyncset.done $0x0  }
0x9d: {  	p0 =	sne.s32 s23, s12;
	[sflag:s21] =	ssyncadd.s32 $0xFFFFE000  }
.Ltmp2:
0x9e: {  	[bflag:$0x0] =	sbarrier.arrive $0xFFFF;
	(pc) =	sbr.rel @p0 .LBB2_1-.Ltmp2, $4  }
0x9f: {  	[hbm:s11], [sflag:s15] =	dma.local [spmem:s17], $0x1400  }
0xa0: {  	_ =	swait.ge [sflag:s13], $0x1400  }
0xa1: {  	[sflag:s13] =	ssyncset.done $0x0  }
0xa2: {  	[sflag:s13] =	ssyncadd.s32 $0xFFFFEC00  }
0xa3: {  	_ =	sfence.sel $0x180000  }
0xa4: {  	[bflag:$0x0] =	sbarrier.arrive $0xFFFF  }
0xa5: {  	p0 =	sne.s32 s1, $0x0;
	_ =	strace $0x90000050  }
0xa6: {  	s0 =	sadd.s32 @!p0 $0x100000, s0;
	[bflag:$0x2] =	sbarrier.arrive $0xFFFF  }
0xa7: {  	[sflag:s0] =	ssyncadd.tile.s32 @!p0 $0x1;
	_ =	shalt  }
.Lfunc_end2:
_tile_overlayer_lowered:
.L_overlay_start_2:
0xa8: {  	(tag) =	ssettag $0x2  }
0xa9: {  	s0 =	rddreg [dreg:$0x0];
	s2 =	stileid.u32  }
0xaa: {  	s1 =	rddreg [dreg:$0x1];
	p0 =	sne.s32 s2, $0x0  }
0xab: {  	s3 =	rddreg [dreg:$0x2];
	[bflag:$0x3] =	sbarrier.arrive $0xFFFF;
	s2 =	simm.s32 @!p0 $0x1C03  }
0xac: {  	[timem:s3], [sflag:s2] =	dma.local @!p0 [hbm:s0], s1  }
0xad: {  	s0 =	simm.s32 @!p0 $0x3  }
0xae: {  	_ =	swait.ge @!p0 [sflag:s0], s1  }
0xaf: {  	s1 =	ssub.s32 @!p0 $0x0, s1;
	[sflag:s0] =	ssyncset.done @!p0 $0x0  }
0xb0: {  	[sflag:s0] =	ssyncadd.s32 @!p0 s1  }
0xb1: {  	[bflag:$0x3] =	sbarrier.arrive $0xFFFF  }
0xb2: {  	_ =	shalt  }

// kernel: kernel.25.cloned.1.call-start
scs
__scs_entry_jumppad:
0x0: {  	(pc) =	sbr.rel $0x88, $3  }
0x1: {  	(tag) =	ssettag $0x0;
	lr =	simm.s32 $0x1  }
0x2: {  	[smem:$0x3F8C] =	sst lr;
	_ =	strace $0xD0000000  }
0x3: {  	_ = 	snop  }
0x4: {  	_ = 	snop  }
0x5: {  	_ = 	snop  }
0x6: {  	_ = 	snop  }
0x7: {  	_ = 	snop  }
__scs_overlays_trampoline_lowered:
0x8: {  	[smem:$0x3F9B] =	sst s0  }
0x9: {  	[smem:$0x3F9C] =	sst s1  }
0xa: {  	[smem:$0x3F9D] =	sst s2  }
0xb: {  	[smem:$0x3F9E] =	sst s3  }
0xc: {  	[smem:$0x3F9F] =	sst s4  }
0xd: {  	[smem:$0x3FA0] =	sst s5  }
0xe: {  	[smem:$0x3FA1] =	sst s6  }
0xf: {  	[smem:$0x3FA2] =	sst s7  }
0x10: {  	[smem:$0x3FA3] =	sst s8  }
0x11: {  	[smem:$0x3FA4] =	sst s9;
	s0 =	simm.s32 @!p0 $0x0  }
0x12: {  	s1 =	sld [smem:$0x3F8A];
	s0 =	simm.s32 @p0 $0x1  }
0x13: {  	[smem:$0x3FA5] =	sst s0;
	s0 =	simm.s32 @!p1 $0x0  }
0x14: {  	s2 =	sld [smem:$0x3F89];
	s0 =	simm.s32 @p1 $0x1  }
0x15: {  	[smem:$0x3FA6] =	sst s0;
	s0 =	simm.s32 @!p2 $0x0  }
0x16: {  	s3 =	sld [smem:$0x3FDB];
	s0 =	simm.s32 @p2 $0x1  }
0x17: {  	s4 =	simm.s32 $0x1BF5;
	[smem:$0x3FA8] =	sst s0  }
0x18: {  	s0 =	sld [smem:$0x3F8B];
	_ =	swait.ge [sflag:s4], $0x0  }
0x19: {  	s7 =	sld [smem:$0x3F8C]  }
0x1a: {  	s8 =	sadd.s32 $0xFFFFE003, lr  }
0x1b: {  	s9 =	sadd.s32 $0xFFFFFEF7, lr;
	s5 =	simm.s32 $0xFFFFFFFF;
	p2 =	slt.u32 s8, $0xFFFFF086  }
0x1c: {  	p1 =	slt.u32 s9, $0xF7A;
	s5 =	simm.s32 @!p2 $0x0  }
0x1d: {  	s5 =	simm.s32 @p1 $0x1;
	p0 =	seq.s32 s7, s2  }
0x1e: {  	s7 =	smul.u32 @!p0 $0xF7A, s2;
	p2 =	seq.s32 @!p0 s5, $0x0  }
0x1f: {  	s9 =	smul.u32 $0xF7A, s1;
	s8 =	simm.s32 @!p0 $0x1BF5;
	p2 =	por !p2, p0  }
0x20: {  	[sflag:s8] =	ssyncset.s32 @!p0 $0xFFFFF086;
	s6 =	sadd.s32 @!p0 s3, s7;
	s7 =	simm.s32 @!p0 $0x108  }
0x21: {  	s3 =	sadd.s32 s3, s9;
	s6 =	sadd.s32 @!p0 $0x88, s6;
	s7 =	simm.s32 @p2 $0x1082  }
0x22: {  	[simem:s7], [sflag:s8] =	dma.local @!p0 [hbm:s6], $0xF7A  }
0x23: {  	s9 =	sor.u32 $0xD0000000, s2;
	s6 =	simm.s32 $0x108;
	_ =	swait.ge @!p0 [sflag:s8], $0x0  }
0x24: {  	s3 =	sadd.s32 $0x88, s3;
	s6 =	simm.s32 @!p1 $0x1082;
	[sflag:s4] =	ssyncset.s32 $0xFFFFF086  }
0x25: {  	[simem:s6], [sflag:s4] =	dma.local [hbm:s3], $0xF7A  }
0x26: {  	[smem:$0x3F8C] =	sst s1;
	(tag) =	ssettag s2;
	_ =	strace s9  }
0x27: {  	s1 =	sld [smem:$0x3F9C]  }
0x28: {  	s2 =	sld [smem:$0x3F9D]  }
0x29: {  	s4 =	sld [smem:$0x3F9F]  }
0x2a: {  	p0 =	seq.s32 s5, $0x0;
	s5 =	sld [smem:$0x3FA0]  }
0x2b: {  	s6 =	sld [smem:$0x3FA1]  }
0x2c: {  	s7 =	sld [smem:$0x3FA2]  }
0x2d: {  	s3 =	simm.s32 $0x108;
	s8 =	sld [smem:$0x3FA3]  }
0x2e: {  	s3 =	simm.s32 @!p0 $0x1082;
	s9 =	sld [smem:$0x3FA4]  }
0x2f: {  	lr =	sadd.s32 s0, s3;
	s0 =	sld [smem:$0x3F9B]  }
0x30: {  	s3 =	sld [smem:$0x3F9E]  }
0x31: {  	[smem:$0x3FA7] =	sst s10  }
0x32: {  	s10 =	sld [smem:$0x3FA5];
	_ =	sdelay $0x3  }
0x33: {  	p0 =	seq.s32 s10, $0x1;
	s10 =	sld [smem:$0x3FA7];
	_ =	sdelay $0x3  }
0x34: {  	[smem:$0x3FA7] =	sst s10  }
0x35: {  	s10 =	sld [smem:$0x3FA6];
	_ =	sdelay $0x3  }
0x36: {  	p1 =	seq.s32 s10, $0x1;
	s10 =	sld [smem:$0x3FA7];
	_ =	sdelay $0x3  }
0x37: {  	[smem:$0x3FA7] =	sst s10  }
0x38: {  	s10 =	sld [smem:$0x3FA8]  }
0x39: {  	_ = 	snop;
	(pc) =	sbr.ind lr, $3  }
0x3a: {  	_ = 	snop  }
0x3b: {  	_ = 	snop  }
0x3c: {  	p2 =	seq.s32 s10, $0x1;
	s10 =	sld [smem:$0x3FA7]  }
0x3d: {  	_ =	shalt  }
0x3e: {  	_ =	shalt  }
0x3f: {  	_ =	shalt  }
0x40: {  	_ =	shalt  }
0x41: {  	_ =	shalt  }
0x42: {  	_ =	shalt  }
0x43: {  	_ =	shalt  }
0x44: {  	_ =	shalt  }
0x45: {  	_ =	shalt  }
0x46: {  	_ =	shalt  }
0x47: {  	_ =	shalt  }
0x48: {  	_ =	shalt  }
0x49: {  	_ =	shalt  }
0x4a: {  	_ =	shalt  }
0x4b: {  	_ =	shalt  }
0x4c: {  	_ =	shalt  }
0x4d: {  	_ =	shalt  }
0x4e: {  	_ =	shalt  }
0x4f: {  	_ =	shalt  }
0x50: {  	_ =	shalt  }
0x51: {  	_ =	shalt  }
0x52: {  	_ =	shalt  }
0x53: {  	_ =	shalt  }
0x54: {  	_ =	shalt  }
0x55: {  	_ =	shalt  }
0x56: {  	_ =	shalt  }
0x57: {  	_ =	shalt  }
0x58: {  	_ =	shalt  }
0x59: {  	_ =	shalt  }
0x5a: {  	_ =	shalt  }
0x5b: {  	_ =	shalt  }
0x5c: {  	_ =	shalt  }
0x5d: {  	_ =	shalt  }
0x5e: {  	_ =	shalt  }
0x5f: {  	_ =	shalt  }
0x60: {  	_ =	shalt  }
0x61: {  	_ =	shalt  }
0x62: {  	_ =	shalt  }
0x63: {  	_ =	shalt  }
0x64: {  	_ =	shalt  }
0x65: {  	_ =	shalt  }
0x66: {  	_ =	shalt  }
0x67: {  	_ =	shalt  }
0x68: {  	_ =	shalt  }
0x69: {  	_ =	shalt  }
0x6a: {  	_ =	shalt  }
0x6b: {  	_ =	shalt  }
0x6c: {  	_ =	shalt  }
0x6d: {  	_ =	shalt  }
0x6e: {  	_ =	shalt  }
0x6f: {  	_ =	shalt  }
0x70: {  	_ =	shalt  }
0x71: {  	_ =	shalt  }
0x72: {  	_ =	shalt  }
0x73: {  	_ =	shalt  }
0x74: {  	_ =	shalt  }
0x75: {  	_ =	shalt  }
0x76: {  	_ =	shalt  }
0x77: {  	_ =	shalt  }
0x78: {  	_ =	shalt  }
0x79: {  	_ =	shalt  }
0x7a: {  	_ =	shalt  }
0x7b: {  	_ =	shalt  }
0x7c: {  	_ =	shalt  }
0x7d: {  	_ =	shalt  }
0x7e: {  	_ =	shalt  }
0x7f: {  	_ =	shalt  }
0x80: {  	_ =	shalt  }
0x81: {  	_ =	shalt  }
0x82: {  	_ =	shalt  }
0x83: {  	_ =	shalt  }
0x84: {  	_ =	shalt  }
0x85: {  	_ =	shalt  }
0x86: {  	_ =	shalt  }
0x87: {  	_ =	shalt  }
.Lfunc_end0:
.L_simem_size_0:
called_computation.4_lowered:
.L_overlay_start_0:
0x88: {  	s2 =	sld [smem:$0x3FD9]  }
0x89: {  	s3 =	sld [smem:$0x3FFE];
	_ =	sdelay $0x1  }
0x8a: {  	s1 =	srdreg.scid  }
0x8b: {  	s0 =	sand.u32 $0x1, s1  }
0x8c: {  	s16 =	sshll.u32 s0, $0xA;
	s2 =	sadd.s32 s3, s2  }
0x8d: {  	s2 =	sadd.s32 s2, s16  }
0x8e: {  	[smem:$0x3FB3] =	sst s2  }
0x8f: {  	_ = 	snop  }
0x90: {  	(tm) =	ssettm $0x1  }
0x91: {  	s17 =	sld [smem:$0x3FFB];
	_ =	sdelay $0x3  }
0x92: {  	_ =	strace s17  }
0x93: {  	s2 =	sld [smem:$0x3FFC];
	_ =	sdelay $0x3  }
0x94: {  	_ =	strace s2  }
0x95: {  	s2 =	sld [smem:$0x3FFD];
	_ =	sdelay $0x3  }
0x96: {  	_ =	strace s2  }
0x97: {  	_ =	strace $0x8FFFFFFF  }
0x98: {  	s18 =	sld [smem:$0x3FDB];
	_ =	sdelay $0x1  }
0x99: {  	s19 =	simm.s32 $_scs_section_size  }
0x9a: {  	s4 =	simm.s32 $_size__tile_overlayer_lowered;
	s5 =	simm.s32 $_tile_overlayer_lowered  }
0x9b: {  	s22 =	simm.s32 $0x1BFF;
	s21 =	sshll.u32 s5, $0x1;
	s2 =	sadd.s32 s19, s18  }
0x9c: {  	s6 =	simm.s32 $0x0;
	s20 =	sshll.u32 s4, $0x1;
	s4 =	sadd.s32 s21, s2  }
0x9d: {  	[timem:s6], [sflag:s22] =	dma.local [hbm:s4], s20  }
0x9e: {  	_ =	swait.ge [sflag:s22], s20  }
0x9f: {  	s3 =	ssub.s32 $0x0, s20;
	[sflag:s22] =	ssyncset.done $0x0  }
0xa0: {  	[sflag:s22] =	ssyncadd.s32 s3;
	_ =	sdelay $0x1  }
0xa1: {  	s23 =	simm.s32 $0x1B8B  }
0xa2: {  	_ =	swait.ge [sflag:s23], $0x1  }
0xa3: {  	[sflag:s23] =	ssyncset.done $0x0  }
0xa4: {  	s25 =	simm.s32 $0x1B8E;
	s24 =	sld [smem:$0x3FFE];
	[sflag:s23] =	ssyncadd.s32 $0xFFFFFFFF  }
0xa5: {  	s26 =	simm.s32 $execute0_lowered;
	[smem:$0x3FD2] =	sst s25  }
0xa6: {  	s4 =	sshll.u32 s26, $0x1;
	_ =	strace $0x80000052;
	[dreg:$0x1] =	wrdreg $0xFFFFFFFF  }
0xa7: {  	s28 =	simm.s32 $_size_execute0_lowered;
	s2 =	sadd.s32 s2, s4;
	[dreg:$0x0] =	wrdreg $0x0  }
0xa8: {  	s4 =	sshll.u32 s28, $0x1;
	[dreg:$0x2] =	wrdreg s2  }
0xa9: {  	[dreg:$0x3] =	wrdreg s4  }
0xaa: {  	[dreg:$0x4] =	wrdreg $0xC0  }
0xab: {  	_ =	task [dreg:s6], $0x5FFFF  }
0xac: {  	[dreg:$0x1] =	wrdreg $0xFFFFFFFF  }
0xad: {  	[dreg:$0x0] =	wrdreg $0x60  }
0xae: {  	[dreg:$0x2] =	wrdreg s24  }
0xaf: {  	[dreg:$0x3] =	wrdreg $0x92000  }
0xb0: {  	[dreg:$0x4] =	wrdreg $0x132000  }
0xb1: {  	[dreg:$0x5] =	wrdreg $0x9  }
0xb2: {  	_ =	task.clear_ibuf [dreg:s6], $0x6FFFF;
	_ =	strace $0x90000052  }
0xb3: {  	s29 =	simm.s32 $0x9;
	_ =	strace $0x80000054  }
0xb4: {  	_ =	swait.ge [sflag:s29], $0x1  }
0xb5: {  	[sflag:s29] =	ssyncadd.s32 $0xFFFFFFFF  }
0xb6: {  	_ =	strace $0x90000054  }
0xb7: {  	_ =	sfence  }
0xb8: {  	s30 =	sld [smem:$0x0];
	_ =	sdelay $0x2  }
0xb9: {  	s31 =	sshll.u32 s1, $0xD;
	s1 =	sshrl.u32 s1, $0x2  }
0xba: {  	s3 =	sand.u32 $0x4000, s31;
	s1 =	sadd.s32 s1, s30  }
0xbb: {  	s0 =	sor.u32 s3, s0;
	s1 =	sshll.u32 s1, $0x11  }
0xbc: {  	s0 =	sor.u32 s1, s0  }
0xbd: {  	s0 =	sadd.s32 $0x8F2B, s0  }
0xbe: {  	[sflag:s0] =	ssyncadd.remote.s32 $0x1  }
0xbf: {  	_ =	sfence.sel $0xFFFF  }
0xc0: {  	[dreg:$0x0] =	wrdreg $0xFFFFFFFF;
	(pc) =	sbr.abs _section_cstart, $3  }
0xc1: {  	[dreg:$0x1] =	wrdreg $0xFFFFFFFF  }
0xc2: {  	_ =	task.clear_ibuf [dreg:s6], $0x2FFFF;
	_ =	strace $0x9FFFFFFF  }
0xc3: {  	(tm) =	ssettm $0x7FFFFFFF  }
tec
execute0_lowered:
.L_overlay_start_1:
0x0: {  	(tag) =	ssettag $0x1  }
0x1: {  	s6 =	rddreg [dreg:$0x0]  }
0x2: {  	s2 =	rddreg [dreg:$0x1]  }
0x3: {  	s0 =	srdreg.scid;
	s3 =	rddreg [dreg:$0x2];
	s4 =	simm.s32 $0x0  }
0x4: {  	s12 =	simm.s32 $0x2900;
	s16 =	simm.s32 $0x80;
	s17 =	simm.s32 $0x5200  }
0x5: {  	s18 =	simm.s32 $0x7200;
	s19 =	simm.s32 $0x1;
	s20 =	simm.s32 $0x2  }
0x6: {  	s21 =	simm.s32 $0x0;
	s5 =	sand.u32 $0x1, s0;
	s0 =	stileid.u32  }
0x7: {  	[smem:$0x7FF] =	sst s4;
	s1 =	sshll.u32 s5, $0x4;
	s8 =	smul.u32 $0xA000, s0  }
0x8: {  	s9 =	smul.u32 $0xA0000, s5;
	s5 =	ssub.s32 $0x2, s5;
	s13 =	sshll.u32 s0, $0x6  }
0x9: {  	s1 =	sor.u32 s0, s1;
	s31 =	sshrl.u32 s5, $0x1;
	s13 =	sor.u32 $0x1C03, s13  }
0xa: {  	s7 =	smul.u32 $0x520, s1;
	s1 =	rddreg [dreg:$0x3];
	_ =	strace $0x80000053  }
0xb: {  	s9 =	sadd.s32 s8, s9;
	s10 =	sshrl.u32 s8, $0x3;
	s11 =	ssub.s32 s5, s31  }
0xc: {  	s14 =	sadd.s32 s8, s2;
	s15 =	sadd.s32 s8, s3;
	s9 =	sshrl.u32 s9, $0x3  }
0xd: {  	s10 =	sadd.s32 s10, s6;
	s14 =	sshrl.u32 s14, $0x3;
	s15 =	sshrl.u32 s15, $0x3  }
0xe: {  	s7 =	sadd.s32 s7, s6;
	s9 =	sadd.s32 s9, s6;
	s8 =	sadd.s32 $0x2D000, s10  }
0xf: {  	s5 =	sadd.s32 $0xEC00, s7;
	s6 =	sadd.s32 $0x4800, s7;
	s7 =	sadd.s32 $0x19000, s10  }
0x10: {  	s9 =	sadd.s32 $0x41000, s9;
	s10 =	smax.u32 s11, $0x1;
	s11 =	simm.s32 $0x3  }
.LBB2_1:
0x11: {  	[tilespmem:s4], [sflag:$0x3] =	stream.linear.gather [hbm4b:s5+s4], $0x2900, $0x38;
	[tilespmem:$0x1D200] =	vst v63  }
0x12: {  	_ =	swait.ge [sflag:s11], $0x2900  }
0x13: {  	[sflag:s11] =	ssyncset.done $0x0  }
0x14: {  	[sflag:s11] =	ssyncadd.s32 $0xFFFFD700  }
0x15: {  	[tilespmem:s12], [sflag:$0x3] =	stream.linear.gather [hbm4b:s6+s4], $0x2900, $0x38;
	[tilespmem:$0x1D200] =	vst v63  }
0x16: {  	_ =	swait.ge [sflag:s11], $0x2900  }
0x17: {  	[sflag:s11] =	ssyncset.done $0x0  }
0x18: {  	[sflag:s11] =	ssyncadd.s32 $0xFFFFD700  }
0x19: {  	[spmem:s14], [sflag:s13] =	dma.local [hbm:s7], $0x1400  }
0x1a: {  	_ =	swait.ge [sflag:s11], $0x1400  }
0x1b: {  	[sflag:s11] =	ssyncset.done $0x0  }
0x1c: {  	[sflag:s11] =	ssyncadd.s32 $0xFFFFEC00  }
0x1d: {  	[spmem:s15], [sflag:s13] =	dma.local [hbm:s8], $0x1400  }
0x1e: {  	_ =	swait.ge [sflag:s11], $0x1400  }
0x1f: {  	[sflag:s11] =	ssyncset.done $0x0  }
0x20: {  	[sflag:s11] =	ssyncadd.s32 $0xFFFFEC00  }
0x21: {  	[bflag:$0x0] =	sbarrier.arrive $0xFFFF  }
0x22: {  	[tilespmem:s17], [sflag:$0x1] =	stream.indirect.gather [spmem:s2], $0x40, s4, s16, $0xb8;
	[tilespmem:$0x1D200] =	vst v63  }
0x23: {  	s22 =	simm.s32 $0x80  }
0x24: {  	[tilespmem:s18], [sflag:$0x2] =	stream.indirect.gather [spmem:s2], $0x40, s22, s16, $0xb8;
	[tilespmem:$0x1D200] =	vst v63  }
0x25: {  	_ =	swait.ge [sflag:s19], $0x2000  }
0x26: {  	[sflag:s19] =	ssyncset.done $0x0  }
0x27: {  	s29 =	simm.s32 $0x2900;
	[sflag:s19] =	ssyncadd.s32 $0xFFFFE000  }
0x28: {  	[spmem:s3] =	stream.indirect.scatter.add.f32 [tilespmem:s17], [sflag:$0x3], $0x40, s29, s16, $0xb8;
	[tilespmem:$0x1D200] =	vst v63  }
0x29: {  	_ =	swait.ge [sflag:s11], $0x2000  }
0x2a: {  	[sflag:s11] =	ssyncset.done $0x0  }
0x2b: {  	s30 =	simm.s32 $0x100;
	[sflag:s11] =	ssyncadd.s32 $0xFFFFE000  }
0x2c: {  	[tilespmem:s17], [sflag:$0x1] =	stream.indirect.gather [spmem:s2], $0x40, s30, s16, $0xb8;
	[tilespmem:$0x1D200] =	vst v63  }
0x2d: {  	_ =	swait.ge [sflag:s20], $0x2000  }
0x2e: {  	[sflag:s20] =	ssyncset.done $0x0  }
0x2f: {  	s31 =	simm.s32 $0x2980;
	[sflag:s20] =	ssyncadd.s32 $0xFFFFE000  }
0x30: {  	[spmem:s3] =	stream.indirect.scatter.add.f32 [tilespmem:s18], [sflag:$0x3], $0x40, s31, s16, $0xb8;
	[tilespmem:$0x1D200] =	vst v63  }
0x31: {  	_ =	swait.ge [sflag:s11], $0x2000  }
0x32: {  	s23 =	simm.s32 $0x800;
	s22 =	simm.s32 $0x100;
	[sflag:s11] =	ssyncset.done $0x0  }
.LBB2_2:
0x33: {  	s24 =	sadd.s32 $0x80, s22  }
0x34: {  	[sflag:s11] =	ssyncadd.s32 $0xFFFFE000;
	s25 =	smov.u32 s23;
	s26 =	sadd.s32 $0x400, s23  }
0x35: {  	[tilespmem:s18], [sflag:$0x2] =	stream.indirect.gather [spmem:s2], $0x40, s24, s16, $0xb8;
	[tilespmem:$0x1D200] =	vst v63  }
0x36: {  	p0 =	sne.s32 s23, $0x9C00;
	_ =	swait.ge [sflag:s19], $0x2000  }
0x37: {  	[sflag:s19] =	ssyncset.done $0x0  }
0x38: {  	s23 =	sadd.s32 $0x2900, s22;
	[sflag:s19] =	ssyncadd.s32 $0xFFFFE000  }
0x39: {  	[spmem:s3] =	stream.indirect.scatter.add.f32 [tilespmem:s17], [sflag:$0x3], $0x40, s23, s16, $0xb8;
	[tilespmem:$0x1D200] =	vst v63  }
0x3a: {  	_ =	swait.ge [sflag:s11], $0x2000  }
0x3b: {  	[sflag:s11] =	ssyncset.done $0x0  }
0x3c: {  	s23 =	sadd.s32 $0x100, s22;
	[sflag:s11] =	ssyncadd.s32 $0xFFFFE000  }
0x3d: {  	[tilespmem:s17], [sflag:$0x1] =	stream.indirect.gather [spmem:s2], $0x40, s23, s16, $0xb8;
	[tilespmem:$0x1D200] =	vst v63  }
0x3e: {  	_ =	swait.ge [sflag:s20], $0x2000  }
.Ltmp0:
0x3f: {  	[sflag:s20] =	ssyncset.done $0x0;
	(pc) =	sbr.rel @p0 .LBB2_2-.Ltmp0, $4  }
0x40: {  	s22 =	sadd.s32 $0x2980, s22;
	[sflag:s20] =	ssyncadd.s32 $0xFFFFE000  }
0x41: {  	[spmem:s3] =	stream.indirect.scatter.add.f32 [tilespmem:s18], [sflag:$0x3], $0x40, s22, s16, $0xb8;
	[tilespmem:$0x1D200] =	vst v63  }
0x42: {  	_ =	swait.ge [sflag:s11], $0x2000  }
0x43: {  	s23 =	smov.u32 s26;
	s22 =	sshra.s32 s25, $0x2;
	[sflag:s11] =	ssyncset.done $0x0  }
0x44: {  	s23 =	sadd.s32 $0x80, s22;
	[sflag:s11] =	ssyncadd.s32 $0xFFFFE000  }
0x45: {  	[tilespmem:s18], [sflag:$0x2] =	stream.indirect.gather [spmem:s2], $0x40, s23, s16, $0xb8;
	[tilespmem:$0x1D200] =	vst v63  }
0x46: {  	_ =	swait.ge [sflag:s19], $0x2000  }
0x47: {  	[sflag:s19] =	ssyncset.done $0x0  }
0x48: {  	s29 =	sadd.s32 $0x2900, s22;
	[sflag:s19] =	ssyncadd.s32 $0xFFFFE000  }
0x49: {  	[spmem:s3] =	stream.indirect.scatter.add.f32 [tilespmem:s17], [sflag:$0x3], $0x40, s29, s16, $0xb8;
	[tilespmem:$0x1D200] =	vst v63  }
0x4a: {  	_ =	swait.ge [sflag:s11], $0x2000  }
0x4b: {  	[sflag:s11] =	ssyncset.done $0x0  }
0x4c: {  	s30 =	sadd.s32 $0x100, s22;
	[sflag:s11] =	ssyncadd.s32 $0xFFFFE000  }
0x4d: {  	[tilespmem:s17], [sflag:$0x1] =	stream.indirect.gather [spmem:s2], $0x40, s30, s16, $0xb8;
	[tilespmem:$0x1D200] =	vst v63  }
0x4e: {  	_ =	swait.ge [sflag:s20], $0x2000  }
0x4f: {  	[sflag:s20] =	ssyncset.done $0x0  }
0x50: {  	s31 =	sadd.s32 $0x2980, s22;
	[sflag:s20] =	ssyncadd.s32 $0xFFFFE000  }
0x51: {  	[spmem:s3] =	stream.indirect.scatter.add.f32 [tilespmem:s18], [sflag:$0x3], $0x40, s31, s16, $0xb8;
	[tilespmem:$0x1D200] =	vst v63  }
0x52: {  	_ =	swait.ge [sflag:s11], $0x2000  }
0x53: {  	[sflag:s11] =	ssyncset.done $0x0  }
0x54: {  	[sflag:s11] =	ssyncadd.s32 $0xFFFFE000  }
0x55: {  	_ =	swait.ge [sflag:s19], $0x2000  }
0x56: {  	s21 =	sadd.s32 $0x1, s21;
	[sflag:s19] =	ssyncset.done $0x0  }
0x57: {  	p0 =	sne.s32 s21, s10;
	[sflag:s19] =	ssyncadd.s32 $0xFFFFE000  }
.Ltmp1:
0x58: {  	[bflag:$0x0] =	sbarrier.arrive $0xFFFF;
	(pc) =	sbr.rel @p0 .LBB2_1-.Ltmp1, $4  }
0x59: {  	[hbm:s9], [sflag:s13] =	dma.local [spmem:s15], $0x1400  }
0x5a: {  	_ =	swait.ge [sflag:s11], $0x1400  }
0x5b: {  	[sflag:s11] =	ssyncset.done $0x0  }
0x5c: {  	[sflag:s11] =	ssyncadd.s32 $0xFFFFEC00  }
0x5d: {  	_ =	sfence.sel $0x180000  }
0x5e: {  	[bflag:$0x0] =	sbarrier.arrive $0xFFFF  }
0x5f: {  	p0 =	sne.s32 s0, $0x0;
	_ =	strace $0x90000053  }
0x60: {  	s0 =	sadd.s32 @!p0 $0x100000, s1;
	[bflag:$0x2] =	sbarrier.arrive $0xFFFF  }
0x61: {  	[sflag:s0] =	ssyncadd.tile.s32 @!p0 $0x1;
	_ =	shalt  }
.Lfunc_end2:
_tile_overlayer_lowered:
.L_overlay_start_2:
0x62: {  	(tag) =	ssettag $0x2  }
0x63: {  	s0 =	rddreg [dreg:$0x0];
	s2 =	stileid.u32  }
0x64: {  	s1 =	rddreg [dreg:$0x1];
	p0 =	sne.s32 s2, $0x0  }
0x65: {  	s3 =	rddreg [dreg:$0x2];
	[bflag:$0x3] =	sbarrier.arrive $0xFFFF;
	s2 =	simm.s32 @!p0 $0x1C03  }
0x66: {  	[timem:s3], [sflag:s2] =	dma.local @!p0 [hbm:s0], s1  }
0x67: {  	s0 =	simm.s32 @!p0 $0x3  }
0x68: {  	_ =	swait.ge @!p0 [sflag:s0], s1  }
0x69: {  	s1 =	ssub.s32 @!p0 $0x0, s1;
	[sflag:s0] =	ssyncset.done @!p0 $0x0  }
0x6a: {  	[sflag:s0] =	ssyncadd.s32 @!p0 s1  }
0x6b: {  	[bflag:$0x3] =	sbarrier.arrive $0xFFFF  }
0x6c: {  	_ =	shalt  }

</sc_bundles>
